<compile_context>
chip_gen: v7x
topology: tpu7x:2x2x1
jax: 0.10.2.dev20260603
libtpu: 0.0.44.dev20260713+nightly
codegen_flags: <defaults>
</compile_context>

<pallas_src>
import functools
import numpy as np
import jax
import jax.numpy as jnp
from jax import lax
from jax.experimental import pallas as pl
from jax.experimental.pallas import tpu as pltpu
from jax.experimental.pallas import tpu_sc as plsc

NSAMPLE = 32
TM = 128
TN = 2048
EPS = 1e-5


NSEG = 32
SEGW = 256
NPOP = 2
JPASS = 16
SLOTS = 32
T1PASS = 4
INF = np.float32(np.inf)


def _topk_kernel(xyz4_ref, cen_ref, idx_ref, v3_ref, bufv_ref, bufi_ref,
                 *, P, k):
    b = pl.program_id(0)
    f32 = jnp.float32
    bf = jnp.bfloat16

    px = xyz4_ref[0, 0]
    py = xyz4_ref[0, 1]
    pz = xyz4_ref[0, 2]
    c2 = (px * px + py * py + pz * pz).reshape(NSEG, 1, SEGW)
    cx = cen_ref[0, :, 0].reshape(1, TM, 1)
    cy = cen_ref[0, :, 1].reshape(1, TM, 1)
    cz = cen_ref[0, :, 2].reshape(1, TM, 1)
    a2 = cx * cx + cy * cy + cz * cz
    dot = (cx.astype(bf).astype(f32) * px.astype(bf).astype(f32).reshape(NSEG, 1, SEGW)
           + cy.astype(bf).astype(f32) * py.astype(bf).astype(f32).reshape(NSEG, 1, SEGW)
           + cz.astype(bf).astype(f32) * pz.astype(bf).astype(f32).reshape(NSEG, 1, SEGW))
    v3_ref[...] = jnp.sqrt(jnp.maximum(a2 + c2 - 2.0 * dot, 0.0))

    bufv_ref[...] = jnp.full((SLOTS, NSEG, TM), INF, f32)

    lane_iota = lax.broadcasted_iota(jnp.int32, (NSEG, TM, SEGW), 2)
    seg_iota = lax.broadcasted_iota(jnp.int32, (NSEG, TM), 0)

    def pop_once(v, smin):
        eq = v == smin[:, :, None]
        sidx = jnp.min(jnp.where(eq, lane_iota, SEGW), axis=2)
        vnew = jnp.where(lane_iota == sidx[:, :, None], INF, v)
        return vnew, seg_iota * SEGW + sidx

    def cond(c):
        j, done = c
        return jnp.logical_and(j < JPASS, jnp.logical_not(done))

    def body(c):
        j, _ = c
        v = v3_ref[...]
        smin1 = jnp.min(v, axis=2)
        remmin = jnp.min(smin1, axis=0)
        cnt = jnp.sum((bufv_ref[...] < remmin[None, None, :]).astype(jnp.int32),
                      axis=(0, 1))
        done = jnp.all(cnt >= k)

        @pl.when(jnp.logical_not(done))
        def _append():
            vc = v
            smin = smin1
            for t in range(NPOP):
                vc, gidx = pop_once(vc, smin)
                bufv_ref[pl.ds(NPOP * j + t, 1)] = smin[None]
                bufi_ref[pl.ds(NPOP * j + t, 1)] = gidx[None]
                if t + 1 < NPOP:
                    smin = jnp.min(vc, axis=2)
            v3_ref[...] = vc

        return j + 1, done

    j_final, _ = lax.while_loop(cond, body, (jnp.int32(0), jnp.bool_(False)))

    def merge(bv, bi):
        cols = []
        for _ in range(k):
            m = jnp.min(bv, axis=(0, 1))
            am = jnp.min(jnp.where(bv == m[None, None, :], bi, P), axis=(0, 1))
            cols.append((am + b * P).reshape(1, TM))
            bv = jnp.where(bi == am[None, None, :], INF, bv)
        idx_ref[0, :, :] = jnp.concatenate(cols, axis=0)

    @pl.when(j_final <= T1PASS)
    def _fast():
        merge(bufv_ref[0:NPOP * T1PASS], bufi_ref[0:NPOP * T1PASS])

    @pl.when(j_final > T1PASS)
    def _slow():
        merge(bufv_ref[...], bufi_ref[...])


def _run_topk(xyz4, centers, B, M, P, k):
    grid = (B, M // TM)
    return pl.pallas_call(
        functools.partial(_topk_kernel, P=P, k=k),
        grid=grid,
        in_specs=[
            pl.BlockSpec((1, 3, NSEG, SEGW), lambda b, mt: (b, 0, 0, 0)),
            pl.BlockSpec((1, TM, 3), lambda b, mt: (b, mt, 0)),
        ],
        out_specs=pl.BlockSpec((1, k, TM), lambda b, mt: (b, 0, mt)),
        out_shape=jax.ShapeDtypeStruct((B, k, M), jnp.int32),
        scratch_shapes=[
            pltpu.VMEM((NSEG, TM, SEGW), jnp.float32),
            pltpu.VMEM((SLOTS, NSEG, TM), jnp.float32),
            pltpu.VMEM((SLOTS, NSEG, TM), jnp.int32),
        ],
    )(xyz4, centers)


def _run_gather(table, idx_flat, n_rows, D):
    info = plsc.get_sparse_core_info()
    NW = info.num_cores * info.num_subcores
    CH = 128
    per_w = n_rows // NW
    n_ch = per_w // CH
    mesh = plsc.VectorSubcoreMesh(core_axis_name="c", subcore_axis_name="s")

    @functools.partial(
        pl.kernel, mesh=mesh,
        out_type=jax.ShapeDtypeStruct((n_rows, D), jnp.float32),
        scratch_types=[
            pltpu.VMEM((CH,), jnp.int32),
            pltpu.VMEM((CH, D), jnp.float32),
            pltpu.SemaphoreType.DMA,
        ],
    )
    def gather_k(table_hbm, idx_hbm, out_hbm, idx_v, rows_v, sem):
        wid = lax.axis_index("s") * info.num_cores + lax.axis_index("c")
        base = wid * per_w

        def body(i, _):
            off = base + i * CH
            pltpu.sync_copy(idx_hbm.at[pl.ds(off, CH)], idx_v)
            pltpu.async_copy(table_hbm.at[idx_v], rows_v, sem).wait()
            pltpu.sync_copy(rows_v, out_hbm.at[pl.ds(off, CH)])
            return 0

        lax.fori_loop(0, n_ch, body, 0)

    return gather_k(table, idx_flat)


def _stats1_kernel(x_ref, crep_ref, w1p_ref, w1xT_ref, b1_ref, s_ref):
    y1 = (jnp.dot(x_ref[...], w1p_ref[...], preferred_element_type=jnp.float32)
          - jnp.dot(crep_ref[...], w1xT_ref[...], preferred_element_type=jnp.float32)
          + b1_ref[...])
    s = jnp.sum(y1, axis=0, keepdims=True)
    ss = jnp.sum(y1 * y1, axis=0, keepdims=True)
    tile = jnp.concatenate([s, ss], axis=0)

    @pl.when(pl.program_id(0) == 0)
    def _init():
        s_ref[...] = jnp.zeros_like(s_ref)

    s_ref[...] += tile


def _run_stats1(x, crep, W1pad, W1xT, b1, N, D, C1):
    grid = (N // TN,)
    return pl.pallas_call(
        _stats1_kernel,
        grid=grid,
        in_specs=[
            pl.BlockSpec((TN, D), lambda i: (i, 0)),
            pl.BlockSpec((TN, 3), lambda i: (i, 0)),
            pl.BlockSpec((D, C1), lambda i: (0, 0)),
            pl.BlockSpec((3, C1), lambda i: (0, 0)),
            pl.BlockSpec((1, C1), lambda i: (0, 0)),
        ],
        out_specs=pl.BlockSpec((2, C1), lambda i: (0, 0)),
        out_shape=jax.ShapeDtypeStruct((2, C1), jnp.float32),
    )(x, crep, W1pad, W1xT, b1)


def _layer2_kernel(x_ref, crep_ref, w1p_ref, w1xT_ref, b1_ref, g1_ref, be1_ref,
                   s1_ref, w2T_ref, b2_ref, s2_ref, ymax_ref, ymin_ref,
                   *, N, k):
    s1 = s1_ref[0:1, :]
    ss1 = s1_ref[1:2, :]
    mean1 = s1 / N
    var1 = ss1 / N - mean1 * mean1
    a1 = g1_ref[...] * lax.rsqrt(var1 + EPS)
    d1 = be1_ref[...] - mean1 * a1

    y1 = (jnp.dot(x_ref[...], w1p_ref[...], preferred_element_type=jnp.float32)
          - jnp.dot(crep_ref[...], w1xT_ref[...], preferred_element_type=jnp.float32)
          + b1_ref[...])
    h = jnp.maximum(y1 * a1 + d1, 0.0)
    y2 = jnp.dot(h, w2T_ref[...], preferred_element_type=jnp.float32) + b2_ref[...]

    s = jnp.sum(y2, axis=0, keepdims=True)
    ss = jnp.sum(y2 * y2, axis=0, keepdims=True)
    tile = jnp.concatenate([s, ss], axis=0)

    @pl.when(pl.program_id(0) == 0)
    def _init():
        s2_ref[...] = jnp.zeros_like(s2_ref)

    s2_ref[...] += tile

    C2 = y2.shape[-1]
    y2g = y2.reshape(TN // k, k, C2)
    ymax_ref[...] = jnp.max(y2g, axis=1)
    ymin_ref[...] = jnp.min(y2g, axis=1)


def _run_layer2(x, crep, W1pad, W1xT, b1, g1, be1, s1, W2T, b2, N, D, C1, C2, k):
    grid = (N // TN,)
    return pl.pallas_call(
        functools.partial(_layer2_kernel, N=N, k=k),
        grid=grid,
        in_specs=[
            pl.BlockSpec((TN, D), lambda i: (i, 0)),
            pl.BlockSpec((TN, 3), lambda i: (i, 0)),
            pl.BlockSpec((D, C1), lambda i: (0, 0)),
            pl.BlockSpec((3, C1), lambda i: (0, 0)),
            pl.BlockSpec((1, C1), lambda i: (0, 0)),
            pl.BlockSpec((1, C1), lambda i: (0, 0)),
            pl.BlockSpec((1, C1), lambda i: (0, 0)),
            pl.BlockSpec((2, C1), lambda i: (0, 0)),
            pl.BlockSpec((C1, C2), lambda i: (0, 0)),
            pl.BlockSpec((1, C2), lambda i: (0, 0)),
        ],
        out_specs=[
            pl.BlockSpec((2, C2), lambda i: (0, 0)),
            pl.BlockSpec((TN // k, C2), lambda i: (i, 0)),
            pl.BlockSpec((TN // k, C2), lambda i: (i, 0)),
        ],
        out_shape=[
            jax.ShapeDtypeStruct((2, C2), jnp.float32),
            jax.ShapeDtypeStruct((N // k, C2), jnp.float32),
            jax.ShapeDtypeStruct((N // k, C2), jnp.float32),
        ],
    )(x, crep, W1pad, W1xT, b1, g1, be1, s1, W2T, b2)


def _final_kernel(ymax_ref, ymin_ref, s2_ref, g2_ref, be2_ref, out_ref, *, N):
    s2 = s2_ref[0:1, :]
    ss2 = s2_ref[1:2, :]
    mean2 = s2 / N
    var2 = ss2 / N - mean2 * mean2
    a2 = g2_ref[...] * lax.rsqrt(var2 + EPS)
    d2 = be2_ref[...] - mean2 * a2
    sel = jnp.where(a2 >= 0.0, ymax_ref[...], ymin_ref[...])
    out_ref[...] = jnp.maximum(sel * a2 + d2, 0.0)


def _run_final(ymax, ymin, s2, g2, be2, N, C2, TF=1024):
    M_all = ymax.shape[0]
    grid = (M_all // TF,)
    return pl.pallas_call(
        functools.partial(_final_kernel, N=N),
        grid=grid,
        in_specs=[
            pl.BlockSpec((TF, C2), lambda i: (i, 0)),
            pl.BlockSpec((TF, C2), lambda i: (i, 0)),
            pl.BlockSpec((2, C2), lambda i: (0, 0)),
            pl.BlockSpec((1, C2), lambda i: (0, 0)),
            pl.BlockSpec((1, C2), lambda i: (0, 0)),
        ],
        out_specs=pl.BlockSpec((TF, C2), lambda i: (i, 0)),
        out_shape=jax.ShapeDtypeStruct((M_all, C2), jnp.float32),
    )(ymax, ymin, s2, g2, be2)


@jax.jit
def kernel(xyz, feats, W1, bi1, g1, be1, W2, bi2, g2, be2):
    B, P, _ = xyz.shape
    C = feats.shape[1]
    M = max(1, P // 4)
    k = min(NSAMPLE, P)
    N = B * M * k
    D = 128
    C1 = W1.shape[0]
    C2 = W2.shape[0]

    idx_center = jnp.linspace(0.0, float(P - 1), M).astype(jnp.int32)
    centers = xyz[:, idx_center, :]

    xyz4 = jnp.transpose(xyz, (0, 2, 1)).reshape(B, 3, NSEG, SEGW)
    idx_g = _run_topk(xyz4, centers, B, M, P, k)
    idx_g = jnp.transpose(idx_g, (0, 2, 1))

    feats_perm = jnp.transpose(feats, (0, 2, 1))
    table = jnp.concatenate(
        [feats_perm, xyz, jnp.zeros((B, P, D - C - 3), jnp.float32)], axis=2
    ).reshape(B * P, D)
    idx_flat = idx_g.reshape(N)
    x = _run_gather(table, idx_flat, N, D)

    W1pad = jnp.concatenate(
        [W1[:, 3:3 + C].T, W1[:, 0:3].T, jnp.zeros((D - C - 3, C1), jnp.float32)],
        axis=0)
    W1xT = W1[:, 0:3].T
    W2T = W2.T
    b1 = bi1.reshape(1, C1)
    g1r = g1.reshape(1, C1)
    be1r = be1.reshape(1, C1)
    b2 = bi2.reshape(1, C2)
    g2r = g2.reshape(1, C2)
    be2r = be2.reshape(1, C2)
    crep = jnp.repeat(centers.reshape(B * M, 3), k, axis=0)

    s1 = _run_stats1(x, crep, W1pad, W1xT, b1, N, D, C1)
    s2, ymax, ymin = _run_layer2(x, crep, W1pad, W1xT, b1, g1r, be1r, s1,
                                 W2T, b2, N, D, C1, C2, k)
    pooled = _run_final(ymax, ymin, s2, g2r, be2r, N, C2)

    out = jnp.transpose(pooled.reshape(B, M, C2), (0, 2, 1))
    return centers, out

# --- scband reference (transcript-rebuilt; emitter-appended) ---
"""Pipeline reference for scband-sa-layer-8813272891496 (READ-ONLY COPY).

The authoritative reference and input builder live on the scoring server;
editing this copy changes nothing except your own understanding.
"""

import jax, jax.numpy as jnp
import numpy as np

NSAMPLE = 32


def setup_inputs(seed: int = 0) -> dict:
    key = jax.random.key(seed)
    ks = jax.random.split(key, 6)
    xyz = jax.random.uniform(ks[0], (4, 8192, 3), dtype=jnp.float32)
    feats = jax.random.normal(ks[1], (4, 64, 8192), dtype=jnp.float32)
    # MLP1d(in_ch + 3 = 67, mlp=[64, 128]) parameters
    W1 = jax.random.normal(ks[2], (64, 67), dtype=jnp.float32) * 0.1
    bi1 = jnp.zeros((64,), dtype=jnp.float32)
    g1 = jnp.ones((64,), dtype=jnp.float32)
    be1 = jnp.zeros((64,), dtype=jnp.float32)
    W2 = jax.random.normal(ks[3], (128, 64), dtype=jnp.float32) * 0.1
    bi2 = jnp.zeros((128,), dtype=jnp.float32)
    g2 = jnp.ones((128,), dtype=jnp.float32)
    be2 = jnp.zeros((128,), dtype=jnp.float32)
    return {"xyz": xyz, "feats": feats, "W1": W1, "bi1": bi1, "g1": g1, "be1": be1,
            "W2": W2, "bi2": bi2, "g2": g2, "be2": be2}


def _conv_bn_relu(x, W, b, g, be):
    # Conv1d kernel-size-1 == per-position matmul; BatchNorm1d in train mode (batch stats, biased var)
    y = jnp.einsum('oi,bik->bok', W, x) + b[None, :, None]
    mean = jnp.mean(y, axis=(0, 2), keepdims=True)
    var = jnp.var(y, axis=(0, 2), keepdims=True)
    yn = (y - mean) / jnp.sqrt(var + 1e-5)
    yn = yn * g[None, :, None] + be[None, :, None]
    return jax.nn.relu(yn)


def _forward(xyz, feats, W1, bi1, g1, be1, W2, bi2, g2, be2):
    B, P, _ = xyz.shape
    M = max(1, P // 4)
    # torch.linspace(0, P-1, M).to(long): float linspace then truncate
    idx_center = jnp.linspace(0.0, float(P - 1), M).astype(jnp.int32)
    centers = xyz[:, idx_center, :]  # (B, M, 3)
    # knn via cdist + smallest-k
    a2 = jnp.sum(centers * centers, axis=-1)  # (B, M)
    c2 = jnp.sum(xyz * xyz, axis=-1)          # (B, P)
    d2 = a2[:, :, None] + c2[:, None, :] - 2.0 * jnp.einsum('bmc,bpc->bmp', centers, xyz)
    d = jnp.sqrt(jnp.maximum(d2, 0.0))        # (B, M, P)
    k = min(NSAMPLE, P)
    _, idx_knn = jax.lax.top_k(-d, k)         # smallest distances -> (B, M, k)
    batch = jnp.arange(B)[:, None, None]
    neigh_xyz = xyz[batch, idx_knn, :]        # (B, M, k, 3)
    local_xyz = neigh_xyz - centers[:, :, None, :]
    local_xyz = jnp.transpose(local_xyz, (0, 1, 3, 2))  # (B, M, 3, k)
    feats_perm = jnp.transpose(feats, (0, 2, 1))        # (B, P, C)
    neigh_f = feats_perm[batch, idx_knn, :]             # (B, M, k, C)
    neigh_f = jnp.transpose(neigh_f, (0, 1, 3, 2))      # (B, M, C, k)
    cat = jnp.concatenate([local_xyz, neigh_f], axis=2)  # (B, M, 3+C, k)
    Bm, Mm, Cm, K = cat.shape
    x = cat.reshape(Bm * Mm, Cm, K)
    x = _conv_bn_relu(x, W1, bi1, g1, be1)
    x = _conv_bn_relu(x, W2, bi2, g2, be2)
    out = jnp.max(x, axis=-1)                # (B*M, 128)
    out = out.reshape(Bm, Mm, -1)
    out = jnp.transpose(out, (0, 2, 1))      # (B, 128, M)
    return centers, out


def reference(xyz, feats, W1, bi1, g1, be1, W2, bi2, g2, be2):
    return _forward(xyz, feats, W1, bi1, g1, be1, W2, bi2, g2, be2)

if __name__ == "__main__":
    import jax
    _d = setup_inputs()
    print(jax.jit(kernel)(*tuple(_d.values())))

</pallas_src>

<mosaic_0001>
#map = affine_map<(d0, d1) -> (0, 0)>
#map1 = affine_map<(d0, d1) -> (0)>
module attributes {stable_mosaic.version = 14 : i64} {
  func.func @gather_k(%arg0: i32, %arg1: i32, %arg2: memref<32768x128xf32, #tpu.memory_space<hbm>>, %arg3: memref<262144xi32, #tpu.memory_space<hbm>>, %arg4: memref<262144x128xf32, #tpu.memory_space<hbm>>, %arg5: memref<128xi32, #tpu.memory_space<vmem>>, %arg6: memref<128x128xf32, #tpu.memory_space<vmem>>, %arg7: memref<!tpu.dma_semaphore, #tpu.memory_space<semaphore_mem>>) attributes {dimension_semantics = [#tpu.dimension_semantics<core_parallel>, #tpu.dimension_semantics<subcore_parallel>], iteration_bounds = array<i64: 2, 16>, scalar_prefetch = 0 : i64, scratch_operands = 3 : i64, tpu.core_type = #tpu.core_type<sc_vector_subcore>, window_params = [{transform_indices = #map}, {transform_indices = #map1}, {transform_indices = #map}]} {
    %mul3A = arith.constant 2 : i32
    %mul3A_0 = arith.muli %arg1, %mul3A : i32
    %add3A = arith.addi %mul3A_0, %arg0 : i32
    %mul3A_1 = arith.constant 8192 : i32
    %mul3A_2 = arith.muli %add3A, %mul3A_1 : i32
    %scan3A = arith.constant 0 : i32
    %scan3A_3 = arith.constant 0 : i32
    %scan3A_4 = arith.constant 64 : i32
    %scan3A_5 = arith.addi %scan3A_3, %scan3A_4 : i32
    %scan3A_6 = arith.constant 1 : i32
    %scan3A_7 = scf.for %scan3A_9 = %scan3A_3 to %scan3A_5 step %scan3A_6 iter_args(%scan3A_10 = %scan3A) -> (i32)  : i32 {
      %mul3A_11 = arith.constant 128 : i32
      %mul3A_12 = arith.muli %scan3A_9, %mul3A_11 : i32
      %add3A_13 = arith.addi %mul3A_2, %mul3A_12 : i32
      "tpu.region"() ({
        %run_scoped3A = tpu.sem_alloc : memref<!tpu.dma_semaphore, #tpu.memory_space<semaphore_mem>>
        %dma_start3A_19 = tpu.memref_slice %arg3[%add3A_13] : memref<262144xi32, #tpu.memory_space<hbm>> -> memref<128xi32, #tpu.memory_space<hbm>>
        %dma_start3A_20 = tpu.memref_slice %arg3[%add3A_13] : memref<262144xi32, #tpu.memory_space<hbm>> -> memref<128xi32, #tpu.memory_space<hbm>>
        tpu.enqueue_dma source(%dma_start3A_20 : memref<128xi32, #tpu.memory_space<hbm>>) target(%arg5 : memref<128xi32, #tpu.memory_space<vmem>>) target_semaphore(%run_scoped3A : memref<!tpu.dma_semaphore, #tpu.memory_space<semaphore_mem>>)
        %dma_wait3A_21 = tpu.memref_slice %arg3[%add3A_13] : memref<262144xi32, #tpu.memory_space<hbm>> -> memref<128xi32, #tpu.memory_space<hbm>>
        %dma_wait3A_22 = tpu.memref_slice %arg3[%add3A_13] : memref<262144xi32, #tpu.memory_space<hbm>> -> memref<128xi32, #tpu.memory_space<hbm>>
        tpu.wait_dma2 semaphore(%run_scoped3A : memref<!tpu.dma_semaphore, #tpu.memory_space<semaphore_mem>>) src(%dma_wait3A_22 : memref<128xi32, #tpu.memory_space<hbm>>) dst(%arg5 : memref<128xi32, #tpu.memory_space<vmem>>)
        tpu.yield
      }) : () -> ()
      %dma_start3A = arith.constant 0 : i32
      %dma_start3A_14 = arith.constant 0 : i32
      %dma_start3A_15 = tpu.memref_slice %arg2[%dma_start3A, %dma_start3A_14] : memref<32768x128xf32, #tpu.memory_space<hbm>> -> memref<32768x128xf32, #tpu.memory_space<hbm>>
      tpu.enqueue_indirect_dma source(%dma_start3A_15 : memref<32768x128xf32, #tpu.memory_space<hbm>>) target(%arg6 : memref<128x128xf32, #tpu.memory_space<vmem>>) offsets(%arg5 : memref<128xi32, #tpu.memory_space<vmem>>) semaphore(%arg7 : memref<!tpu.dma_semaphore, #tpu.memory_space<semaphore_mem>>)
      %dma_wait3A = arith.constant 0 : i32
      %dma_wait3A_16 = arith.constant 0 : i32
      %dma_wait3A_17 = tpu.memref_slice %arg2[%dma_wait3A, %dma_wait3A_16] : memref<32768x128xf32, #tpu.memory_space<hbm>> -> memref<32768x128xf32, #tpu.memory_space<hbm>>
      tpu.wait_indirect_dma semaphore(%arg7 : memref<!tpu.dma_semaphore, #tpu.memory_space<semaphore_mem>>) src(%dma_wait3A_17 : memref<32768x128xf32, #tpu.memory_space<hbm>>) dst(%arg6 : memref<128x128xf32, #tpu.memory_space<vmem>>)
      "tpu.region"() ({
        %run_scoped3A = tpu.sem_alloc : memref<!tpu.dma_semaphore, #tpu.memory_space<semaphore_mem>>
        %dma_start3A_19 = arith.constant 0 : i32
        %dma_start3A_20 = tpu.memref_slice %arg4[%add3A_13, %dma_start3A_19] : memref<262144x128xf32, #tpu.memory_space<hbm>> -> memref<128x128xf32, #tpu.memory_space<hbm>>
        %dma_start3A_21 = arith.constant 0 : i32
        %dma_start3A_22 = tpu.memref_slice %arg4[%add3A_13, %dma_start3A_21] : memref<262144x128xf32, #tpu.memory_space<hbm>> -> memref<128x128xf32, #tpu.memory_space<hbm>>
        tpu.enqueue_dma source(%arg6 : memref<128x128xf32, #tpu.memory_space<vmem>>) target(%dma_start3A_22 : memref<128x128xf32, #tpu.memory_space<hbm>>) target_semaphore(%run_scoped3A : memref<!tpu.dma_semaphore, #tpu.memory_space<semaphore_mem>>)
        %dma_wait3A_23 = arith.constant 0 : i32
        %dma_wait3A_24 = tpu.memref_slice %arg4[%add3A_13, %dma_wait3A_23] : memref<262144x128xf32, #tpu.memory_space<hbm>> -> memref<128x128xf32, #tpu.memory_space<hbm>>
        %dma_wait3A_25 = arith.constant 0 : i32
        %dma_wait3A_26 = tpu.memref_slice %arg4[%add3A_13, %dma_wait3A_25] : memref<262144x128xf32, #tpu.memory_space<hbm>> -> memref<128x128xf32, #tpu.memory_space<hbm>>
        tpu.wait_dma2 semaphore(%run_scoped3A : memref<!tpu.dma_semaphore, #tpu.memory_space<semaphore_mem>>) src(%arg6 : memref<128x128xf32, #tpu.memory_space<vmem>>) dst(%dma_wait3A_26 : memref<128x128xf32, #tpu.memory_space<hbm>>)
        tpu.yield
      }) : () -> ()
      %scan3A_18 = arith.constant 0 : i32
      scf.yield %scan3A_18 : i32
    }
    %scan3A_8 = arith.constant 64 : i32
    return
  }
}

module attributes {stable_mosaic.version = 14 : i64} {
  func.func @_topk_kernel(%arg0: i32, %arg1: i32, %arg2: memref<1x3x32x256xf32, #tpu.memory_space<vmem>>, %arg3: memref<1x128x3xf32, #tpu.memory_space<vmem>>, %arg4: memref<1x32x128xi32, #tpu.memory_space<vmem>>, %arg5: memref<32x128x256xf32, #tpu.memory_space<vmem>>, %arg6: memref<32x32x128xf32, #tpu.memory_space<vmem>>, %arg7: memref<32x32x128xi32, #tpu.memory_space<vmem>>) attributes {dimension_semantics = [#tpu.dimension_semantics<arbitrary>, #tpu.dimension_semantics<arbitrary>], iteration_bounds = array<i64: 4, 16>, scalar_prefetch = 0 : i64, scratch_operands = 3 : i64, tpu.core_type = #tpu.core_type<tc>, window_params = [{transform_indices = @transform_0, window_bounds = array<i64: 1, 3, 32, 256>}, {transform_indices = @transform_1, window_bounds = array<i64: 1, 128, 3>}, {transform_indices = @transform_2, window_bounds = array<i64: 1, 32, 128>}]} {
    %get3A = arith.constant 0 : index
    %get3A_0 = arith.constant 0 : index
    %get3A_1 = arith.constant 0 : index
    %get3A_2 = arith.constant 0 : index
    %get3A_3 = vector.load %arg2[%get3A, %get3A_0, %get3A_1, %get3A_2] : memref<1x3x32x256xf32, #tpu.memory_space<vmem>>, vector<1x1x32x256xf32>
    %get3A_4 = vector.shape_cast %get3A_3 : vector<1x1x32x256xf32> to vector<32x256xf32>
    %get3A_5 = arith.constant 0 : index
    %get3A_6 = arith.constant 1 : index
    %get3A_7 = arith.constant 0 : index
    %get3A_8 = arith.constant 0 : index
    %get3A_9 = vector.load %arg2[%get3A_5, %get3A_6, %get3A_7, %get3A_8] : memref<1x3x32x256xf32, #tpu.memory_space<vmem>>, vector<1x1x32x256xf32>
    %get3A_10 = vector.shape_cast %get3A_9 : vector<1x1x32x256xf32> to vector<32x256xf32>
    %get3A_11 = arith.constant 0 : index
    %get3A_12 = arith.constant 2 : index
    %get3A_13 = arith.constant 0 : index
    %get3A_14 = arith.constant 0 : index
    %get3A_15 = vector.load %arg2[%get3A_11, %get3A_12, %get3A_13, %get3A_14] : memref<1x3x32x256xf32, #tpu.memory_space<vmem>>, vector<1x1x32x256xf32>
    %get3A_16 = vector.shape_cast %get3A_15 : vector<1x1x32x256xf32> to vector<32x256xf32>
    %mul3A = arith.mulf %get3A_4, %get3A_4 : vector<32x256xf32>
    %mul3A_17 = arith.mulf %get3A_10, %get3A_10 : vector<32x256xf32>
    %add3A = arith.addf %mul3A, %mul3A_17 : vector<32x256xf32>
    %mul3A_18 = arith.mulf %get3A_16, %get3A_16 : vector<32x256xf32>
    %add3A_19 = arith.addf %add3A, %mul3A_18 : vector<32x256xf32>
    %reshape3A = vector.shape_cast %add3A_19 : vector<32x256xf32> to vector<32x1x256xf32>
    %get3A_20 = arith.constant 0 : index
    %get3A_21 = arith.constant 0 : index
    %get3A_22 = arith.constant 0 : index
    %get3A_23 = vector.load %arg3[%get3A_20, %get3A_21, %get3A_22] : memref<1x128x3xf32, #tpu.memory_space<vmem>>, vector<1x128x1xf32>
    %get3A_24 = vector.shape_cast %get3A_23 : vector<1x128x1xf32> to vector<128xf32>
    %reshape3A_25 = vector.shape_cast %get3A_24 : vector<128xf32> to vector<1x128x1xf32>
    %get3A_26 = arith.constant 0 : index
    %get3A_27 = arith.constant 0 : index
    %get3A_28 = arith.constant 1 : index
    %get3A_29 = vector.load %arg3[%get3A_26, %get3A_27, %get3A_28] : memref<1x128x3xf32, #tpu.memory_space<vmem>>, vector<1x128x1xf32>
    %get3A_30 = vector.shape_cast %get3A_29 : vector<1x128x1xf32> to vector<128xf32>
    %reshape3A_31 = vector.shape_cast %get3A_30 : vector<128xf32> to vector<1x128x1xf32>
    %get3A_32 = arith.constant 0 : index
    %get3A_33 = arith.constant 0 : index
    %get3A_34 = arith.constant 2 : index
    %get3A_35 = vector.load %arg3[%get3A_32, %get3A_33, %get3A_34] : memref<1x128x3xf32, #tpu.memory_space<vmem>>, vector<1x128x1xf32>
    %get3A_36 = vector.shape_cast %get3A_35 : vector<1x128x1xf32> to vector<128xf32>
    %reshape3A_37 = vector.shape_cast %get3A_36 : vector<128xf32> to vector<1x128x1xf32>
    %mul3A_38 = arith.mulf %reshape3A_25, %reshape3A_25 : vector<1x128x1xf32>
    %mul3A_39 = arith.mulf %reshape3A_31, %reshape3A_31 : vector<1x128x1xf32>
    %add3A_40 = arith.addf %mul3A_38, %mul3A_39 : vector<1x128x1xf32>
    %mul3A_41 = arith.mulf %reshape3A_37, %reshape3A_37 : vector<1x128x1xf32>
    %add3A_42 = arith.addf %add3A_40, %mul3A_41 : vector<1x128x1xf32>
    %convert_element_type3A = arith.truncf %reshape3A_25 : vector<1x128x1xf32> to vector<1x128x1xbf16>
    %convert_element_type3A_43 = arith.extf %convert_element_type3A : vector<1x128x1xbf16> to vector<1x128x1xf32>
    %convert_element_type3A_44 = arith.truncf %get3A_4 : vector<32x256xf32> to vector<32x256xbf16>
    %convert_element_type3A_45 = arith.extf %convert_element_type3A_44 : vector<32x256xbf16> to vector<32x256xf32>
    %reshape3A_46 = vector.shape_cast %convert_element_type3A_45 : vector<32x256xf32> to vector<32x1x256xf32>
    %mul3A_47 = vector.broadcast %convert_element_type3A_43 : vector<1x128x1xf32> to vector<32x128x256xf32>
    %mul3A_48 = vector.broadcast %reshape3A_46 : vector<32x1x256xf32> to vector<32x128x256xf32>
    %mul3A_49 = arith.mulf %mul3A_47, %mul3A_48 : vector<32x128x256xf32>
    %convert_element_type3A_50 = arith.truncf %reshape3A_31 : vector<1x128x1xf32> to vector<1x128x1xbf16>
    %convert_element_type3A_51 = arith.extf %convert_element_type3A_50 : vector<1x128x1xbf16> to vector<1x128x1xf32>
    %convert_element_type3A_52 = arith.truncf %get3A_10 : vector<32x256xf32> to vector<32x256xbf16>
    %convert_element_type3A_53 = arith.extf %convert_element_type3A_52 : vector<32x256xbf16> to vector<32x256xf32>
    %reshape3A_54 = vector.shape_cast %convert_element_type3A_53 : vector<32x256xf32> to vector<32x1x256xf32>
    %mul3A_55 = vector.broadcast %convert_element_type3A_51 : vector<1x128x1xf32> to vector<32x128x256xf32>
    %mul3A_56 = vector.broadcast %reshape3A_54 : vector<32x1x256xf32> to vector<32x128x256xf32>
    %mul3A_57 = arith.mulf %mul3A_55, %mul3A_56 : vector<32x128x256xf32>
    %add3A_58 = arith.addf %mul3A_49, %mul3A_57 : vector<32x128x256xf32>
    %convert_element_type3A_59 = arith.truncf %reshape3A_37 : vector<1x128x1xf32> to vector<1x128x1xbf16>
    %convert_element_type3A_60 = arith.extf %convert_element_type3A_59 : vector<1x128x1xbf16> to vector<1x128x1xf32>
    %convert_element_type3A_61 = arith.truncf %get3A_16 : vector<32x256xf32> to vector<32x256xbf16>
    %convert_element_type3A_62 = arith.extf %convert_element_type3A_61 : vector<32x256xbf16> to vector<32x256xf32>
    %reshape3A_63 = vector.shape_cast %convert_element_type3A_62 : vector<32x256xf32> to vector<32x1x256xf32>
    %mul3A_64 = vector.broadcast %convert_element_type3A_60 : vector<1x128x1xf32> to vector<32x128x256xf32>
    %mul3A_65 = vector.broadcast %reshape3A_63 : vector<32x1x256xf32> to vector<32x128x256xf32>
    %mul3A_66 = arith.mulf %mul3A_64, %mul3A_65 : vector<32x128x256xf32>
    %add3A_67 = arith.addf %add3A_58, %mul3A_66 : vector<32x128x256xf32>
    %add3A_68 = vector.broadcast %add3A_42 : vector<1x128x1xf32> to vector<32x128x256xf32>
    %add3A_69 = vector.broadcast %reshape3A : vector<32x1x256xf32> to vector<32x128x256xf32>
    %add3A_70 = arith.addf %add3A_68, %add3A_69 : vector<32x128x256xf32>
    %mul3A_71 = arith.constant 2.000000e+00 : f32
    %mul3A_72 = vector.broadcast %mul3A_71 : f32 to vector<32x128x256xf32>
    %mul3A_73 = arith.mulf %mul3A_72, %add3A_67 : vector<32x128x256xf32>
    %sub3A = arith.subf %add3A_70, %mul3A_73 : vector<32x128x256xf32>
    %max3A = arith.constant 0.000000e+00 : f32
    %max3A_74 = vector.broadcast %max3A : f32 to vector<32x128x256xf32>
    %max3A_75 = arith.maximumf %sub3A, %max3A_74 : vector<32x128x256xf32>
    %sqrt3A = math.sqrt %max3A_75 : vector<32x128x256xf32>
    %swap3A = arith.constant 0 : index
    %swap3A_76 = arith.constant 0 : index
    %swap3A_77 = arith.constant 0 : index
    %swap3A_78 = vector.load %arg5[%swap3A, %swap3A_76, %swap3A_77] : memref<32x128x256xf32, #tpu.memory_space<vmem>>, vector<32x128x256xf32>
    tpu.vector_store %arg5[%swap3A, %swap3A_76, %swap3A_77], %sqrt3A {strides = array<i32>} : memref<32x128x256xf32, #tpu.memory_space<vmem>>, vector<32x128x256xf32>,
    %broadcast_in_dim3A = arith.constant 0x7F800000 : f32
    %broadcast_in_dim3A_79 = vector.broadcast %broadcast_in_dim3A : f32 to vector<32x32x128xf32>
    %swap3A_80 = arith.constant 0 : index
    %swap3A_81 = arith.constant 0 : index
    %swap3A_82 = arith.constant 0 : index
    %swap3A_83 = vector.load %arg6[%swap3A_80, %swap3A_81, %swap3A_82] : memref<32x32x128xf32, #tpu.memory_space<vmem>>, vector<32x32x128xf32>
    tpu.vector_store %arg6[%swap3A_80, %swap3A_81, %swap3A_82], %broadcast_in_dim3A_79 {strides = array<i32>} : memref<32x32x128xf32, #tpu.memory_space<vmem>>, vector<32x32x128xf32>,
    %iota3A = tpu.iota {dimensions = array<i32: 2>} : vector<32x128x256xi32>
    %iota3A_84 = tpu.iota {dimensions = array<i32: 0>} : vector<32x128xi32>
    %while3A = arith.constant 0 : i32
    %while3A_85 = arith.constant false
    %while3A_86:2 = scf.while (%while3A_94 = %while3A, %while3A_95 = %while3A_85) : (i32, i1) -> (i32, i1) {
      %lt3A = arith.constant 16 : i32
      %lt3A_96 = arith.cmpi slt, %while3A_94, %lt3A : i32
      %not3A = arith.constant true
      %not3A_97 = arith.xori %while3A_95, %not3A : i1
      %and3A = arith.andi %lt3A_96, %not3A_97 : i1
      scf.condition(%and3A) %while3A_94, %while3A_95 : i32, i1
    } do {
    ^bb0(%while3A_94: i32, %while3A_95: i1):
      %get3A_96 = arith.constant 0 : index
      %get3A_97 = arith.constant 0 : index
      %get3A_98 = arith.constant 0 : index
      %get3A_99 = vector.load %arg5[%get3A_96, %get3A_97, %get3A_98] : memref<32x128x256xf32, #tpu.memory_space<vmem>>, vector<32x128x256xf32>
      %reduce_min3A = arith.constant dense<0x7F800000> : vector<32x128xf32>
      %reduce_min3A_100 = vector.multi_reduction <minimumf>, %get3A_99, %reduce_min3A [2] : vector<32x128x256xf32> to vector<32x128xf32>
      %reduce_min3A_101 = arith.constant dense<0x7F800000> : vector<128xf32>
      %reduce_min3A_102 = vector.multi_reduction <minimumf>, %reduce_min3A_100, %reduce_min3A_101 [0] : vector<32x128xf32> to vector<128xf32>
      %get3A_103 = arith.constant 0 : index
      %get3A_104 = arith.constant 0 : index
      %get3A_105 = arith.constant 0 : index
      %get3A_106 = vector.load %arg6[%get3A_103, %get3A_104, %get3A_105] : memref<32x32x128xf32, #tpu.memory_space<vmem>>, vector<32x32x128xf32>
      %broadcast_in_dim3A_107 = vector.shape_cast %reduce_min3A_102 : vector<128xf32> to vector<1x1x128xf32>
      %lt3A = vector.broadcast %broadcast_in_dim3A_107 : vector<1x1x128xf32> to vector<32x32x128xf32>
      %lt3A_108 = arith.cmpf olt, %get3A_106, %lt3A : vector<32x32x128xf32>
      %convert_element_type3A_109 = arith.extui %lt3A_108 : vector<32x32x128xi1> to vector<32x32x128xi32>
      %reduce_sum3A = arith.constant dense<0> : vector<128xi32>
      %reduce_sum3A_110 = vector.multi_reduction <add>, %convert_element_type3A_109, %reduce_sum3A [0, 1] : vector<32x32x128xi32> to vector<128xi32>
      %ge3A = arith.constant 32 : i32
      %ge3A_111 = vector.broadcast %ge3A : i32 to vector<128xi32>
      %ge3A_112 = arith.cmpi sge, %reduce_sum3A_110, %ge3A_111 : vector<128xi32>
      %reduce_and3A = arith.constant 1.000000e+00 : f32
      %reduce_and3A_113 = arith.constant 0.000000e+00 : f32
      %reduce_and3A_114 = vector.broadcast %reduce_and3A : f32 to vector<128xf32>
      %reduce_and3A_115 = vector.broadcast %reduce_and3A_113 : f32 to vector<128xf32>
      %reduce_and3A_116 = arith.select %ge3A_112, %reduce_and3A_114, %reduce_and3A_115 : vector<128xi1>, vector<128xf32>
      %reduce_and3A_117 = vector.shape_cast %reduce_and3A_116 : vector<128xf32> to vector<1x128xf32>
      %reduce_and3A_118 = arith.constant dense<0x7F800000> : vector<1xf32>
      %reduce_and3A_119 = vector.multi_reduction <minimumf>, %reduce_and3A_117, %reduce_and3A_118 [1] : vector<1x128xf32> to vector<1xf32>
      %reduce_and3A_120 = vector.shape_cast %reduce_and3A_119 : vector<1xf32> to vector<1x1xf32>
      %reduce_and3A_121 = vector.extract %reduce_and3A_120[0, 0] : f32 from vector<1x1xf32>
      %reduce_and3A_122 = arith.constant 0.000000e+00 : f32
      %reduce_and3A_123 = arith.cmpf ogt, %reduce_and3A_121, %reduce_and3A_122 : f32
      %not3A = arith.constant true
      %not3A_124 = arith.xori %reduce_and3A_123, %not3A : i1
      %convert_element_type3A_125 = arith.extui %not3A_124 : i1 to i32
      %cond3A_126 = arith.constant 0 : i32
      %cond3A_127 = arith.cmpi ne, %convert_element_type3A_125, %cond3A_126 : i32
      scf.if %cond3A_127 {
        %broadcast_in_dim3A_130 = vector.shape_cast %reduce_min3A_100 : vector<32x128xf32> to vector<32x128x1xf32>
        %eq3A = vector.broadcast %broadcast_in_dim3A_130 : vector<32x128x1xf32> to vector<32x128x256xf32>
        %eq3A_131 = arith.cmpf oeq, %get3A_99, %eq3A : vector<32x128x256xf32>
        %jit3A = arith.constant 256 : i32
        %broadcast_in_dim3A_132 = vector.broadcast %jit3A : i32 to vector<32x128x256xi32>
        %select_n3A = arith.select %eq3A_131, %iota3A, %broadcast_in_dim3A_132 : vector<32x128x256xi1>, vector<32x128x256xi32>
        %reduce_min3A_133 = arith.constant dense<2147483647> : vector<32x128xi32>
        %reduce_min3A_134 = vector.multi_reduction <minsi>, %select_n3A, %reduce_min3A_133 [2] : vector<32x128x256xi32> to vector<32x128xi32>
        %broadcast_in_dim3A_135 = vector.shape_cast %reduce_min3A_134 : vector<32x128xi32> to vector<32x128x1xi32>
        %eq3A_136 = vector.broadcast %broadcast_in_dim3A_135 : vector<32x128x1xi32> to vector<32x128x256xi32>
        %eq3A_137 = arith.cmpi eq, %iota3A, %eq3A_136 : vector<32x128x256xi32>
        %jit3A_138 = arith.constant 0x7F800000 : f32
        %broadcast_in_dim3A_139 = vector.broadcast %jit3A_138 : f32 to vector<32x128x256xf32>
        %select_n3A_140 = arith.select %eq3A_137, %broadcast_in_dim3A_139, %get3A_99 : vector<32x128x256xi1>, vector<32x128x256xf32>
        %mul3A_141 = arith.constant 256 : i32
        %mul3A_142 = vector.broadcast %mul3A_141 : i32 to vector<32x128xi32>
        %mul3A_143 = arith.muli %iota3A_84, %mul3A_142 : vector<32x128xi32>
        %add3A_144 = arith.addi %mul3A_143, %reduce_min3A_134 : vector<32x128xi32>
        %broadcast_in_dim3A_145 = vector.shape_cast %reduce_min3A_100 : vector<32x128xf32> to vector<1x32x128xf32>
        %mul3A_146 = arith.constant 2 : i32
        %mul3A_147 = arith.muli %mul3A_146, %while3A_94 : i32
        %add3A_148 = arith.constant 0 : i32
        %add3A_149 = arith.addi %mul3A_147, %add3A_148 : i32
        %swap3A_150 = arith.index_cast %add3A_149 : i32 to index
        %swap3A_151 = arith.constant 0 : index
        %swap3A_152 = arith.constant 0 : index
        %swap3A_153 = vector.load %arg6[%swap3A_150, %swap3A_151, %swap3A_152] : memref<32x32x128xf32, #tpu.memory_space<vmem>>, vector<1x32x128xf32>
        tpu.vector_store %arg6[%swap3A_150, %swap3A_151, %swap3A_152], %broadcast_in_dim3A_145 {strides = array<i32>} : memref<32x32x128xf32, #tpu.memory_space<vmem>>, vector<1x32x128xf32>,
        %broadcast_in_dim3A_154 = vector.shape_cast %add3A_144 : vector<32x128xi32> to vector<1x32x128xi32>
        %mul3A_155 = arith.constant 2 : i32
        %mul3A_156 = arith.muli %mul3A_155, %while3A_94 : i32
        %add3A_157 = arith.constant 0 : i32
        %add3A_158 = arith.addi %mul3A_156, %add3A_157 : i32
        %swap3A_159 = arith.index_cast %add3A_158 : i32 to index
        %swap3A_160 = arith.constant 0 : index
        %swap3A_161 = arith.constant 0 : index
        %swap3A_162 = vector.load %arg7[%swap3A_159, %swap3A_160, %swap3A_161] : memref<32x32x128xi32, #tpu.memory_space<vmem>>, vector<1x32x128xi32>
        tpu.vector_store %arg7[%swap3A_159, %swap3A_160, %swap3A_161], %broadcast_in_dim3A_154 {strides = array<i32>} : memref<32x32x128xi32, #tpu.memory_space<vmem>>, vector<1x32x128xi32>,
        %reduce_min3A_163 = arith.constant dense<0x7F800000> : vector<32x128xf32>
        %reduce_min3A_164 = vector.multi_reduction <minimumf>, %select_n3A_140, %reduce_min3A_163 [2] : vector<32x128x256xf32> to vector<32x128xf32>
        %broadcast_in_dim3A_165 = vector.shape_cast %reduce_min3A_164 : vector<32x128xf32> to vector<32x128x1xf32>
        %eq3A_166 = vector.broadcast %broadcast_in_dim3A_165 : vector<32x128x1xf32> to vector<32x128x256xf32>
        %eq3A_167 = arith.cmpf oeq, %select_n3A_140, %eq3A_166 : vector<32x128x256xf32>
        %jit3A_168 = arith.constant 256 : i32
        %broadcast_in_dim3A_169 = vector.broadcast %jit3A_168 : i32 to vector<32x128x256xi32>
        %select_n3A_170 = arith.select %eq3A_167, %iota3A, %broadcast_in_dim3A_169 : vector<32x128x256xi1>, vector<32x128x256xi32>
        %reduce_min3A_171 = arith.constant dense<2147483647> : vector<32x128xi32>
        %reduce_min3A_172 = vector.multi_reduction <minsi>, %select_n3A_170, %reduce_min3A_171 [2] : vector<32x128x256xi32> to vector<32x128xi32>
        %broadcast_in_dim3A_173 = vector.shape_cast %reduce_min3A_172 : vector<32x128xi32> to vector<32x128x1xi32>
        %eq3A_174 = vector.broadcast %broadcast_in_dim3A_173 : vector<32x128x1xi32> to vector<32x128x256xi32>
        %eq3A_175 = arith.cmpi eq, %iota3A, %eq3A_174 : vector<32x128x256xi32>
        %jit3A_176 = arith.constant 0x7F800000 : f32
        %broadcast_in_dim3A_177 = vector.broadcast %jit3A_176 : f32 to vector<32x128x256xf32>
        %select_n3A_178 = arith.select %eq3A_175, %broadcast_in_dim3A_177, %select_n3A_140 : vector<32x128x256xi1>, vector<32x128x256xf32>
        %mul3A_179 = arith.constant 256 : i32
        %mul3A_180 = vector.broadcast %mul3A_179 : i32 to vector<32x128xi32>
        %mul3A_181 = arith.muli %iota3A_84, %mul3A_180 : vector<32x128xi32>
        %add3A_182 = arith.addi %mul3A_181, %reduce_min3A_172 : vector<32x128xi32>
        %broadcast_in_dim3A_183 = vector.shape_cast %reduce_min3A_164 : vector<32x128xf32> to vector<1x32x128xf32>
        %mul3A_184 = arith.constant 2 : i32
        %mul3A_185 = arith.muli %mul3A_184, %while3A_94 : i32
        %add3A_186 = arith.constant 1 : i32
        %add3A_187 = arith.addi %mul3A_185, %add3A_186 : i32
        %swap3A_188 = arith.index_cast %add3A_187 : i32 to index
        %swap3A_189 = arith.constant 0 : index
        %swap3A_190 = arith.constant 0 : index
        %swap3A_191 = vector.load %arg6[%swap3A_188, %swap3A_189, %swap3A_190] : memref<32x32x128xf32, #tpu.memory_space<vmem>>, vector<1x32x128xf32>
        tpu.vector_store %arg6[%swap3A_188, %swap3A_189, %swap3A_190], %broadcast_in_dim3A_183 {strides = array<i32>} : memref<32x32x128xf32, #tpu.memory_space<vmem>>, vector<1x32x128xf32>,
        %broadcast_in_dim3A_192 = vector.shape_cast %add3A_182 : vector<32x128xi32> to vector<1x32x128xi32>
        %mul3A_193 = arith.constant 2 : i32
        %mul3A_194 = arith.muli %mul3A_193, %while3A_94 : i32
        %add3A_195 = arith.constant 1 : i32
        %add3A_196 = arith.addi %mul3A_194, %add3A_195 : i32
        %swap3A_197 = arith.index_cast %add3A_196 : i32 to index
        %swap3A_198 = arith.constant 0 : index
        %swap3A_199 = arith.constant 0 : index
        %swap3A_200 = vector.load %arg7[%swap3A_197, %swap3A_198, %swap3A_199] : memref<32x32x128xi32, #tpu.memory_space<vmem>>, vector<1x32x128xi32>
        tpu.vector_store %arg7[%swap3A_197, %swap3A_198, %swap3A_199], %broadcast_in_dim3A_192 {strides = array<i32>} : memref<32x32x128xi32, #tpu.memory_space<vmem>>, vector<1x32x128xi32>,
        %swap3A_201 = arith.constant 0 : index
        %swap3A_202 = arith.constant 0 : index
        %swap3A_203 = arith.constant 0 : index
        %swap3A_204 = vector.load %arg5[%swap3A_201, %swap3A_202, %swap3A_203] : memref<32x128x256xf32, #tpu.memory_space<vmem>>, vector<32x128x256xf32>
        tpu.vector_store %arg5[%swap3A_201, %swap3A_202, %swap3A_203], %select_n3A_178 {strides = array<i32>} : memref<32x128x256xf32, #tpu.memory_space<vmem>>, vector<32x128x256xf32>,
      } else {
      }
      %add3A_128 = arith.constant 1 : i32
      %add3A_129 = arith.addi %while3A_94, %add3A_128 : i32
      scf.yield %add3A_129, %reduce_and3A_123 : i32, i1
    }
    %le3A = arith.constant 4 : i32
    %le3A_87 = arith.cmpi sle, %while3A_86#0, %le3A : i32
    %convert_element_type3A_88 = arith.extui %le3A_87 : i1 to i32
    %cond3A = arith.constant 0 : i32
    %cond3A_89 = arith.cmpi ne, %convert_element_type3A_88, %cond3A : i32
    scf.if %cond3A_89 {
      %get3A_94 = arith.constant 0 : index
      %get3A_95 = arith.constant 0 : index
      %get3A_96 = arith.constant 0 : index
      %get3A_97 = vector.load %arg6[%get3A_94, %get3A_95, %get3A_96] : memref<32x32x128xf32, #tpu.memory_space<vmem>>, vector<8x32x128xf32>
      %get3A_98 = arith.constant 0 : index
      %get3A_99 = arith.constant 0 : index
      %get3A_100 = arith.constant 0 : index
      %get3A_101 = vector.load %arg7[%get3A_98, %get3A_99, %get3A_100] : memref<32x32x128xi32, #tpu.memory_space<vmem>>, vector<8x32x128xi32>
      %reduce_min3A = arith.constant dense<0x7F800000> : vector<128xf32>
      %reduce_min3A_102 = vector.multi_reduction <minimumf>, %get3A_97, %reduce_min3A [0, 1] : vector<8x32x128xf32> to vector<128xf32>
      %broadcast_in_dim3A_103 = vector.shape_cast %reduce_min3A_102 : vector<128xf32> to vector<1x1x128xf32>
      %eq3A = vector.broadcast %broadcast_in_dim3A_103 : vector<1x1x128xf32> to vector<8x32x128xf32>
      %eq3A_104 = arith.cmpf oeq, %get3A_97, %eq3A : vector<8x32x128xf32>
      %jit3A = arith.constant 8192 : i32
      %broadcast_in_dim3A_105 = vector.broadcast %jit3A : i32 to vector<8x32x128xi32>
      %select_n3A = arith.select %eq3A_104, %get3A_101, %broadcast_in_dim3A_105 : vector<8x32x128xi1>, vector<8x32x128xi32>
      %reduce_min3A_106 = arith.constant dense<2147483647> : vector<128xi32>
      %reduce_min3A_107 = vector.multi_reduction <minsi>, %select_n3A, %reduce_min3A_106 [0, 1] : vector<8x32x128xi32> to vector<128xi32>
      %mul3A_108 = arith.constant 8192 : i32
      %mul3A_109 = arith.muli %arg0, %mul3A_108 : i32
      %add3A_110 = vector.broadcast %mul3A_109 : i32 to vector<128xi32>
      %add3A_111 = arith.addi %reduce_min3A_107, %add3A_110 : vector<128xi32>
      %reshape3A_112 = vector.shape_cast %add3A_111 : vector<128xi32> to vector<1x128xi32>
      %broadcast_in_dim3A_113 = vector.shape_cast %reduce_min3A_107 : vector<128xi32> to vector<1x1x128xi32>
      %eq3A_114 = vector.broadcast %broadcast_in_dim3A_113 : vector<1x1x128xi32> to vector<8x32x128xi32>
      %eq3A_115 = arith.cmpi eq, %get3A_101, %eq3A_114 : vector<8x32x128xi32>
      %jit3A_116 = arith.constant 0x7F800000 : f32
      %broadcast_in_dim3A_117 = vector.broadcast %jit3A_116 : f32 to vector<8x32x128xf32>
      %select_n3A_118 = arith.select %eq3A_115, %broadcast_in_dim3A_117, %get3A_97 : vector<8x32x128xi1>, vector<8x32x128xf32>
      %reduce_min3A_119 = arith.constant dense<0x7F800000> : vector<128xf32>
      %reduce_min3A_120 = vector.multi_reduction <minimumf>, %select_n3A_118, %reduce_min3A_119 [0, 1] : vector<8x32x128xf32> to vector<128xf32>
      %broadcast_in_dim3A_121 = vector.shape_cast %reduce_min3A_120 : vector<128xf32> to vector<1x1x128xf32>
      %eq3A_122 = vector.broadcast %broadcast_in_dim3A_121 : vector<1x1x128xf32> to vector<8x32x128xf32>
      %eq3A_123 = arith.cmpf oeq, %select_n3A_118, %eq3A_122 : vector<8x32x128xf32>
      %jit3A_124 = arith.constant 8192 : i32
      %broadcast_in_dim3A_125 = vector.broadcast %jit3A_124 : i32 to vector<8x32x128xi32>
      %select_n3A_126 = arith.select %eq3A_123, %get3A_101, %broadcast_in_dim3A_125 : vector<8x32x128xi1>, vector<8x32x128xi32>
      %reduce_min3A_127 = arith.constant dense<2147483647> : vector<128xi32>
      %reduce_min3A_128 = vector.multi_reduction <minsi>, %select_n3A_126, %reduce_min3A_127 [0, 1] : vector<8x32x128xi32> to vector<128xi32>
      %mul3A_129 = arith.constant 8192 : i32
      %mul3A_130 = arith.muli %arg0, %mul3A_129 : i32
      %add3A_131 = vector.broadcast %mul3A_130 : i32 to vector<128xi32>
      %add3A_132 = arith.addi %reduce_min3A_128, %add3A_131 : vector<128xi32>
      %reshape3A_133 = vector.shape_cast %add3A_132 : vector<128xi32> to vector<1x128xi32>
      %broadcast_in_dim3A_134 = vector.shape_cast %reduce_min3A_128 : vector<128xi32> to vector<1x1x128xi32>
      %eq3A_135 = vector.broadcast %broadcast_in_dim3A_134 : vector<1x1x128xi32> to vector<8x32x128xi32>
      %eq3A_136 = arith.cmpi eq, %get3A_101, %eq3A_135 : vector<8x32x128xi32>
      %jit3A_137 = arith.constant 0x7F800000 : f32
      %broadcast_in_dim3A_138 = vector.broadcast %jit3A_137 : f32 to vector<8x32x128xf32>
      %select_n3A_139 = arith.select %eq3A_136, %broadcast_in_dim3A_138, %select_n3A_118 : vector<8x32x128xi1>, vector<8x32x128xf32>
      %reduce_min3A_140 = arith.constant dense<0x7F800000> : vector<128xf32>
      %reduce_min3A_141 = vector.multi_reduction <minimumf>, %select_n3A_139, %reduce_min3A_140 [0, 1] : vector<8x32x128xf32> to vector<128xf32>
      %broadcast_in_dim3A_142 = vector.shape_cast %reduce_min3A_141 : vector<128xf32> to vector<1x1x128xf32>
      %eq3A_143 = vector.broadcast %broadcast_in_dim3A_142 : vector<1x1x128xf32> to vector<8x32x128xf32>
      %eq3A_144 = arith.cmpf oeq, %select_n3A_139, %eq3A_143 : vector<8x32x128xf32>
      %jit3A_145 = arith.constant 8192 : i32
      %broadcast_in_dim3A_146 = vector.broadcast %jit3A_145 : i32 to vector<8x32x128xi32>
      %select_n3A_147 = arith.select %eq3A_144, %get3A_101, %broadcast_in_dim3A_146 : vector<8x32x128xi1>, vector<8x32x128xi32>
      %reduce_min3A_148 = arith.constant dense<2147483647> : vector<128xi32>
      %reduce_min3A_149 = vector.multi_reduction <minsi>, %select_n3A_147, %reduce_min3A_148 [0, 1] : vector<8x32x128xi32> to vector<128xi32>
      %mul3A_150 = arith.constant 8192 : i32
      %mul3A_151 = arith.muli %arg0, %mul3A_150 : i32
      %add3A_152 = vector.broadcast %mul3A_151 : i32 to vector<128xi32>
      %add3A_153 = arith.addi %reduce_min3A_149, %add3A_152 : vector<128xi32>
      %reshape3A_154 = vector.shape_cast %add3A_153 : vector<128xi32> to vector<1x128xi32>
      %broadcast_in_dim3A_155 = vector.shape_cast %reduce_min3A_149 : vector<128xi32> to vector<1x1x128xi32>
      %eq3A_156 = vector.broadcast %broadcast_in_dim3A_155 : vector<1x1x128xi32> to vector<8x32x128xi32>
      %eq3A_157 = arith.cmpi eq, %get3A_101, %eq3A_156 : vector<8x32x128xi32>
      %jit3A_158 = arith.constant 0x7F800000 : f32
      %broadcast_in_dim3A_159 = vector.broadcast %jit3A_158 : f32 to vector<8x32x128xf32>
      %select_n3A_160 = arith.select %eq3A_157, %broadcast_in_dim3A_159, %select_n3A_139 : vector<8x32x128xi1>, vector<8x32x128xf32>
      %reduce_min3A_161 = arith.constant dense<0x7F800000> : vector<128xf32>
      %reduce_min3A_162 = vector.multi_reduction <minimumf>, %select_n3A_160, %reduce_min3A_161 [0, 1] : vector<8x32x128xf32> to vector<128xf32>
      %broadcast_in_dim3A_163 = vector.shape_cast %reduce_min3A_162 : vector<128xf32> to vector<1x1x128xf32>
      %eq3A_164 = vector.broadcast %broadcast_in_dim3A_163 : vector<1x1x128xf32> to vector<8x32x128xf32>
      %eq3A_165 = arith.cmpf oeq, %select_n3A_160, %eq3A_164 : vector<8x32x128xf32>
      %jit3A_166 = arith.constant 8192 : i32
      %broadcast_in_dim3A_167 = vector.broadcast %jit3A_166 : i32 to vector<8x32x128xi32>
      %select_n3A_168 = arith.select %eq3A_165, %get3A_101, %broadcast_in_dim3A_167 : vector<8x32x128xi1>, vector<8x32x128xi32>
      %reduce_min3A_169 = arith.constant dense<2147483647> : vector<128xi32>
      %reduce_min3A_170 = vector.multi_reduction <minsi>, %select_n3A_168, %reduce_min3A_169 [0, 1] : vector<8x32x128xi32> to vector<128xi32>
      %mul3A_171 = arith.constant 8192 : i32
      %mul3A_172 = arith.muli %arg0, %mul3A_171 : i32
      %add3A_173 = vector.broadcast %mul3A_172 : i32 to vector<128xi32>
      %add3A_174 = arith.addi %reduce_min3A_170, %add3A_173 : vector<128xi32>
      %reshape3A_175 = vector.shape_cast %add3A_174 : vector<128xi32> to vector<1x128xi32>
      %broadcast_in_dim3A_176 = vector.shape_cast %reduce_min3A_170 : vector<128xi32> to vector<1x1x128xi32>
      %eq3A_177 = vector.broadcast %broadcast_in_dim3A_176 : vector<1x1x128xi32> to vector<8x32x128xi32>
      %eq3A_178 = arith.cmpi eq, %get3A_101, %eq3A_177 : vector<8x32x128xi32>
      %jit3A_179 = arith.constant 0x7F800000 : f32
      %broadcast_in_dim3A_180 = vector.broadcast %jit3A_179 : f32 to vector<8x32x128xf32>
      %select_n3A_181 = arith.select %eq3A_178, %broadcast_in_dim3A_180, %select_n3A_160 : vector<8x32x128xi1>, vector<8x32x128xf32>
      %reduce_min3A_182 = arith.constant dense<0x7F800000> : vector<128xf32>
      %reduce_min3A_183 = vector.multi_reduction <minimumf>, %select_n3A_181, %reduce_min3A_182 [0, 1] : vector<8x32x128xf32> to vector<128xf32>
      %broadcast_in_dim3A_184 = vector.shape_cast %reduce_min3A_183 : vector<128xf32> to vector<1x1x128xf32>
      %eq3A_185 = vector.broadcast %broadcast_in_dim3A_184 : vector<1x1x128xf32> to vector<8x32x128xf32>
      %eq3A_186 = arith.cmpf oeq, %select_n3A_181, %eq3A_185 : vector<8x32x128xf32>
      %jit3A_187 = arith.constant 8192 : i32
      %broadcast_in_dim3A_188 = vector.broadcast %jit3A_187 : i32 to vector<8x32x128xi32>
      %select_n3A_189 = arith.select %eq3A_186, %get3A_101, %broadcast_in_dim3A_188 : vector<8x32x128xi1>, vector<8x32x128xi32>
      %reduce_min3A_190 = arith.constant dense<2147483647> : vector<128xi32>
      %reduce_min3A_191 = vector.multi_reduction <minsi>, %select_n3A_189, %reduce_min3A_190 [0, 1] : vector<8x32x128xi32> to vector<128xi32>
      %mul3A_192 = arith.constant 8192 : i32
      %mul3A_193 = arith.muli %arg0, %mul3A_192 : i32
      %add3A_194 = vector.broadcast %mul3A_193 : i32 to vector<128xi32>
      %add3A_195 = arith.addi %reduce_min3A_191, %add3A_194 : vector<128xi32>
      %reshape3A_196 = vector.shape_cast %add3A_195 : vector<128xi32> to vector<1x128xi32>
      %broadcast_in_dim3A_197 = vector.shape_cast %reduce_min3A_191 : vector<128xi32> to vector<1x1x128xi32>
      %eq3A_198 = vector.broadcast %broadcast_in_dim3A_197 : vector<1x1x128xi32> to vector<8x32x128xi32>
      %eq3A_199 = arith.cmpi eq, %get3A_101, %eq3A_198 : vector<8x32x128xi32>
      %jit3A_200 = arith.constant 0x7F800000 : f32
      %broadcast_in_dim3A_201 = vector.broadcast %jit3A_200 : f32 to vector<8x32x128xf32>
      %select_n3A_202 = arith.select %eq3A_199, %broadcast_in_dim3A_201, %select_n3A_181 : vector<8x32x128xi1>, vector<8x32x128xf32>
      %reduce_min3A_203 = arith.constant dense<0x7F800000> : vector<128xf32>
      %reduce_min3A_204 = vector.multi_reduction <minimumf>, %select_n3A_202, %reduce_min3A_203 [0, 1] : vector<8x32x128xf32> to vector<128xf32>
      %broadcast_in_dim3A_205 = vector.shape_cast %reduce_min3A_204 : vector<128xf32> to vector<1x1x128xf32>
      %eq3A_206 = vector.broadcast %broadcast_in_dim3A_205 : vector<1x1x128xf32> to vector<8x32x128xf32>
      %eq3A_207 = arith.cmpf oeq, %select_n3A_202, %eq3A_206 : vector<8x32x128xf32>
      %jit3A_208 = arith.constant 8192 : i32
      %broadcast_in_dim3A_209 = vector.broadcast %jit3A_208 : i32 to vector<8x32x128xi32>
      %select_n3A_210 = arith.select %eq3A_207, %get3A_101, %broadcast_in_dim3A_209 : vector<8x32x128xi1>, vector<8x32x128xi32>
      %reduce_min3A_211 = arith.constant dense<2147483647> : vector<128xi32>
      %reduce_min3A_212 = vector.multi_reduction <minsi>, %select_n3A_210, %reduce_min3A_211 [0, 1] : vector<8x32x128xi32> to vector<128xi32>
      %mul3A_213 = arith.constant 8192 : i32
      %mul3A_214 = arith.muli %arg0, %mul3A_213 : i32
      %add3A_215 = vector.broadcast %mul3A_214 : i32 to vector<128xi32>
      %add3A_216 = arith.addi %reduce_min3A_212, %add3A_215 : vector<128xi32>
      %reshape3A_217 = vector.shape_cast %add3A_216 : vector<128xi32> to vector<1x128xi32>
      %broadcast_in_dim3A_218 = vector.shape_cast %reduce_min3A_212 : vector<128xi32> to vector<1x1x128xi32>
      %eq3A_219 = vector.broadcast %broadcast_in_dim3A_218 : vector<1x1x128xi32> to vector<8x32x128xi32>
      %eq3A_220 = arith.cmpi eq, %get3A_101, %eq3A_219 : vector<8x32x128xi32>
      %jit3A_221 = arith.constant 0x7F800000 : f32
      %broadcast_in_dim3A_222 = vector.broadcast %jit3A_221 : f32 to vector<8x32x128xf32>
      %select_n3A_223 = arith.select %eq3A_220, %broadcast_in_dim3A_222, %select_n3A_202 : vector<8x32x128xi1>, vector<8x32x128xf32>
      %reduce_min3A_224 = arith.constant dense<0x7F800000> : vector<128xf32>
      %reduce_min3A_225 = vector.multi_reduction <minimumf>, %select_n3A_223, %reduce_min3A_224 [0, 1] : vector<8x32x128xf32> to vector<128xf32>
      %broadcast_in_dim3A_226 = vector.shape_cast %reduce_min3A_225 : vector<128xf32> to vector<1x1x128xf32>
      %eq3A_227 = vector.broadcast %broadcast_in_dim3A_226 : vector<1x1x128xf32> to vector<8x32x128xf32>
      %eq3A_228 = arith.cmpf oeq, %select_n3A_223, %eq3A_227 : vector<8x32x128xf32>
      %jit3A_229 = arith.constant 8192 : i32
      %broadcast_in_dim3A_230 = vector.broadcast %jit3A_229 : i32 to vector<8x32x128xi32>
      %select_n3A_231 = arith.select %eq3A_228, %get3A_101, %broadcast_in_dim3A_230 : vector<8x32x128xi1>, vector<8x32x128xi32>
      %reduce_min3A_232 = arith.constant dense<2147483647> : vector<128xi32>
      %reduce_min3A_233 = vector.multi_reduction <minsi>, %select_n3A_231, %reduce_min3A_232 [0, 1] : vector<8x32x128xi32> to vector<128xi32>
      %mul3A_234 = arith.constant 8192 : i32
      %mul3A_235 = arith.muli %arg0, %mul3A_234 : i32
      %add3A_236 = vector.broadcast %mul3A_235 : i32 to vector<128xi32>
      %add3A_237 = arith.addi %reduce_min3A_233, %add3A_236 : vector<128xi32>
      %reshape3A_238 = vector.shape_cast %add3A_237 : vector<128xi32> to vector<1x128xi32>
      %broadcast_in_dim3A_239 = vector.shape_cast %reduce_min3A_233 : vector<128xi32> to vector<1x1x128xi32>
      %eq3A_240 = vector.broadcast %broadcast_in_dim3A_239 : vector<1x1x128xi32> to vector<8x32x128xi32>
      %eq3A_241 = arith.cmpi eq, %get3A_101, %eq3A_240 : vector<8x32x128xi32>
      %jit3A_242 = arith.constant 0x7F800000 : f32
      %broadcast_in_dim3A_243 = vector.broadcast %jit3A_242 : f32 to vector<8x32x128xf32>
      %select_n3A_244 = arith.select %eq3A_241, %broadcast_in_dim3A_243, %select_n3A_223 : vector<8x32x128xi1>, vector<8x32x128xf32>
      %reduce_min3A_245 = arith.constant dense<0x7F800000> : vector<128xf32>
      %reduce_min3A_246 = vector.multi_reduction <minimumf>, %select_n3A_244, %reduce_min3A_245 [0, 1] : vector<8x32x128xf32> to vector<128xf32>
      %broadcast_in_dim3A_247 = vector.shape_cast %reduce_min3A_246 : vector<128xf32> to vector<1x1x128xf32>
      %eq3A_248 = vector.broadcast %broadcast_in_dim3A_247 : vector<1x1x128xf32> to vector<8x32x128xf32>
      %eq3A_249 = arith.cmpf oeq, %select_n3A_244, %eq3A_248 : vector<8x32x128xf32>
      %jit3A_250 = arith.constant 8192 : i32
      %broadcast_in_dim3A_251 = vector.broadcast %jit3A_250 : i32 to vector<8x32x128xi32>
      %select_n3A_252 = arith.select %eq3A_249, %get3A_101, %broadcast_in_dim3A_251 : vector<8x32x128xi1>, vector<8x32x128xi32>
      %reduce_min3A_253 = arith.constant dense<2147483647> : vector<128xi32>
      %reduce_min3A_254 = vector.multi_reduction <minsi>, %select_n3A_252, %reduce_min3A_253 [0, 1] : vector<8x32x128xi32> to vector<128xi32>
      %mul3A_255 = arith.constant 8192 : i32
      %mul3A_256 = arith.muli %arg0, %mul3A_255 : i32
      %add3A_257 = vector.broadcast %mul3A_256 : i32 to vector<128xi32>
      %add3A_258 = arith.addi %reduce_min3A_254, %add3A_257 : vector<128xi32>
      %reshape3A_259 = vector.shape_cast %add3A_258 : vector<128xi32> to vector<1x128xi32>
      %broadcast_in_dim3A_260 = vector.shape_cast %reduce_min3A_254 : vector<128xi32> to vector<1x1x128xi32>
      %eq3A_261 = vector.broadcast %broadcast_in_dim3A_260 : vector<1x1x128xi32> to vector<8x32x128xi32>
      %eq3A_262 = arith.cmpi eq, %get3A_101, %eq3A_261 : vector<8x32x128xi32>
      %jit3A_263 = arith.constant 0x7F800000 : f32
      %broadcast_in_dim3A_264 = vector.broadcast %jit3A_263 : f32 to vector<8x32x128xf32>
      %select_n3A_265 = arith.select %eq3A_262, %broadcast_in_dim3A_264, %select_n3A_244 : vector<8x32x128xi1>, vector<8x32x128xf32>
      %reduce_min3A_266 = arith.constant dense<0x7F800000> : vector<128xf32>
      %reduce_min3A_267 = vector.multi_reduction <minimumf>, %select_n3A_265, %reduce_min3A_266 [0, 1] : vector<8x32x128xf32> to vector<128xf32>
      %broadcast_in_dim3A_268 = vector.shape_cast %reduce_min3A_267 : vector<128xf32> to vector<1x1x128xf32>
      %eq3A_269 = vector.broadcast %broadcast_in_dim3A_268 : vector<1x1x128xf32> to vector<8x32x128xf32>
      %eq3A_270 = arith.cmpf oeq, %select_n3A_265, %eq3A_269 : vector<8x32x128xf32>
      %jit3A_271 = arith.constant 8192 : i32
      %broadcast_in_dim3A_272 = vector.broadcast %jit3A_271 : i32 to vector<8x32x128xi32>
      %select_n3A_273 = arith.select %eq3A_270, %get3A_101, %broadcast_in_dim3A_272 : vector<8x32x128xi1>, vector<8x32x128xi32>
      %reduce_min3A_274 = arith.constant dense<2147483647> : vector<128xi32>
      %reduce_min3A_275 = vector.multi_reduction <minsi>, %select_n3A_273, %reduce_min3A_274 [0, 1] : vector<8x32x128xi32> to vector<128xi32>
      %mul3A_276 = arith.constant 8192 : i32
      %mul3A_277 = arith.muli %arg0, %mul3A_276 : i32
      %add3A_278 = vector.broadcast %mul3A_277 : i32 to vector<128xi32>
      %add3A_279 = arith.addi %reduce_min3A_275, %add3A_278 : vector<128xi32>
      %reshape3A_280 = vector.shape_cast %add3A_279 : vector<128xi32> to vector<1x128xi32>
      %broadcast_in_dim3A_281 = vector.shape_cast %reduce_min3A_275 : vector<128xi32> to vector<1x1x128xi32>
      %eq3A_282 = vector.broadcast %broadcast_in_dim3A_281 : vector<1x1x128xi32> to vector<8x32x128xi32>
      %eq3A_283 = arith.cmpi eq, %get3A_101, %eq3A_282 : vector<8x32x128xi32>
      %jit3A_284 = arith.constant 0x7F800000 : f32
      %broadcast_in_dim3A_285 = vector.broadcast %jit3A_284 : f32 to vector<8x32x128xf32>
      %select_n3A_286 = arith.select %eq3A_283, %broadcast_in_dim3A_285, %select_n3A_265 : vector<8x32x128xi1>, vector<8x32x128xf32>
      %reduce_min3A_287 = arith.constant dense<0x7F800000> : vector<128xf32>
      %reduce_min3A_288 = vector.multi_reduction <minimumf>, %select_n3A_286, %reduce_min3A_287 [0, 1] : vector<8x32x128xf32> to vector<128xf32>
      %broadcast_in_dim3A_289 = vector.shape_cast %reduce_min3A_288 : vector<128xf32> to vector<1x1x128xf32>
      %eq3A_290 = vector.broadcast %broadcast_in_dim3A_289 : vector<1x1x128xf32> to vector<8x32x128xf32>
      %eq3A_291 = arith.cmpf oeq, %select_n3A_286, %eq3A_290 : vector<8x32x128xf32>
      %jit3A_292 = arith.constant 8192 : i32
      %broadcast_in_dim3A_293 = vector.broadcast %jit3A_292 : i32 to vector<8x32x128xi32>
      %select_n3A_294 = arith.select %eq3A_291, %get3A_101, %broadcast_in_dim3A_293 : vector<8x32x128xi1>, vector<8x32x128xi32>
      %reduce_min3A_295 = arith.constant dense<2147483647> : vector<128xi32>
      %reduce_min3A_296 = vector.multi_reduction <minsi>, %select_n3A_294, %reduce_min3A_295 [0, 1] : vector<8x32x128xi32> to vector<128xi32>
      %mul3A_297 = arith.constant 8192 : i32
      %mul3A_298 = arith.muli %arg0, %mul3A_297 : i32
      %add3A_299 = vector.broadcast %mul3A_298 : i32 to vector<128xi32>
      %add3A_300 = arith.addi %reduce_min3A_296, %add3A_299 : vector<128xi32>
      %reshape3A_301 = vector.shape_cast %add3A_300 : vector<128xi32> to vector<1x128xi32>
      %broadcast_in_dim3A_302 = vector.shape_cast %reduce_min3A_296 : vector<128xi32> to vector<1x1x128xi32>
      %eq3A_303 = vector.broadcast %broadcast_in_dim3A_302 : vector<1x1x128xi32> to vector<8x32x128xi32>
      %eq3A_304 = arith.cmpi eq, %get3A_101, %eq3A_303 : vector<8x32x128xi32>
      %jit3A_305 = arith.constant 0x7F800000 : f32
      %broadcast_in_dim3A_306 = vector.broadcast %jit3A_305 : f32 to vector<8x32x128xf32>
      %select_n3A_307 = arith.select %eq3A_304, %broadcast_in_dim3A_306, %select_n3A_286 : vector<8x32x128xi1>, vector<8x32x128xf32>
      %reduce_min3A_308 = arith.constant dense<0x7F800000> : vector<128xf32>
      %reduce_min3A_309 = vector.multi_reduction <minimumf>, %select_n3A_307, %reduce_min3A_308 [0, 1] : vector<8x32x128xf32> to vector<128xf32>
      %broadcast_in_dim3A_310 = vector.shape_cast %reduce_min3A_309 : vector<128xf32> to vector<1x1x128xf32>
      %eq3A_311 = vector.broadcast %broadcast_in_dim3A_310 : vector<1x1x128xf32> to vector<8x32x128xf32>
      %eq3A_312 = arith.cmpf oeq, %select_n3A_307, %eq3A_311 : vector<8x32x128xf32>
      %jit3A_313 = arith.constant 8192 : i32
      %broadcast_in_dim3A_314 = vector.broadcast %jit3A_313 : i32 to vector<8x32x128xi32>
      %select_n3A_315 = arith.select %eq3A_312, %get3A_101, %broadcast_in_dim3A_314 : vector<8x32x128xi1>, vector<8x32x128xi32>
      %reduce_min3A_316 = arith.constant dense<2147483647> : vector<128xi32>
      %reduce_min3A_317 = vector.multi_reduction <minsi>, %select_n3A_315, %reduce_min3A_316 [0, 1] : vector<8x32x128xi32> to vector<128xi32>
      %mul3A_318 = arith.constant 8192 : i32
      %mul3A_319 = arith.muli %arg0, %mul3A_318 : i32
      %add3A_320 = vector.broadcast %mul3A_319 : i32 to vector<128xi32>
      %add3A_321 = arith.addi %reduce_min3A_317, %add3A_320 : vector<128xi32>
      %reshape3A_322 = vector.shape_cast %add3A_321 : vector<128xi32> to vector<1x128xi32>
      %broadcast_in_dim3A_323 = vector.shape_cast %reduce_min3A_317 : vector<128xi32> to vector<1x1x128xi32>
      %eq3A_324 = vector.broadcast %broadcast_in_dim3A_323 : vector<1x1x128xi32> to vector<8x32x128xi32>
      %eq3A_325 = arith.cmpi eq, %get3A_101, %eq3A_324 : vector<8x32x128xi32>
      %jit3A_326 = arith.constant 0x7F800000 : f32
      %broadcast_in_dim3A_327 = vector.broadcast %jit3A_326 : f32 to vector<8x32x128xf32>
      %select_n3A_328 = arith.select %eq3A_325, %broadcast_in_dim3A_327, %select_n3A_307 : vector<8x32x128xi1>, vector<8x32x128xf32>
      %reduce_min3A_329 = arith.constant dense<0x7F800000> : vector<128xf32>
      %reduce_min3A_330 = vector.multi_reduction <minimumf>, %select_n3A_328, %reduce_min3A_329 [0, 1] : vector<8x32x128xf32> to vector<128xf32>
      %broadcast_in_dim3A_331 = vector.shape_cast %reduce_min3A_330 : vector<128xf32> to vector<1x1x128xf32>
      %eq3A_332 = vector.broadcast %broadcast_in_dim3A_331 : vector<1x1x128xf32> to vector<8x32x128xf32>
      %eq3A_333 = arith.cmpf oeq, %select_n3A_328, %eq3A_332 : vector<8x32x128xf32>
      %jit3A_334 = arith.constant 8192 : i32
      %broadcast_in_dim3A_335 = vector.broadcast %jit3A_334 : i32 to vector<8x32x128xi32>
      %select_n3A_336 = arith.select %eq3A_333, %get3A_101, %broadcast_in_dim3A_335 : vector<8x32x128xi1>, vector<8x32x128xi32>
      %reduce_min3A_337 = arith.constant dense<2147483647> : vector<128xi32>
      %reduce_min3A_338 = vector.multi_reduction <minsi>, %select_n3A_336, %reduce_min3A_337 [0, 1] : vector<8x32x128xi32> to vector<128xi32>
      %mul3A_339 = arith.constant 8192 : i32
      %mul3A_340 = arith.muli %arg0, %mul3A_339 : i32
      %add3A_341 = vector.broadcast %mul3A_340 : i32 to vector<128xi32>
      %add3A_342 = arith.addi %reduce_min3A_338, %add3A_341 : vector<128xi32>
      %reshape3A_343 = vector.shape_cast %add3A_342 : vector<128xi32> to vector<1x128xi32>
      %broadcast_in_dim3A_344 = vector.shape_cast %reduce_min3A_338 : vector<128xi32> to vector<1x1x128xi32>
      %eq3A_345 = vector.broadcast %broadcast_in_dim3A_344 : vector<1x1x128xi32> to vector<8x32x128xi32>
      %eq3A_346 = arith.cmpi eq, %get3A_101, %eq3A_345 : vector<8x32x128xi32>
      %jit3A_347 = arith.constant 0x7F800000 : f32
      %broadcast_in_dim3A_348 = vector.broadcast %jit3A_347 : f32 to vector<8x32x128xf32>
      %select_n3A_349 = arith.select %eq3A_346, %broadcast_in_dim3A_348, %select_n3A_328 : vector<8x32x128xi1>, vector<8x32x128xf32>
      %reduce_min3A_350 = arith.constant dense<0x7F800000> : vector<128xf32>
      %reduce_min3A_351 = vector.multi_reduction <minimumf>, %select_n3A_349, %reduce_min3A_350 [0, 1] : vector<8x32x128xf32> to vector<128xf32>
      %broadcast_in_dim3A_352 = vector.shape_cast %reduce_min3A_351 : vector<128xf32> to vector<1x1x128xf32>
      %eq3A_353 = vector.broadcast %broadcast_in_dim3A_352 : vector<1x1x128xf32> to vector<8x32x128xf32>
      %eq3A_354 = arith.cmpf oeq, %select_n3A_349, %eq3A_353 : vector<8x32x128xf32>
      %jit3A_355 = arith.constant 8192 : i32
      %broadcast_in_dim3A_356 = vector.broadcast %jit3A_355 : i32 to vector<8x32x128xi32>
      %select_n3A_357 = arith.select %eq3A_354, %get3A_101, %broadcast_in_dim3A_356 : vector<8x32x128xi1>, vector<8x32x128xi32>
      %reduce_min3A_358 = arith.constant dense<2147483647> : vector<128xi32>
      %reduce_min3A_359 = vector.multi_reduction <minsi>, %select_n3A_357, %reduce_min3A_358 [0, 1] : vector<8x32x128xi32> to vector<128xi32>
      %mul3A_360 = arith.constant 8192 : i32
      %mul3A_361 = arith.muli %arg0, %mul3A_360 : i32
      %add3A_362 = vector.broadcast %mul3A_361 : i32 to vector<128xi32>
      %add3A_363 = arith.addi %reduce_min3A_359, %add3A_362 : vector<128xi32>
      %reshape3A_364 = vector.shape_cast %add3A_363 : vector<128xi32> to vector<1x128xi32>
      %broadcast_in_dim3A_365 = vector.shape_cast %reduce_min3A_359 : vector<128xi32> to vector<1x1x128xi32>
      %eq3A_366 = vector.broadcast %broadcast_in_dim3A_365 : vector<1x1x128xi32> to vector<8x32x128xi32>
      %eq3A_367 = arith.cmpi eq, %get3A_101, %eq3A_366 : vector<8x32x128xi32>
      %jit3A_368 = arith.constant 0x7F800000 : f32
      %broadcast_in_dim3A_369 = vector.broadcast %jit3A_368 : f32 to vector<8x32x128xf32>
      %select_n3A_370 = arith.select %eq3A_367, %broadcast_in_dim3A_369, %select_n3A_349 : vector<8x32x128xi1>, vector<8x32x128xf32>
      %reduce_min3A_371 = arith.constant dense<0x7F800000> : vector<128xf32>
      %reduce_min3A_372 = vector.multi_reduction <minimumf>, %select_n3A_370, %reduce_min3A_371 [0, 1] : vector<8x32x128xf32> to vector<128xf32>
      %broadcast_in_dim3A_373 = vector.shape_cast %reduce_min3A_372 : vector<128xf32> to vector<1x1x128xf32>
      %eq3A_374 = vector.broadcast %broadcast_in_dim3A_373 : vector<1x1x128xf32> to vector<8x32x128xf32>
      %eq3A_375 = arith.cmpf oeq, %select_n3A_370, %eq3A_374 : vector<8x32x128xf32>
      %jit3A_376 = arith.constant 8192 : i32
      %broadcast_in_dim3A_377 = vector.broadcast %jit3A_376 : i32 to vector<8x32x128xi32>
      %select_n3A_378 = arith.select %eq3A_375, %get3A_101, %broadcast_in_dim3A_377 : vector<8x32x128xi1>, vector<8x32x128xi32>
      %reduce_min3A_379 = arith.constant dense<2147483647> : vector<128xi32>
      %reduce_min3A_380 = vector.multi_reduction <minsi>, %select_n3A_378, %reduce_min3A_379 [0, 1] : vector<8x32x128xi32> to vector<128xi32>
      %mul3A_381 = arith.constant 8192 : i32
      %mul3A_382 = arith.muli %arg0, %mul3A_381 : i32
      %add3A_383 = vector.broadcast %mul3A_382 : i32 to vector<128xi32>
      %add3A_384 = arith.addi %reduce_min3A_380, %add3A_383 : vector<128xi32>
      %reshape3A_385 = vector.shape_cast %add3A_384 : vector<128xi32> to vector<1x128xi32>
      %broadcast_in_dim3A_386 = vector.shape_cast %reduce_min3A_380 : vector<128xi32> to vector<1x1x128xi32>
      %eq3A_387 = vector.broadcast %broadcast_in_dim3A_386 : vector<1x1x128xi32> to vector<8x32x128xi32>
      %eq3A_388 = arith.cmpi eq, %get3A_101, %eq3A_387 : vector<8x32x128xi32>
      %jit3A_389 = arith.constant 0x7F800000 : f32
      %broadcast_in_dim3A_390 = vector.broadcast %jit3A_389 : f32 to vector<8x32x128xf32>
      %select_n3A_391 = arith.select %eq3A_388, %broadcast_in_dim3A_390, %select_n3A_370 : vector<8x32x128xi1>, vector<8x32x128xf32>
      %reduce_min3A_392 = arith.constant dense<0x7F800000> : vector<128xf32>
      %reduce_min3A_393 = vector.multi_reduction <minimumf>, %select_n3A_391, %reduce_min3A_392 [0, 1] : vector<8x32x128xf32> to vector<128xf32>
      %broadcast_in_dim3A_394 = vector.shape_cast %reduce_min3A_393 : vector<128xf32> to vector<1x1x128xf32>
      %eq3A_395 = vector.broadcast %broadcast_in_dim3A_394 : vector<1x1x128xf32> to vector<8x32x128xf32>
      %eq3A_396 = arith.cmpf oeq, %select_n3A_391, %eq3A_395 : vector<8x32x128xf32>
      %jit3A_397 = arith.constant 8192 : i32
      %broadcast_in_dim3A_398 = vector.broadcast %jit3A_397 : i32 to vector<8x32x128xi32>
      %select_n3A_399 = arith.select %eq3A_396, %get3A_101, %broadcast_in_dim3A_398 : vector<8x32x128xi1>, vector<8x32x128xi32>
      %reduce_min3A_400 = arith.constant dense<2147483647> : vector<128xi32>
      %reduce_min3A_401 = vector.multi_reduction <minsi>, %select_n3A_399, %reduce_min3A_400 [0, 1] : vector<8x32x128xi32> to vector<128xi32>
      %mul3A_402 = arith.constant 8192 : i32
      %mul3A_403 = arith.muli %arg0, %mul3A_402 : i32
      %add3A_404 = vector.broadcast %mul3A_403 : i32 to vector<128xi32>
      %add3A_405 = arith.addi %reduce_min3A_401, %add3A_404 : vector<128xi32>
      %reshape3A_406 = vector.shape_cast %add3A_405 : vector<128xi32> to vector<1x128xi32>
      %broadcast_in_dim3A_407 = vector.shape_cast %reduce_min3A_401 : vector<128xi32> to vector<1x1x128xi32>
      %eq3A_408 = vector.broadcast %broadcast_in_dim3A_407 : vector<1x1x128xi32> to vector<8x32x128xi32>
      %eq3A_409 = arith.cmpi eq, %get3A_101, %eq3A_408 : vector<8x32x128xi32>
      %jit3A_410 = arith.constant 0x7F800000 : f32
      %broadcast_in_dim3A_411 = vector.broadcast %jit3A_410 : f32 to vector<8x32x128xf32>
      %select_n3A_412 = arith.select %eq3A_409, %broadcast_in_dim3A_411, %select_n3A_391 : vector<8x32x128xi1>, vector<8x32x128xf32>
      %reduce_min3A_413 = arith.constant dense<0x7F800000> : vector<128xf32>
      %reduce_min3A_414 = vector.multi_reduction <minimumf>, %select_n3A_412, %reduce_min3A_413 [0, 1] : vector<8x32x128xf32> to vector<128xf32>
      %broadcast_in_dim3A_415 = vector.shape_cast %reduce_min3A_414 : vector<128xf32> to vector<1x1x128xf32>
      %eq3A_416 = vector.broadcast %broadcast_in_dim3A_415 : vector<1x1x128xf32> to vector<8x32x128xf32>
      %eq3A_417 = arith.cmpf oeq, %select_n3A_412, %eq3A_416 : vector<8x32x128xf32>
      %jit3A_418 = arith.constant 8192 : i32
      %broadcast_in_dim3A_419 = vector.broadcast %jit3A_418 : i32 to vector<8x32x128xi32>
      %select_n3A_420 = arith.select %eq3A_417, %get3A_101, %broadcast_in_dim3A_419 : vector<8x32x128xi1>, vector<8x32x128xi32>
      %reduce_min3A_421 = arith.constant dense<2147483647> : vector<128xi32>
      %reduce_min3A_422 = vector.multi_reduction <minsi>, %select_n3A_420, %reduce_min3A_421 [0, 1] : vector<8x32x128xi32> to vector<128xi32>
      %mul3A_423 = arith.constant 8192 : i32
      %mul3A_424 = arith.muli %arg0, %mul3A_423 : i32
      %add3A_425 = vector.broadcast %mul3A_424 : i32 to vector<128xi32>
      %add3A_426 = arith.addi %reduce_min3A_422, %add3A_425 : vector<128xi32>
      %reshape3A_427 = vector.shape_cast %add3A_426 : vector<128xi32> to vector<1x128xi32>
      %broadcast_in_dim3A_428 = vector.shape_cast %reduce_min3A_422 : vector<128xi32> to vector<1x1x128xi32>
      %eq3A_429 = vector.broadcast %broadcast_in_dim3A_428 : vector<1x1x128xi32> to vector<8x32x128xi32>
      %eq3A_430 = arith.cmpi eq, %get3A_101, %eq3A_429 : vector<8x32x128xi32>
      %jit3A_431 = arith.constant 0x7F800000 : f32
      %broadcast_in_dim3A_432 = vector.broadcast %jit3A_431 : f32 to vector<8x32x128xf32>
      %select_n3A_433 = arith.select %eq3A_430, %broadcast_in_dim3A_432, %select_n3A_412 : vector<8x32x128xi1>, vector<8x32x128xf32>
      %reduce_min3A_434 = arith.constant dense<0x7F800000> : vector<128xf32>
      %reduce_min3A_435 = vector.multi_reduction <minimumf>, %select_n3A_433, %reduce_min3A_434 [0, 1] : vector<8x32x128xf32> to vector<128xf32>
      %broadcast_in_dim3A_436 = vector.shape_cast %reduce_min3A_435 : vector<128xf32> to vector<1x1x128xf32>
      %eq3A_437 = vector.broadcast %broadcast_in_dim3A_436 : vector<1x1x128xf32> to vector<8x32x128xf32>
      %eq3A_438 = arith.cmpf oeq, %select_n3A_433, %eq3A_437 : vector<8x32x128xf32>
      %jit3A_439 = arith.constant 8192 : i32
      %broadcast_in_dim3A_440 = vector.broadcast %jit3A_439 : i32 to vector<8x32x128xi32>
      %select_n3A_441 = arith.select %eq3A_438, %get3A_101, %broadcast_in_dim3A_440 : vector<8x32x128xi1>, vector<8x32x128xi32>
      %reduce_min3A_442 = arith.constant dense<2147483647> : vector<128xi32>
      %reduce_min3A_443 = vector.multi_reduction <minsi>, %select_n3A_441, %reduce_min3A_442 [0, 1] : vector<8x32x128xi32> to vector<128xi32>
      %mul3A_444 = arith.constant 8192 : i32
      %mul3A_445 = arith.muli %arg0, %mul3A_444 : i32
      %add3A_446 = vector.broadcast %mul3A_445 : i32 to vector<128xi32>
      %add3A_447 = arith.addi %reduce_min3A_443, %add3A_446 : vector<128xi32>
      %reshape3A_448 = vector.shape_cast %add3A_447 : vector<128xi32> to vector<1x128xi32>
      %broadcast_in_dim3A_449 = vector.shape_cast %reduce_min3A_443 : vector<128xi32> to vector<1x1x128xi32>
      %eq3A_450 = vector.broadcast %broadcast_in_dim3A_449 : vector<1x1x128xi32> to vector<8x32x128xi32>
      %eq3A_451 = arith.cmpi eq, %get3A_101, %eq3A_450 : vector<8x32x128xi32>
      %jit3A_452 = arith.constant 0x7F800000 : f32
      %broadcast_in_dim3A_453 = vector.broadcast %jit3A_452 : f32 to vector<8x32x128xf32>
      %select_n3A_454 = arith.select %eq3A_451, %broadcast_in_dim3A_453, %select_n3A_433 : vector<8x32x128xi1>, vector<8x32x128xf32>
      %reduce_min3A_455 = arith.constant dense<0x7F800000> : vector<128xf32>
      %reduce_min3A_456 = vector.multi_reduction <minimumf>, %select_n3A_454, %reduce_min3A_455 [0, 1] : vector<8x32x128xf32> to vector<128xf32>
      %broadcast_in_dim3A_457 = vector.shape_cast %reduce_min3A_456 : vector<128xf32> to vector<1x1x128xf32>
      %eq3A_458 = vector.broadcast %broadcast_in_dim3A_457 : vector<1x1x128xf32> to vector<8x32x128xf32>
      %eq3A_459 = arith.cmpf oeq, %select_n3A_454, %eq3A_458 : vector<8x32x128xf32>
      %jit3A_460 = arith.constant 8192 : i32
      %broadcast_in_dim3A_461 = vector.broadcast %jit3A_460 : i32 to vector<8x32x128xi32>
      %select_n3A_462 = arith.select %eq3A_459, %get3A_101, %broadcast_in_dim3A_461 : vector<8x32x128xi1>, vector<8x32x128xi32>
      %reduce_min3A_463 = arith.constant dense<2147483647> : vector<128xi32>
      %reduce_min3A_464 = vector.multi_reduction <minsi>, %select_n3A_462, %reduce_min3A_463 [0, 1] : vector<8x32x128xi32> to vector<128xi32>
      %mul3A_465 = arith.constant 8192 : i32
      %mul3A_466 = arith.muli %arg0, %mul3A_465 : i32
      %add3A_467 = vector.broadcast %mul3A_466 : i32 to vector<128xi32>
      %add3A_468 = arith.addi %reduce_min3A_464, %add3A_467 : vector<128xi32>
      %reshape3A_469 = vector.shape_cast %add3A_468 : vector<128xi32> to vector<1x128xi32>
      %broadcast_in_dim3A_470 = vector.shape_cast %reduce_min3A_464 : vector<128xi32> to vector<1x1x128xi32>
      %eq3A_471 = vector.broadcast %broadcast_in_dim3A_470 : vector<1x1x128xi32> to vector<8x32x128xi32>
      %eq3A_472 = arith.cmpi eq, %get3A_101, %eq3A_471 : vector<8x32x128xi32>
      %jit3A_473 = arith.constant 0x7F800000 : f32
      %broadcast_in_dim3A_474 = vector.broadcast %jit3A_473 : f32 to vector<8x32x128xf32>
      %select_n3A_475 = arith.select %eq3A_472, %broadcast_in_dim3A_474, %select_n3A_454 : vector<8x32x128xi1>, vector<8x32x128xf32>
      %reduce_min3A_476 = arith.constant dense<0x7F800000> : vector<128xf32>
      %reduce_min3A_477 = vector.multi_reduction <minimumf>, %select_n3A_475, %reduce_min3A_476 [0, 1] : vector<8x32x128xf32> to vector<128xf32>
      %broadcast_in_dim3A_478 = vector.shape_cast %reduce_min3A_477 : vector<128xf32> to vector<1x1x128xf32>
      %eq3A_479 = vector.broadcast %broadcast_in_dim3A_478 : vector<1x1x128xf32> to vector<8x32x128xf32>
      %eq3A_480 = arith.cmpf oeq, %select_n3A_475, %eq3A_479 : vector<8x32x128xf32>
      %jit3A_481 = arith.constant 8192 : i32
      %broadcast_in_dim3A_482 = vector.broadcast %jit3A_481 : i32 to vector<8x32x128xi32>
      %select_n3A_483 = arith.select %eq3A_480, %get3A_101, %broadcast_in_dim3A_482 : vector<8x32x128xi1>, vector<8x32x128xi32>
      %reduce_min3A_484 = arith.constant dense<2147483647> : vector<128xi32>
      %reduce_min3A_485 = vector.multi_reduction <minsi>, %select_n3A_483, %reduce_min3A_484 [0, 1] : vector<8x32x128xi32> to vector<128xi32>
      %mul3A_486 = arith.constant 8192 : i32
      %mul3A_487 = arith.muli %arg0, %mul3A_486 : i32
      %add3A_488 = vector.broadcast %mul3A_487 : i32 to vector<128xi32>
      %add3A_489 = arith.addi %reduce_min3A_485, %add3A_488 : vector<128xi32>
      %reshape3A_490 = vector.shape_cast %add3A_489 : vector<128xi32> to vector<1x128xi32>
      %broadcast_in_dim3A_491 = vector.shape_cast %reduce_min3A_485 : vector<128xi32> to vector<1x1x128xi32>
      %eq3A_492 = vector.broadcast %broadcast_in_dim3A_491 : vector<1x1x128xi32> to vector<8x32x128xi32>
      %eq3A_493 = arith.cmpi eq, %get3A_101, %eq3A_492 : vector<8x32x128xi32>
      %jit3A_494 = arith.constant 0x7F800000 : f32
      %broadcast_in_dim3A_495 = vector.broadcast %jit3A_494 : f32 to vector<8x32x128xf32>
      %select_n3A_496 = arith.select %eq3A_493, %broadcast_in_dim3A_495, %select_n3A_475 : vector<8x32x128xi1>, vector<8x32x128xf32>
      %reduce_min3A_497 = arith.constant dense<0x7F800000> : vector<128xf32>
      %reduce_min3A_498 = vector.multi_reduction <minimumf>, %select_n3A_496, %reduce_min3A_497 [0, 1] : vector<8x32x128xf32> to vector<128xf32>
      %broadcast_in_dim3A_499 = vector.shape_cast %reduce_min3A_498 : vector<128xf32> to vector<1x1x128xf32>
      %eq3A_500 = vector.broadcast %broadcast_in_dim3A_499 : vector<1x1x128xf32> to vector<8x32x128xf32>
      %eq3A_501 = arith.cmpf oeq, %select_n3A_496, %eq3A_500 : vector<8x32x128xf32>
      %jit3A_502 = arith.constant 8192 : i32
      %broadcast_in_dim3A_503 = vector.broadcast %jit3A_502 : i32 to vector<8x32x128xi32>
      %select_n3A_504 = arith.select %eq3A_501, %get3A_101, %broadcast_in_dim3A_503 : vector<8x32x128xi1>, vector<8x32x128xi32>
      %reduce_min3A_505 = arith.constant dense<2147483647> : vector<128xi32>
      %reduce_min3A_506 = vector.multi_reduction <minsi>, %select_n3A_504, %reduce_min3A_505 [0, 1] : vector<8x32x128xi32> to vector<128xi32>
      %mul3A_507 = arith.constant 8192 : i32
      %mul3A_508 = arith.muli %arg0, %mul3A_507 : i32
      %add3A_509 = vector.broadcast %mul3A_508 : i32 to vector<128xi32>
      %add3A_510 = arith.addi %reduce_min3A_506, %add3A_509 : vector<128xi32>
      %reshape3A_511 = vector.shape_cast %add3A_510 : vector<128xi32> to vector<1x128xi32>
      %broadcast_in_dim3A_512 = vector.shape_cast %reduce_min3A_506 : vector<128xi32> to vector<1x1x128xi32>
      %eq3A_513 = vector.broadcast %broadcast_in_dim3A_512 : vector<1x1x128xi32> to vector<8x32x128xi32>
      %eq3A_514 = arith.cmpi eq, %get3A_101, %eq3A_513 : vector<8x32x128xi32>
      %jit3A_515 = arith.constant 0x7F800000 : f32
      %broadcast_in_dim3A_516 = vector.broadcast %jit3A_515 : f32 to vector<8x32x128xf32>
      %select_n3A_517 = arith.select %eq3A_514, %broadcast_in_dim3A_516, %select_n3A_496 : vector<8x32x128xi1>, vector<8x32x128xf32>
      %reduce_min3A_518 = arith.constant dense<0x7F800000> : vector<128xf32>
      %reduce_min3A_519 = vector.multi_reduction <minimumf>, %select_n3A_517, %reduce_min3A_518 [0, 1] : vector<8x32x128xf32> to vector<128xf32>
      %broadcast_in_dim3A_520 = vector.shape_cast %reduce_min3A_519 : vector<128xf32> to vector<1x1x128xf32>
      %eq3A_521 = vector.broadcast %broadcast_in_dim3A_520 : vector<1x1x128xf32> to vector<8x32x128xf32>
      %eq3A_522 = arith.cmpf oeq, %select_n3A_517, %eq3A_521 : vector<8x32x128xf32>
      %jit3A_523 = arith.constant 8192 : i32
      %broadcast_in_dim3A_524 = vector.broadcast %jit3A_523 : i32 to vector<8x32x128xi32>
      %select_n3A_525 = arith.select %eq3A_522, %get3A_101, %broadcast_in_dim3A_524 : vector<8x32x128xi1>, vector<8x32x128xi32>
      %reduce_min3A_526 = arith.constant dense<2147483647> : vector<128xi32>
      %reduce_min3A_527 = vector.multi_reduction <minsi>, %select_n3A_525, %reduce_min3A_526 [0, 1] : vector<8x32x128xi32> to vector<128xi32>
      %mul3A_528 = arith.constant 8192 : i32
      %mul3A_529 = arith.muli %arg0, %mul3A_528 : i32
      %add3A_530 = vector.broadcast %mul3A_529 : i32 to vector<128xi32>
      %add3A_531 = arith.addi %reduce_min3A_527, %add3A_530 : vector<128xi32>
      %reshape3A_532 = vector.shape_cast %add3A_531 : vector<128xi32> to vector<1x128xi32>
      %broadcast_in_dim3A_533 = vector.shape_cast %reduce_min3A_527 : vector<128xi32> to vector<1x1x128xi32>
      %eq3A_534 = vector.broadcast %broadcast_in_dim3A_533 : vector<1x1x128xi32> to vector<8x32x128xi32>
      %eq3A_535 = arith.cmpi eq, %get3A_101, %eq3A_534 : vector<8x32x128xi32>
      %jit3A_536 = arith.constant 0x7F800000 : f32
      %broadcast_in_dim3A_537 = vector.broadcast %jit3A_536 : f32 to vector<8x32x128xf32>
      %select_n3A_538 = arith.select %eq3A_535, %broadcast_in_dim3A_537, %select_n3A_517 : vector<8x32x128xi1>, vector<8x32x128xf32>
      %reduce_min3A_539 = arith.constant dense<0x7F800000> : vector<128xf32>
      %reduce_min3A_540 = vector.multi_reduction <minimumf>, %select_n3A_538, %reduce_min3A_539 [0, 1] : vector<8x32x128xf32> to vector<128xf32>
      %broadcast_in_dim3A_541 = vector.shape_cast %reduce_min3A_540 : vector<128xf32> to vector<1x1x128xf32>
      %eq3A_542 = vector.broadcast %broadcast_in_dim3A_541 : vector<1x1x128xf32> to vector<8x32x128xf32>
      %eq3A_543 = arith.cmpf oeq, %select_n3A_538, %eq3A_542 : vector<8x32x128xf32>
      %jit3A_544 = arith.constant 8192 : i32
      %broadcast_in_dim3A_545 = vector.broadcast %jit3A_544 : i32 to vector<8x32x128xi32>
      %select_n3A_546 = arith.select %eq3A_543, %get3A_101, %broadcast_in_dim3A_545 : vector<8x32x128xi1>, vector<8x32x128xi32>
      %reduce_min3A_547 = arith.constant dense<2147483647> : vector<128xi32>
      %reduce_min3A_548 = vector.multi_reduction <minsi>, %select_n3A_546, %reduce_min3A_547 [0, 1] : vector<8x32x128xi32> to vector<128xi32>
      %mul3A_549 = arith.constant 8192 : i32
      %mul3A_550 = arith.muli %arg0, %mul3A_549 : i32
      %add3A_551 = vector.broadcast %mul3A_550 : i32 to vector<128xi32>
      %add3A_552 = arith.addi %reduce_min3A_548, %add3A_551 : vector<128xi32>
      %reshape3A_553 = vector.shape_cast %add3A_552 : vector<128xi32> to vector<1x128xi32>
      %broadcast_in_dim3A_554 = vector.shape_cast %reduce_min3A_548 : vector<128xi32> to vector<1x1x128xi32>
      %eq3A_555 = vector.broadcast %broadcast_in_dim3A_554 : vector<1x1x128xi32> to vector<8x32x128xi32>
      %eq3A_556 = arith.cmpi eq, %get3A_101, %eq3A_555 : vector<8x32x128xi32>
      %jit3A_557 = arith.constant 0x7F800000 : f32
      %broadcast_in_dim3A_558 = vector.broadcast %jit3A_557 : f32 to vector<8x32x128xf32>
      %select_n3A_559 = arith.select %eq3A_556, %broadcast_in_dim3A_558, %select_n3A_538 : vector<8x32x128xi1>, vector<8x32x128xf32>
      %reduce_min3A_560 = arith.constant dense<0x7F800000> : vector<128xf32>
      %reduce_min3A_561 = vector.multi_reduction <minimumf>, %select_n3A_559, %reduce_min3A_560 [0, 1] : vector<8x32x128xf32> to vector<128xf32>
      %broadcast_in_dim3A_562 = vector.shape_cast %reduce_min3A_561 : vector<128xf32> to vector<1x1x128xf32>
      %eq3A_563 = vector.broadcast %broadcast_in_dim3A_562 : vector<1x1x128xf32> to vector<8x32x128xf32>
      %eq3A_564 = arith.cmpf oeq, %select_n3A_559, %eq3A_563 : vector<8x32x128xf32>
      %jit3A_565 = arith.constant 8192 : i32
      %broadcast_in_dim3A_566 = vector.broadcast %jit3A_565 : i32 to vector<8x32x128xi32>
      %select_n3A_567 = arith.select %eq3A_564, %get3A_101, %broadcast_in_dim3A_566 : vector<8x32x128xi1>, vector<8x32x128xi32>
      %reduce_min3A_568 = arith.constant dense<2147483647> : vector<128xi32>
      %reduce_min3A_569 = vector.multi_reduction <minsi>, %select_n3A_567, %reduce_min3A_568 [0, 1] : vector<8x32x128xi32> to vector<128xi32>
      %mul3A_570 = arith.constant 8192 : i32
      %mul3A_571 = arith.muli %arg0, %mul3A_570 : i32
      %add3A_572 = vector.broadcast %mul3A_571 : i32 to vector<128xi32>
      %add3A_573 = arith.addi %reduce_min3A_569, %add3A_572 : vector<128xi32>
      %reshape3A_574 = vector.shape_cast %add3A_573 : vector<128xi32> to vector<1x128xi32>
      %broadcast_in_dim3A_575 = vector.shape_cast %reduce_min3A_569 : vector<128xi32> to vector<1x1x128xi32>
      %eq3A_576 = vector.broadcast %broadcast_in_dim3A_575 : vector<1x1x128xi32> to vector<8x32x128xi32>
      %eq3A_577 = arith.cmpi eq, %get3A_101, %eq3A_576 : vector<8x32x128xi32>
      %jit3A_578 = arith.constant 0x7F800000 : f32
      %broadcast_in_dim3A_579 = vector.broadcast %jit3A_578 : f32 to vector<8x32x128xf32>
      %select_n3A_580 = arith.select %eq3A_577, %broadcast_in_dim3A_579, %select_n3A_559 : vector<8x32x128xi1>, vector<8x32x128xf32>
      %reduce_min3A_581 = arith.constant dense<0x7F800000> : vector<128xf32>
      %reduce_min3A_582 = vector.multi_reduction <minimumf>, %select_n3A_580, %reduce_min3A_581 [0, 1] : vector<8x32x128xf32> to vector<128xf32>
      %broadcast_in_dim3A_583 = vector.shape_cast %reduce_min3A_582 : vector<128xf32> to vector<1x1x128xf32>
      %eq3A_584 = vector.broadcast %broadcast_in_dim3A_583 : vector<1x1x128xf32> to vector<8x32x128xf32>
      %eq3A_585 = arith.cmpf oeq, %select_n3A_580, %eq3A_584 : vector<8x32x128xf32>
      %jit3A_586 = arith.constant 8192 : i32
      %broadcast_in_dim3A_587 = vector.broadcast %jit3A_586 : i32 to vector<8x32x128xi32>
      %select_n3A_588 = arith.select %eq3A_585, %get3A_101, %broadcast_in_dim3A_587 : vector<8x32x128xi1>, vector<8x32x128xi32>
      %reduce_min3A_589 = arith.constant dense<2147483647> : vector<128xi32>
      %reduce_min3A_590 = vector.multi_reduction <minsi>, %select_n3A_588, %reduce_min3A_589 [0, 1] : vector<8x32x128xi32> to vector<128xi32>
      %mul3A_591 = arith.constant 8192 : i32
      %mul3A_592 = arith.muli %arg0, %mul3A_591 : i32
      %add3A_593 = vector.broadcast %mul3A_592 : i32 to vector<128xi32>
      %add3A_594 = arith.addi %reduce_min3A_590, %add3A_593 : vector<128xi32>
      %reshape3A_595 = vector.shape_cast %add3A_594 : vector<128xi32> to vector<1x128xi32>
      %broadcast_in_dim3A_596 = vector.shape_cast %reduce_min3A_590 : vector<128xi32> to vector<1x1x128xi32>
      %eq3A_597 = vector.broadcast %broadcast_in_dim3A_596 : vector<1x1x128xi32> to vector<8x32x128xi32>
      %eq3A_598 = arith.cmpi eq, %get3A_101, %eq3A_597 : vector<8x32x128xi32>
      %jit3A_599 = arith.constant 0x7F800000 : f32
      %broadcast_in_dim3A_600 = vector.broadcast %jit3A_599 : f32 to vector<8x32x128xf32>
      %select_n3A_601 = arith.select %eq3A_598, %broadcast_in_dim3A_600, %select_n3A_580 : vector<8x32x128xi1>, vector<8x32x128xf32>
      %reduce_min3A_602 = arith.constant dense<0x7F800000> : vector<128xf32>
      %reduce_min3A_603 = vector.multi_reduction <minimumf>, %select_n3A_601, %reduce_min3A_602 [0, 1] : vector<8x32x128xf32> to vector<128xf32>
      %broadcast_in_dim3A_604 = vector.shape_cast %reduce_min3A_603 : vector<128xf32> to vector<1x1x128xf32>
      %eq3A_605 = vector.broadcast %broadcast_in_dim3A_604 : vector<1x1x128xf32> to vector<8x32x128xf32>
      %eq3A_606 = arith.cmpf oeq, %select_n3A_601, %eq3A_605 : vector<8x32x128xf32>
      %jit3A_607 = arith.constant 8192 : i32
      %broadcast_in_dim3A_608 = vector.broadcast %jit3A_607 : i32 to vector<8x32x128xi32>
      %select_n3A_609 = arith.select %eq3A_606, %get3A_101, %broadcast_in_dim3A_608 : vector<8x32x128xi1>, vector<8x32x128xi32>
      %reduce_min3A_610 = arith.constant dense<2147483647> : vector<128xi32>
      %reduce_min3A_611 = vector.multi_reduction <minsi>, %select_n3A_609, %reduce_min3A_610 [0, 1] : vector<8x32x128xi32> to vector<128xi32>
      %mul3A_612 = arith.constant 8192 : i32
      %mul3A_613 = arith.muli %arg0, %mul3A_612 : i32
      %add3A_614 = vector.broadcast %mul3A_613 : i32 to vector<128xi32>
      %add3A_615 = arith.addi %reduce_min3A_611, %add3A_614 : vector<128xi32>
      %reshape3A_616 = vector.shape_cast %add3A_615 : vector<128xi32> to vector<1x128xi32>
      %broadcast_in_dim3A_617 = vector.shape_cast %reduce_min3A_611 : vector<128xi32> to vector<1x1x128xi32>
      %eq3A_618 = vector.broadcast %broadcast_in_dim3A_617 : vector<1x1x128xi32> to vector<8x32x128xi32>
      %eq3A_619 = arith.cmpi eq, %get3A_101, %eq3A_618 : vector<8x32x128xi32>
      %jit3A_620 = arith.constant 0x7F800000 : f32
      %broadcast_in_dim3A_621 = vector.broadcast %jit3A_620 : f32 to vector<8x32x128xf32>
      %select_n3A_622 = arith.select %eq3A_619, %broadcast_in_dim3A_621, %select_n3A_601 : vector<8x32x128xi1>, vector<8x32x128xf32>
      %reduce_min3A_623 = arith.constant dense<0x7F800000> : vector<128xf32>
      %reduce_min3A_624 = vector.multi_reduction <minimumf>, %select_n3A_622, %reduce_min3A_623 [0, 1] : vector<8x32x128xf32> to vector<128xf32>
      %broadcast_in_dim3A_625 = vector.shape_cast %reduce_min3A_624 : vector<128xf32> to vector<1x1x128xf32>
      %eq3A_626 = vector.broadcast %broadcast_in_dim3A_625 : vector<1x1x128xf32> to vector<8x32x128xf32>
      %eq3A_627 = arith.cmpf oeq, %select_n3A_622, %eq3A_626 : vector<8x32x128xf32>
      %jit3A_628 = arith.constant 8192 : i32
      %broadcast_in_dim3A_629 = vector.broadcast %jit3A_628 : i32 to vector<8x32x128xi32>
      %select_n3A_630 = arith.select %eq3A_627, %get3A_101, %broadcast_in_dim3A_629 : vector<8x32x128xi1>, vector<8x32x128xi32>
      %reduce_min3A_631 = arith.constant dense<2147483647> : vector<128xi32>
      %reduce_min3A_632 = vector.multi_reduction <minsi>, %select_n3A_630, %reduce_min3A_631 [0, 1] : vector<8x32x128xi32> to vector<128xi32>
      %mul3A_633 = arith.constant 8192 : i32
      %mul3A_634 = arith.muli %arg0, %mul3A_633 : i32
      %add3A_635 = vector.broadcast %mul3A_634 : i32 to vector<128xi32>
      %add3A_636 = arith.addi %reduce_min3A_632, %add3A_635 : vector<128xi32>
      %reshape3A_637 = vector.shape_cast %add3A_636 : vector<128xi32> to vector<1x128xi32>
      %broadcast_in_dim3A_638 = vector.shape_cast %reduce_min3A_632 : vector<128xi32> to vector<1x1x128xi32>
      %eq3A_639 = vector.broadcast %broadcast_in_dim3A_638 : vector<1x1x128xi32> to vector<8x32x128xi32>
      %eq3A_640 = arith.cmpi eq, %get3A_101, %eq3A_639 : vector<8x32x128xi32>
      %jit3A_641 = arith.constant 0x7F800000 : f32
      %broadcast_in_dim3A_642 = vector.broadcast %jit3A_641 : f32 to vector<8x32x128xf32>
      %select_n3A_643 = arith.select %eq3A_640, %broadcast_in_dim3A_642, %select_n3A_622 : vector<8x32x128xi1>, vector<8x32x128xf32>
      %reduce_min3A_644 = arith.constant dense<0x7F800000> : vector<128xf32>
      %reduce_min3A_645 = vector.multi_reduction <minimumf>, %select_n3A_643, %reduce_min3A_644 [0, 1] : vector<8x32x128xf32> to vector<128xf32>
      %broadcast_in_dim3A_646 = vector.shape_cast %reduce_min3A_645 : vector<128xf32> to vector<1x1x128xf32>
      %eq3A_647 = vector.broadcast %broadcast_in_dim3A_646 : vector<1x1x128xf32> to vector<8x32x128xf32>
      %eq3A_648 = arith.cmpf oeq, %select_n3A_643, %eq3A_647 : vector<8x32x128xf32>
      %jit3A_649 = arith.constant 8192 : i32
      %broadcast_in_dim3A_650 = vector.broadcast %jit3A_649 : i32 to vector<8x32x128xi32>
      %select_n3A_651 = arith.select %eq3A_648, %get3A_101, %broadcast_in_dim3A_650 : vector<8x32x128xi1>, vector<8x32x128xi32>
      %reduce_min3A_652 = arith.constant dense<2147483647> : vector<128xi32>
      %reduce_min3A_653 = vector.multi_reduction <minsi>, %select_n3A_651, %reduce_min3A_652 [0, 1] : vector<8x32x128xi32> to vector<128xi32>
      %mul3A_654 = arith.constant 8192 : i32
      %mul3A_655 = arith.muli %arg0, %mul3A_654 : i32
      %add3A_656 = vector.broadcast %mul3A_655 : i32 to vector<128xi32>
      %add3A_657 = arith.addi %reduce_min3A_653, %add3A_656 : vector<128xi32>
      %reshape3A_658 = vector.shape_cast %add3A_657 : vector<128xi32> to vector<1x128xi32>
      %broadcast_in_dim3A_659 = vector.shape_cast %reduce_min3A_653 : vector<128xi32> to vector<1x1x128xi32>
      %eq3A_660 = vector.broadcast %broadcast_in_dim3A_659 : vector<1x1x128xi32> to vector<8x32x128xi32>
      %eq3A_661 = arith.cmpi eq, %get3A_101, %eq3A_660 : vector<8x32x128xi32>
      %jit3A_662 = arith.constant 0x7F800000 : f32
      %broadcast_in_dim3A_663 = vector.broadcast %jit3A_662 : f32 to vector<8x32x128xf32>
      %select_n3A_664 = arith.select %eq3A_661, %broadcast_in_dim3A_663, %select_n3A_643 : vector<8x32x128xi1>, vector<8x32x128xf32>
      %reduce_min3A_665 = arith.constant dense<0x7F800000> : vector<128xf32>
      %reduce_min3A_666 = vector.multi_reduction <minimumf>, %select_n3A_664, %reduce_min3A_665 [0, 1] : vector<8x32x128xf32> to vector<128xf32>
      %broadcast_in_dim3A_667 = vector.shape_cast %reduce_min3A_666 : vector<128xf32> to vector<1x1x128xf32>
      %eq3A_668 = vector.broadcast %broadcast_in_dim3A_667 : vector<1x1x128xf32> to vector<8x32x128xf32>
      %eq3A_669 = arith.cmpf oeq, %select_n3A_664, %eq3A_668 : vector<8x32x128xf32>
      %jit3A_670 = arith.constant 8192 : i32
      %broadcast_in_dim3A_671 = vector.broadcast %jit3A_670 : i32 to vector<8x32x128xi32>
      %select_n3A_672 = arith.select %eq3A_669, %get3A_101, %broadcast_in_dim3A_671 : vector<8x32x128xi1>, vector<8x32x128xi32>
      %reduce_min3A_673 = arith.constant dense<2147483647> : vector<128xi32>
      %reduce_min3A_674 = vector.multi_reduction <minsi>, %select_n3A_672, %reduce_min3A_673 [0, 1] : vector<8x32x128xi32> to vector<128xi32>
      %mul3A_675 = arith.constant 8192 : i32
      %mul3A_676 = arith.muli %arg0, %mul3A_675 : i32
      %add3A_677 = vector.broadcast %mul3A_676 : i32 to vector<128xi32>
      %add3A_678 = arith.addi %reduce_min3A_674, %add3A_677 : vector<128xi32>
      %reshape3A_679 = vector.shape_cast %add3A_678 : vector<128xi32> to vector<1x128xi32>
      %broadcast_in_dim3A_680 = vector.shape_cast %reduce_min3A_674 : vector<128xi32> to vector<1x1x128xi32>
      %eq3A_681 = vector.broadcast %broadcast_in_dim3A_680 : vector<1x1x128xi32> to vector<8x32x128xi32>
      %eq3A_682 = arith.cmpi eq, %get3A_101, %eq3A_681 : vector<8x32x128xi32>
      %jit3A_683 = arith.constant 0x7F800000 : f32
      %broadcast_in_dim3A_684 = vector.broadcast %jit3A_683 : f32 to vector<8x32x128xf32>
      %select_n3A_685 = arith.select %eq3A_682, %broadcast_in_dim3A_684, %select_n3A_664 : vector<8x32x128xi1>, vector<8x32x128xf32>
      %reduce_min3A_686 = arith.constant dense<0x7F800000> : vector<128xf32>
      %reduce_min3A_687 = vector.multi_reduction <minimumf>, %select_n3A_685, %reduce_min3A_686 [0, 1] : vector<8x32x128xf32> to vector<128xf32>
      %broadcast_in_dim3A_688 = vector.shape_cast %reduce_min3A_687 : vector<128xf32> to vector<1x1x128xf32>
      %eq3A_689 = vector.broadcast %broadcast_in_dim3A_688 : vector<1x1x128xf32> to vector<8x32x128xf32>
      %eq3A_690 = arith.cmpf oeq, %select_n3A_685, %eq3A_689 : vector<8x32x128xf32>
      %jit3A_691 = arith.constant 8192 : i32
      %broadcast_in_dim3A_692 = vector.broadcast %jit3A_691 : i32 to vector<8x32x128xi32>
      %select_n3A_693 = arith.select %eq3A_690, %get3A_101, %broadcast_in_dim3A_692 : vector<8x32x128xi1>, vector<8x32x128xi32>
      %reduce_min3A_694 = arith.constant dense<2147483647> : vector<128xi32>
      %reduce_min3A_695 = vector.multi_reduction <minsi>, %select_n3A_693, %reduce_min3A_694 [0, 1] : vector<8x32x128xi32> to vector<128xi32>
      %mul3A_696 = arith.constant 8192 : i32
      %mul3A_697 = arith.muli %arg0, %mul3A_696 : i32
      %add3A_698 = vector.broadcast %mul3A_697 : i32 to vector<128xi32>
      %add3A_699 = arith.addi %reduce_min3A_695, %add3A_698 : vector<128xi32>
      %reshape3A_700 = vector.shape_cast %add3A_699 : vector<128xi32> to vector<1x128xi32>
      %broadcast_in_dim3A_701 = vector.shape_cast %reduce_min3A_695 : vector<128xi32> to vector<1x1x128xi32>
      %eq3A_702 = vector.broadcast %broadcast_in_dim3A_701 : vector<1x1x128xi32> to vector<8x32x128xi32>
      %eq3A_703 = arith.cmpi eq, %get3A_101, %eq3A_702 : vector<8x32x128xi32>
      %jit3A_704 = arith.constant 0x7F800000 : f32
      %broadcast_in_dim3A_705 = vector.broadcast %jit3A_704 : f32 to vector<8x32x128xf32>
      %select_n3A_706 = arith.select %eq3A_703, %broadcast_in_dim3A_705, %select_n3A_685 : vector<8x32x128xi1>, vector<8x32x128xf32>
      %reduce_min3A_707 = arith.constant dense<0x7F800000> : vector<128xf32>
      %reduce_min3A_708 = vector.multi_reduction <minimumf>, %select_n3A_706, %reduce_min3A_707 [0, 1] : vector<8x32x128xf32> to vector<128xf32>
      %broadcast_in_dim3A_709 = vector.shape_cast %reduce_min3A_708 : vector<128xf32> to vector<1x1x128xf32>
      %eq3A_710 = vector.broadcast %broadcast_in_dim3A_709 : vector<1x1x128xf32> to vector<8x32x128xf32>
      %eq3A_711 = arith.cmpf oeq, %select_n3A_706, %eq3A_710 : vector<8x32x128xf32>
      %jit3A_712 = arith.constant 8192 : i32
      %broadcast_in_dim3A_713 = vector.broadcast %jit3A_712 : i32 to vector<8x32x128xi32>
      %select_n3A_714 = arith.select %eq3A_711, %get3A_101, %broadcast_in_dim3A_713 : vector<8x32x128xi1>, vector<8x32x128xi32>
      %reduce_min3A_715 = arith.constant dense<2147483647> : vector<128xi32>
      %reduce_min3A_716 = vector.multi_reduction <minsi>, %select_n3A_714, %reduce_min3A_715 [0, 1] : vector<8x32x128xi32> to vector<128xi32>
      %mul3A_717 = arith.constant 8192 : i32
      %mul3A_718 = arith.muli %arg0, %mul3A_717 : i32
      %add3A_719 = vector.broadcast %mul3A_718 : i32 to vector<128xi32>
      %add3A_720 = arith.addi %reduce_min3A_716, %add3A_719 : vector<128xi32>
      %reshape3A_721 = vector.shape_cast %add3A_720 : vector<128xi32> to vector<1x128xi32>
      %broadcast_in_dim3A_722 = vector.shape_cast %reduce_min3A_716 : vector<128xi32> to vector<1x1x128xi32>
      %eq3A_723 = vector.broadcast %broadcast_in_dim3A_722 : vector<1x1x128xi32> to vector<8x32x128xi32>
      %eq3A_724 = arith.cmpi eq, %get3A_101, %eq3A_723 : vector<8x32x128xi32>
      %jit3A_725 = arith.constant 0x7F800000 : f32
      %broadcast_in_dim3A_726 = vector.broadcast %jit3A_725 : f32 to vector<8x32x128xf32>
      %select_n3A_727 = arith.select %eq3A_724, %broadcast_in_dim3A_726, %select_n3A_706 : vector<8x32x128xi1>, vector<8x32x128xf32>
      %reduce_min3A_728 = arith.constant dense<0x7F800000> : vector<128xf32>
      %reduce_min3A_729 = vector.multi_reduction <minimumf>, %select_n3A_727, %reduce_min3A_728 [0, 1] : vector<8x32x128xf32> to vector<128xf32>
      %broadcast_in_dim3A_730 = vector.shape_cast %reduce_min3A_729 : vector<128xf32> to vector<1x1x128xf32>
      %eq3A_731 = vector.broadcast %broadcast_in_dim3A_730 : vector<1x1x128xf32> to vector<8x32x128xf32>
      %eq3A_732 = arith.cmpf oeq, %select_n3A_727, %eq3A_731 : vector<8x32x128xf32>
      %jit3A_733 = arith.constant 8192 : i32
      %broadcast_in_dim3A_734 = vector.broadcast %jit3A_733 : i32 to vector<8x32x128xi32>
      %select_n3A_735 = arith.select %eq3A_732, %get3A_101, %broadcast_in_dim3A_734 : vector<8x32x128xi1>, vector<8x32x128xi32>
      %reduce_min3A_736 = arith.constant dense<2147483647> : vector<128xi32>
      %reduce_min3A_737 = vector.multi_reduction <minsi>, %select_n3A_735, %reduce_min3A_736 [0, 1] : vector<8x32x128xi32> to vector<128xi32>
      %mul3A_738 = arith.constant 8192 : i32
      %mul3A_739 = arith.muli %arg0, %mul3A_738 : i32
      %add3A_740 = vector.broadcast %mul3A_739 : i32 to vector<128xi32>
      %add3A_741 = arith.addi %reduce_min3A_737, %add3A_740 : vector<128xi32>
      %reshape3A_742 = vector.shape_cast %add3A_741 : vector<128xi32> to vector<1x128xi32>
      %broadcast_in_dim3A_743 = vector.shape_cast %reduce_min3A_737 : vector<128xi32> to vector<1x1x128xi32>
      %eq3A_744 = vector.broadcast %broadcast_in_dim3A_743 : vector<1x1x128xi32> to vector<8x32x128xi32>
      %eq3A_745 = arith.cmpi eq, %get3A_101, %eq3A_744 : vector<8x32x128xi32>
      %jit3A_746 = arith.constant 0x7F800000 : f32
      %broadcast_in_dim3A_747 = vector.broadcast %jit3A_746 : f32 to vector<8x32x128xf32>
      %select_n3A_748 = arith.select %eq3A_745, %broadcast_in_dim3A_747, %select_n3A_727 : vector<8x32x128xi1>, vector<8x32x128xf32>
      %reduce_min3A_749 = arith.constant dense<0x7F800000> : vector<128xf32>
      %reduce_min3A_750 = vector.multi_reduction <minimumf>, %select_n3A_748, %reduce_min3A_749 [0, 1] : vector<8x32x128xf32> to vector<128xf32>
      %broadcast_in_dim3A_751 = vector.shape_cast %reduce_min3A_750 : vector<128xf32> to vector<1x1x128xf32>
      %eq3A_752 = vector.broadcast %broadcast_in_dim3A_751 : vector<1x1x128xf32> to vector<8x32x128xf32>
      %eq3A_753 = arith.cmpf oeq, %select_n3A_748, %eq3A_752 : vector<8x32x128xf32>
      %jit3A_754 = arith.constant 8192 : i32
      %broadcast_in_dim3A_755 = vector.broadcast %jit3A_754 : i32 to vector<8x32x128xi32>
      %select_n3A_756 = arith.select %eq3A_753, %get3A_101, %broadcast_in_dim3A_755 : vector<8x32x128xi1>, vector<8x32x128xi32>
      %reduce_min3A_757 = arith.constant dense<2147483647> : vector<128xi32>
      %reduce_min3A_758 = vector.multi_reduction <minsi>, %select_n3A_756, %reduce_min3A_757 [0, 1] : vector<8x32x128xi32> to vector<128xi32>
      %mul3A_759 = arith.constant 8192 : i32
      %mul3A_760 = arith.muli %arg0, %mul3A_759 : i32
      %add3A_761 = vector.broadcast %mul3A_760 : i32 to vector<128xi32>
      %add3A_762 = arith.addi %reduce_min3A_758, %add3A_761 : vector<128xi32>
      %reshape3A_763 = vector.shape_cast %add3A_762 : vector<128xi32> to vector<1x128xi32>
      %concatenate3A = tpu.concatenate %reshape3A_112, %reshape3A_133, %reshape3A_154, %reshape3A_175, %reshape3A_196, %reshape3A_217, %reshape3A_238, %reshape3A_259, %reshape3A_280, %reshape3A_301, %reshape3A_322, %reshape3A_343, %reshape3A_364, %reshape3A_385, %reshape3A_406, %reshape3A_427, %reshape3A_448, %reshape3A_469, %reshape3A_490, %reshape3A_511, %reshape3A_532, %reshape3A_553, %reshape3A_574, %reshape3A_595, %reshape3A_616, %reshape3A_637, %reshape3A_658, %reshape3A_679, %reshape3A_700, %reshape3A_721, %reshape3A_742, %reshape3A_763 in 0 : vector<1x128xi32>, vector<1x128xi32>, vector<1x128xi32>, vector<1x128xi32>, vector<1x128xi32>, vector<1x128xi32>, vector<1x128xi32>, vector<1x128xi32>, vector<1x128xi32>, vector<1x128xi32>, vector<1x128xi32>, vector<1x128xi32>, vector<1x128xi32>, vector<1x128xi32>, vector<1x128xi32>, vector<1x128xi32>, vector<1x128xi32>, vector<1x128xi32>, vector<1x128xi32>, vector<1x128xi32>, vector<1x128xi32>, vector<1x128xi32>, vector<1x128xi32>, vector<1x128xi32>, vector<1x128xi32>, vector<1x128xi32>, vector<1x128xi32>, vector<1x128xi32>, vector<1x128xi32>, vector<1x128xi32>, vector<1x128xi32>, vector<1x128xi32> -> vector<32x128xi32>
      %swap3A_764 = arith.constant 0 : index
      %swap3A_765 = arith.constant 0 : index
      %swap3A_766 = arith.constant 0 : index
      %swap3A_767 = vector.load %arg4[%swap3A_764, %swap3A_765, %swap3A_766] : memref<1x32x128xi32, #tpu.memory_space<vmem>>, vector<1x32x128xi32>
      %swap3A_768 = vector.shape_cast %swap3A_767 : vector<1x32x128xi32> to vector<32x128xi32>
      %swap3A_769 = vector.shape_cast %concatenate3A : vector<32x128xi32> to vector<1x32x128xi32>
      tpu.vector_store %arg4[%swap3A_764, %swap3A_765, %swap3A_766], %swap3A_769 {strides = array<i32>} : memref<1x32x128xi32, #tpu.memory_space<vmem>>, vector<1x32x128xi32>,
    } else {
    }
    %gt3A = arith.constant 4 : i32
    %gt3A_90 = arith.cmpi sgt, %while3A_86#0, %gt3A : i32
    %convert_element_type3A_91 = arith.extui %gt3A_90 : i1 to i32
    %cond3A_92 = arith.constant 0 : i32
    %cond3A_93 = arith.cmpi ne, %convert_element_type3A_91, %cond3A_92 : i32
    scf.if %cond3A_93 {
      %get3A_94 = arith.constant 0 : index
      %get3A_95 = arith.constant 0 : index
      %get3A_96 = arith.constant 0 : index
      %get3A_97 = vector.load %arg6[%get3A_94, %get3A_95, %get3A_96] : memref<32x32x128xf32, #tpu.memory_space<vmem>>, vector<32x32x128xf32>
      %get3A_98 = arith.constant 0 : index
      %get3A_99 = arith.constant 0 : index
      %get3A_100 = arith.constant 0 : index
      %get3A_101 = vector.load %arg7[%get3A_98, %get3A_99, %get3A_100] : memref<32x32x128xi32, #tpu.memory_space<vmem>>, vector<32x32x128xi32>
      %reduce_min3A = arith.constant dense<0x7F800000> : vector<128xf32>
      %reduce_min3A_102 = vector.multi_reduction <minimumf>, %get3A_97, %reduce_min3A [0, 1] : vector<32x32x128xf32> to vector<128xf32>
      %broadcast_in_dim3A_103 = vector.shape_cast %reduce_min3A_102 : vector<128xf32> to vector<1x1x128xf32>
      %eq3A = vector.broadcast %broadcast_in_dim3A_103 : vector<1x1x128xf32> to vector<32x32x128xf32>
      %eq3A_104 = arith.cmpf oeq, %get3A_97, %eq3A : vector<32x32x128xf32>
      %jit3A = arith.constant 8192 : i32
      %broadcast_in_dim3A_105 = vector.broadcast %jit3A : i32 to vector<32x32x128xi32>
      %select_n3A = arith.select %eq3A_104, %get3A_101, %broadcast_in_dim3A_105 : vector<32x32x128xi1>, vector<32x32x128xi32>
      %reduce_min3A_106 = arith.constant dense<2147483647> : vector<128xi32>
      %reduce_min3A_107 = vector.multi_reduction <minsi>, %select_n3A, %reduce_min3A_106 [0, 1] : vector<32x32x128xi32> to vector<128xi32>
      %mul3A_108 = arith.constant 8192 : i32
      %mul3A_109 = arith.muli %arg0, %mul3A_108 : i32
      %add3A_110 = vector.broadcast %mul3A_109 : i32 to vector<128xi32>
      %add3A_111 = arith.addi %reduce_min3A_107, %add3A_110 : vector<128xi32>
      %reshape3A_112 = vector.shape_cast %add3A_111 : vector<128xi32> to vector<1x128xi32>
      %broadcast_in_dim3A_113 = vector.shape_cast %reduce_min3A_107 : vector<128xi32> to vector<1x1x128xi32>
      %eq3A_114 = vector.broadcast %broadcast_in_dim3A_113 : vector<1x1x128xi32> to vector<32x32x128xi32>
      %eq3A_115 = arith.cmpi eq, %get3A_101, %eq3A_114 : vector<32x32x128xi32>
      %jit3A_116 = arith.constant 0x7F800000 : f32
      %broadcast_in_dim3A_117 = vector.broadcast %jit3A_116 : f32 to vector<32x32x128xf32>
      %select_n3A_118 = arith.select %eq3A_115, %broadcast_in_dim3A_117, %get3A_97 : vector<32x32x128xi1>, vector<32x32x128xf32>
      %reduce_min3A_119 = arith.constant dense<0x7F800000> : vector<128xf32>
      %reduce_min3A_120 = vector.multi_reduction <minimumf>, %select_n3A_118, %reduce_min3A_119 [0, 1] : vector<32x32x128xf32> to vector<128xf32>
      %broadcast_in_dim3A_121 = vector.shape_cast %reduce_min3A_120 : vector<128xf32> to vector<1x1x128xf32>
      %eq3A_122 = vector.broadcast %broadcast_in_dim3A_121 : vector<1x1x128xf32> to vector<32x32x128xf32>
      %eq3A_123 = arith.cmpf oeq, %select_n3A_118, %eq3A_122 : vector<32x32x128xf32>
      %jit3A_124 = arith.constant 8192 : i32
      %broadcast_in_dim3A_125 = vector.broadcast %jit3A_124 : i32 to vector<32x32x128xi32>
      %select_n3A_126 = arith.select %eq3A_123, %get3A_101, %broadcast_in_dim3A_125 : vector<32x32x128xi1>, vector<32x32x128xi32>
      %reduce_min3A_127 = arith.constant dense<2147483647> : vector<128xi32>
      %reduce_min3A_128 = vector.multi_reduction <minsi>, %select_n3A_126, %reduce_min3A_127 [0, 1] : vector<32x32x128xi32> to vector<128xi32>
      %mul3A_129 = arith.constant 8192 : i32
      %mul3A_130 = arith.muli %arg0, %mul3A_129 : i32
      %add3A_131 = vector.broadcast %mul3A_130 : i32 to vector<128xi32>
      %add3A_132 = arith.addi %reduce_min3A_128, %add3A_131 : vector<128xi32>
      %reshape3A_133 = vector.shape_cast %add3A_132 : vector<128xi32> to vector<1x128xi32>
      %broadcast_in_dim3A_134 = vector.shape_cast %reduce_min3A_128 : vector<128xi32> to vector<1x1x128xi32>
      %eq3A_135 = vector.broadcast %broadcast_in_dim3A_134 : vector<1x1x128xi32> to vector<32x32x128xi32>
      %eq3A_136 = arith.cmpi eq, %get3A_101, %eq3A_135 : vector<32x32x128xi32>
      %jit3A_137 = arith.constant 0x7F800000 : f32
      %broadcast_in_dim3A_138 = vector.broadcast %jit3A_137 : f32 to vector<32x32x128xf32>
      %select_n3A_139 = arith.select %eq3A_136, %broadcast_in_dim3A_138, %select_n3A_118 : vector<32x32x128xi1>, vector<32x32x128xf32>
      %reduce_min3A_140 = arith.constant dense<0x7F800000> : vector<128xf32>
      %reduce_min3A_141 = vector.multi_reduction <minimumf>, %select_n3A_139, %reduce_min3A_140 [0, 1] : vector<32x32x128xf32> to vector<128xf32>
      %broadcast_in_dim3A_142 = vector.shape_cast %reduce_min3A_141 : vector<128xf32> to vector<1x1x128xf32>
      %eq3A_143 = vector.broadcast %broadcast_in_dim3A_142 : vector<1x1x128xf32> to vector<32x32x128xf32>
      %eq3A_144 = arith.cmpf oeq, %select_n3A_139, %eq3A_143 : vector<32x32x128xf32>
      %jit3A_145 = arith.constant 8192 : i32
      %broadcast_in_dim3A_146 = vector.broadcast %jit3A_145 : i32 to vector<32x32x128xi32>
      %select_n3A_147 = arith.select %eq3A_144, %get3A_101, %broadcast_in_dim3A_146 : vector<32x32x128xi1>, vector<32x32x128xi32>
      %reduce_min3A_148 = arith.constant dense<2147483647> : vector<128xi32>
      %reduce_min3A_149 = vector.multi_reduction <minsi>, %select_n3A_147, %reduce_min3A_148 [0, 1] : vector<32x32x128xi32> to vector<128xi32>
      %mul3A_150 = arith.constant 8192 : i32
      %mul3A_151 = arith.muli %arg0, %mul3A_150 : i32
      %add3A_152 = vector.broadcast %mul3A_151 : i32 to vector<128xi32>
      %add3A_153 = arith.addi %reduce_min3A_149, %add3A_152 : vector<128xi32>
      %reshape3A_154 = vector.shape_cast %add3A_153 : vector<128xi32> to vector<1x128xi32>
      %broadcast_in_dim3A_155 = vector.shape_cast %reduce_min3A_149 : vector<128xi32> to vector<1x1x128xi32>
      %eq3A_156 = vector.broadcast %broadcast_in_dim3A_155 : vector<1x1x128xi32> to vector<32x32x128xi32>
      %eq3A_157 = arith.cmpi eq, %get3A_101, %eq3A_156 : vector<32x32x128xi32>
      %jit3A_158 = arith.constant 0x7F800000 : f32
      %broadcast_in_dim3A_159 = vector.broadcast %jit3A_158 : f32 to vector<32x32x128xf32>
      %select_n3A_160 = arith.select %eq3A_157, %broadcast_in_dim3A_159, %select_n3A_139 : vector<32x32x128xi1>, vector<32x32x128xf32>
      %reduce_min3A_161 = arith.constant dense<0x7F800000> : vector<128xf32>
      %reduce_min3A_162 = vector.multi_reduction <minimumf>, %select_n3A_160, %reduce_min3A_161 [0, 1] : vector<32x32x128xf32> to vector<128xf32>
      %broadcast_in_dim3A_163 = vector.shape_cast %reduce_min3A_162 : vector<128xf32> to vector<1x1x128xf32>
      %eq3A_164 = vector.broadcast %broadcast_in_dim3A_163 : vector<1x1x128xf32> to vector<32x32x128xf32>
      %eq3A_165 = arith.cmpf oeq, %select_n3A_160, %eq3A_164 : vector<32x32x128xf32>
      %jit3A_166 = arith.constant 8192 : i32
      %broadcast_in_dim3A_167 = vector.broadcast %jit3A_166 : i32 to vector<32x32x128xi32>
      %select_n3A_168 = arith.select %eq3A_165, %get3A_101, %broadcast_in_dim3A_167 : vector<32x32x128xi1>, vector<32x32x128xi32>
      %reduce_min3A_169 = arith.constant dense<2147483647> : vector<128xi32>
      %reduce_min3A_170 = vector.multi_reduction <minsi>, %select_n3A_168, %reduce_min3A_169 [0, 1] : vector<32x32x128xi32> to vector<128xi32>
      %mul3A_171 = arith.constant 8192 : i32
      %mul3A_172 = arith.muli %arg0, %mul3A_171 : i32
      %add3A_173 = vector.broadcast %mul3A_172 : i32 to vector<128xi32>
      %add3A_174 = arith.addi %reduce_min3A_170, %add3A_173 : vector<128xi32>
      %reshape3A_175 = vector.shape_cast %add3A_174 : vector<128xi32> to vector<1x128xi32>
      %broadcast_in_dim3A_176 = vector.shape_cast %reduce_min3A_170 : vector<128xi32> to vector<1x1x128xi32>
      %eq3A_177 = vector.broadcast %broadcast_in_dim3A_176 : vector<1x1x128xi32> to vector<32x32x128xi32>
      %eq3A_178 = arith.cmpi eq, %get3A_101, %eq3A_177 : vector<32x32x128xi32>
      %jit3A_179 = arith.constant 0x7F800000 : f32
      %broadcast_in_dim3A_180 = vector.broadcast %jit3A_179 : f32 to vector<32x32x128xf32>
      %select_n3A_181 = arith.select %eq3A_178, %broadcast_in_dim3A_180, %select_n3A_160 : vector<32x32x128xi1>, vector<32x32x128xf32>
      %reduce_min3A_182 = arith.constant dense<0x7F800000> : vector<128xf32>
      %reduce_min3A_183 = vector.multi_reduction <minimumf>, %select_n3A_181, %reduce_min3A_182 [0, 1] : vector<32x32x128xf32> to vector<128xf32>
      %broadcast_in_dim3A_184 = vector.shape_cast %reduce_min3A_183 : vector<128xf32> to vector<1x1x128xf32>
      %eq3A_185 = vector.broadcast %broadcast_in_dim3A_184 : vector<1x1x128xf32> to vector<32x32x128xf32>
      %eq3A_186 = arith.cmpf oeq, %select_n3A_181, %eq3A_185 : vector<32x32x128xf32>
      %jit3A_187 = arith.constant 8192 : i32
      %broadcast_in_dim3A_188 = vector.broadcast %jit3A_187 : i32 to vector<32x32x128xi32>
      %select_n3A_189 = arith.select %eq3A_186, %get3A_101, %broadcast_in_dim3A_188 : vector<32x32x128xi1>, vector<32x32x128xi32>
      %reduce_min3A_190 = arith.constant dense<2147483647> : vector<128xi32>
      %reduce_min3A_191 = vector.multi_reduction <minsi>, %select_n3A_189, %reduce_min3A_190 [0, 1] : vector<32x32x128xi32> to vector<128xi32>
      %mul3A_192 = arith.constant 8192 : i32
      %mul3A_193 = arith.muli %arg0, %mul3A_192 : i32
      %add3A_194 = vector.broadcast %mul3A_193 : i32 to vector<128xi32>
      %add3A_195 = arith.addi %reduce_min3A_191, %add3A_194 : vector<128xi32>
      %reshape3A_196 = vector.shape_cast %add3A_195 : vector<128xi32> to vector<1x128xi32>
      %broadcast_in_dim3A_197 = vector.shape_cast %reduce_min3A_191 : vector<128xi32> to vector<1x1x128xi32>
      %eq3A_198 = vector.broadcast %broadcast_in_dim3A_197 : vector<1x1x128xi32> to vector<32x32x128xi32>
      %eq3A_199 = arith.cmpi eq, %get3A_101, %eq3A_198 : vector<32x32x128xi32>
      %jit3A_200 = arith.constant 0x7F800000 : f32
      %broadcast_in_dim3A_201 = vector.broadcast %jit3A_200 : f32 to vector<32x32x128xf32>
      %select_n3A_202 = arith.select %eq3A_199, %broadcast_in_dim3A_201, %select_n3A_181 : vector<32x32x128xi1>, vector<32x32x128xf32>
      %reduce_min3A_203 = arith.constant dense<0x7F800000> : vector<128xf32>
      %reduce_min3A_204 = vector.multi_reduction <minimumf>, %select_n3A_202, %reduce_min3A_203 [0, 1] : vector<32x32x128xf32> to vector<128xf32>
      %broadcast_in_dim3A_205 = vector.shape_cast %reduce_min3A_204 : vector<128xf32> to vector<1x1x128xf32>
      %eq3A_206 = vector.broadcast %broadcast_in_dim3A_205 : vector<1x1x128xf32> to vector<32x32x128xf32>
      %eq3A_207 = arith.cmpf oeq, %select_n3A_202, %eq3A_206 : vector<32x32x128xf32>
      %jit3A_208 = arith.constant 8192 : i32
      %broadcast_in_dim3A_209 = vector.broadcast %jit3A_208 : i32 to vector<32x32x128xi32>
      %select_n3A_210 = arith.select %eq3A_207, %get3A_101, %broadcast_in_dim3A_209 : vector<32x32x128xi1>, vector<32x32x128xi32>
      %reduce_min3A_211 = arith.constant dense<2147483647> : vector<128xi32>
      %reduce_min3A_212 = vector.multi_reduction <minsi>, %select_n3A_210, %reduce_min3A_211 [0, 1] : vector<32x32x128xi32> to vector<128xi32>
      %mul3A_213 = arith.constant 8192 : i32
      %mul3A_214 = arith.muli %arg0, %mul3A_213 : i32
      %add3A_215 = vector.broadcast %mul3A_214 : i32 to vector<128xi32>
      %add3A_216 = arith.addi %reduce_min3A_212, %add3A_215 : vector<128xi32>
      %reshape3A_217 = vector.shape_cast %add3A_216 : vector<128xi32> to vector<1x128xi32>
      %broadcast_in_dim3A_218 = vector.shape_cast %reduce_min3A_212 : vector<128xi32> to vector<1x1x128xi32>
      %eq3A_219 = vector.broadcast %broadcast_in_dim3A_218 : vector<1x1x128xi32> to vector<32x32x128xi32>
      %eq3A_220 = arith.cmpi eq, %get3A_101, %eq3A_219 : vector<32x32x128xi32>
      %jit3A_221 = arith.constant 0x7F800000 : f32
      %broadcast_in_dim3A_222 = vector.broadcast %jit3A_221 : f32 to vector<32x32x128xf32>
      %select_n3A_223 = arith.select %eq3A_220, %broadcast_in_dim3A_222, %select_n3A_202 : vector<32x32x128xi1>, vector<32x32x128xf32>
      %reduce_min3A_224 = arith.constant dense<0x7F800000> : vector<128xf32>
      %reduce_min3A_225 = vector.multi_reduction <minimumf>, %select_n3A_223, %reduce_min3A_224 [0, 1] : vector<32x32x128xf32> to vector<128xf32>
      %broadcast_in_dim3A_226 = vector.shape_cast %reduce_min3A_225 : vector<128xf32> to vector<1x1x128xf32>
      %eq3A_227 = vector.broadcast %broadcast_in_dim3A_226 : vector<1x1x128xf32> to vector<32x32x128xf32>
      %eq3A_228 = arith.cmpf oeq, %select_n3A_223, %eq3A_227 : vector<32x32x128xf32>
      %jit3A_229 = arith.constant 8192 : i32
      %broadcast_in_dim3A_230 = vector.broadcast %jit3A_229 : i32 to vector<32x32x128xi32>
      %select_n3A_231 = arith.select %eq3A_228, %get3A_101, %broadcast_in_dim3A_230 : vector<32x32x128xi1>, vector<32x32x128xi32>
      %reduce_min3A_232 = arith.constant dense<2147483647> : vector<128xi32>
      %reduce_min3A_233 = vector.multi_reduction <minsi>, %select_n3A_231, %reduce_min3A_232 [0, 1] : vector<32x32x128xi32> to vector<128xi32>
      %mul3A_234 = arith.constant 8192 : i32
      %mul3A_235 = arith.muli %arg0, %mul3A_234 : i32
      %add3A_236 = vector.broadcast %mul3A_235 : i32 to vector<128xi32>
      %add3A_237 = arith.addi %reduce_min3A_233, %add3A_236 : vector<128xi32>
      %reshape3A_238 = vector.shape_cast %add3A_237 : vector<128xi32> to vector<1x128xi32>
      %broadcast_in_dim3A_239 = vector.shape_cast %reduce_min3A_233 : vector<128xi32> to vector<1x1x128xi32>
      %eq3A_240 = vector.broadcast %broadcast_in_dim3A_239 : vector<1x1x128xi32> to vector<32x32x128xi32>
      %eq3A_241 = arith.cmpi eq, %get3A_101, %eq3A_240 : vector<32x32x128xi32>
      %jit3A_242 = arith.constant 0x7F800000 : f32
      %broadcast_in_dim3A_243 = vector.broadcast %jit3A_242 : f32 to vector<32x32x128xf32>
      %select_n3A_244 = arith.select %eq3A_241, %broadcast_in_dim3A_243, %select_n3A_223 : vector<32x32x128xi1>, vector<32x32x128xf32>
      %reduce_min3A_245 = arith.constant dense<0x7F800000> : vector<128xf32>
      %reduce_min3A_246 = vector.multi_reduction <minimumf>, %select_n3A_244, %reduce_min3A_245 [0, 1] : vector<32x32x128xf32> to vector<128xf32>
      %broadcast_in_dim3A_247 = vector.shape_cast %reduce_min3A_246 : vector<128xf32> to vector<1x1x128xf32>
      %eq3A_248 = vector.broadcast %broadcast_in_dim3A_247 : vector<1x1x128xf32> to vector<32x32x128xf32>
      %eq3A_249 = arith.cmpf oeq, %select_n3A_244, %eq3A_248 : vector<32x32x128xf32>
      %jit3A_250 = arith.constant 8192 : i32
      %broadcast_in_dim3A_251 = vector.broadcast %jit3A_250 : i32 to vector<32x32x128xi32>
      %select_n3A_252 = arith.select %eq3A_249, %get3A_101, %broadcast_in_dim3A_251 : vector<32x32x128xi1>, vector<32x32x128xi32>
      %reduce_min3A_253 = arith.constant dense<2147483647> : vector<128xi32>
      %reduce_min3A_254 = vector.multi_reduction <minsi>, %select_n3A_252, %reduce_min3A_253 [0, 1] : vector<32x32x128xi32> to vector<128xi32>
      %mul3A_255 = arith.constant 8192 : i32
      %mul3A_256 = arith.muli %arg0, %mul3A_255 : i32
      %add3A_257 = vector.broadcast %mul3A_256 : i32 to vector<128xi32>
      %add3A_258 = arith.addi %reduce_min3A_254, %add3A_257 : vector<128xi32>
      %reshape3A_259 = vector.shape_cast %add3A_258 : vector<128xi32> to vector<1x128xi32>
      %broadcast_in_dim3A_260 = vector.shape_cast %reduce_min3A_254 : vector<128xi32> to vector<1x1x128xi32>
      %eq3A_261 = vector.broadcast %broadcast_in_dim3A_260 : vector<1x1x128xi32> to vector<32x32x128xi32>
      %eq3A_262 = arith.cmpi eq, %get3A_101, %eq3A_261 : vector<32x32x128xi32>
      %jit3A_263 = arith.constant 0x7F800000 : f32
      %broadcast_in_dim3A_264 = vector.broadcast %jit3A_263 : f32 to vector<32x32x128xf32>
      %select_n3A_265 = arith.select %eq3A_262, %broadcast_in_dim3A_264, %select_n3A_244 : vector<32x32x128xi1>, vector<32x32x128xf32>
      %reduce_min3A_266 = arith.constant dense<0x7F800000> : vector<128xf32>
      %reduce_min3A_267 = vector.multi_reduction <minimumf>, %select_n3A_265, %reduce_min3A_266 [0, 1] : vector<32x32x128xf32> to vector<128xf32>
      %broadcast_in_dim3A_268 = vector.shape_cast %reduce_min3A_267 : vector<128xf32> to vector<1x1x128xf32>
      %eq3A_269 = vector.broadcast %broadcast_in_dim3A_268 : vector<1x1x128xf32> to vector<32x32x128xf32>
      %eq3A_270 = arith.cmpf oeq, %select_n3A_265, %eq3A_269 : vector<32x32x128xf32>
      %jit3A_271 = arith.constant 8192 : i32
      %broadcast_in_dim3A_272 = vector.broadcast %jit3A_271 : i32 to vector<32x32x128xi32>
      %select_n3A_273 = arith.select %eq3A_270, %get3A_101, %broadcast_in_dim3A_272 : vector<32x32x128xi1>, vector<32x32x128xi32>
      %reduce_min3A_274 = arith.constant dense<2147483647> : vector<128xi32>
      %reduce_min3A_275 = vector.multi_reduction <minsi>, %select_n3A_273, %reduce_min3A_274 [0, 1] : vector<32x32x128xi32> to vector<128xi32>
      %mul3A_276 = arith.constant 8192 : i32
      %mul3A_277 = arith.muli %arg0, %mul3A_276 : i32
      %add3A_278 = vector.broadcast %mul3A_277 : i32 to vector<128xi32>
      %add3A_279 = arith.addi %reduce_min3A_275, %add3A_278 : vector<128xi32>
      %reshape3A_280 = vector.shape_cast %add3A_279 : vector<128xi32> to vector<1x128xi32>
      %broadcast_in_dim3A_281 = vector.shape_cast %reduce_min3A_275 : vector<128xi32> to vector<1x1x128xi32>
      %eq3A_282 = vector.broadcast %broadcast_in_dim3A_281 : vector<1x1x128xi32> to vector<32x32x128xi32>
      %eq3A_283 = arith.cmpi eq, %get3A_101, %eq3A_282 : vector<32x32x128xi32>
      %jit3A_284 = arith.constant 0x7F800000 : f32
      %broadcast_in_dim3A_285 = vector.broadcast %jit3A_284 : f32 to vector<32x32x128xf32>
      %select_n3A_286 = arith.select %eq3A_283, %broadcast_in_dim3A_285, %select_n3A_265 : vector<32x32x128xi1>, vector<32x32x128xf32>
      %reduce_min3A_287 = arith.constant dense<0x7F800000> : vector<128xf32>
      %reduce_min3A_288 = vector.multi_reduction <minimumf>, %select_n3A_286, %reduce_min3A_287 [0, 1] : vector<32x32x128xf32> to vector<128xf32>
      %broadcast_in_dim3A_289 = vector.shape_cast %reduce_min3A_288 : vector<128xf32> to vector<1x1x128xf32>
      %eq3A_290 = vector.broadcast %broadcast_in_dim3A_289 : vector<1x1x128xf32> to vector<32x32x128xf32>
      %eq3A_291 = arith.cmpf oeq, %select_n3A_286, %eq3A_290 : vector<32x32x128xf32>
      %jit3A_292 = arith.constant 8192 : i32
      %broadcast_in_dim3A_293 = vector.broadcast %jit3A_292 : i32 to vector<32x32x128xi32>
      %select_n3A_294 = arith.select %eq3A_291, %get3A_101, %broadcast_in_dim3A_293 : vector<32x32x128xi1>, vector<32x32x128xi32>
      %reduce_min3A_295 = arith.constant dense<2147483647> : vector<128xi32>
      %reduce_min3A_296 = vector.multi_reduction <minsi>, %select_n3A_294, %reduce_min3A_295 [0, 1] : vector<32x32x128xi32> to vector<128xi32>
      %mul3A_297 = arith.constant 8192 : i32
      %mul3A_298 = arith.muli %arg0, %mul3A_297 : i32
      %add3A_299 = vector.broadcast %mul3A_298 : i32 to vector<128xi32>
      %add3A_300 = arith.addi %reduce_min3A_296, %add3A_299 : vector<128xi32>
      %reshape3A_301 = vector.shape_cast %add3A_300 : vector<128xi32> to vector<1x128xi32>
      %broadcast_in_dim3A_302 = vector.shape_cast %reduce_min3A_296 : vector<128xi32> to vector<1x1x128xi32>
      %eq3A_303 = vector.broadcast %broadcast_in_dim3A_302 : vector<1x1x128xi32> to vector<32x32x128xi32>
      %eq3A_304 = arith.cmpi eq, %get3A_101, %eq3A_303 : vector<32x32x128xi32>
      %jit3A_305 = arith.constant 0x7F800000 : f32
      %broadcast_in_dim3A_306 = vector.broadcast %jit3A_305 : f32 to vector<32x32x128xf32>
      %select_n3A_307 = arith.select %eq3A_304, %broadcast_in_dim3A_306, %select_n3A_286 : vector<32x32x128xi1>, vector<32x32x128xf32>
      %reduce_min3A_308 = arith.constant dense<0x7F800000> : vector<128xf32>
      %reduce_min3A_309 = vector.multi_reduction <minimumf>, %select_n3A_307, %reduce_min3A_308 [0, 1] : vector<32x32x128xf32> to vector<128xf32>
      %broadcast_in_dim3A_310 = vector.shape_cast %reduce_min3A_309 : vector<128xf32> to vector<1x1x128xf32>
      %eq3A_311 = vector.broadcast %broadcast_in_dim3A_310 : vector<1x1x128xf32> to vector<32x32x128xf32>
      %eq3A_312 = arith.cmpf oeq, %select_n3A_307, %eq3A_311 : vector<32x32x128xf32>
      %jit3A_313 = arith.constant 8192 : i32
      %broadcast_in_dim3A_314 = vector.broadcast %jit3A_313 : i32 to vector<32x32x128xi32>
      %select_n3A_315 = arith.select %eq3A_312, %get3A_101, %broadcast_in_dim3A_314 : vector<32x32x128xi1>, vector<32x32x128xi32>
      %reduce_min3A_316 = arith.constant dense<2147483647> : vector<128xi32>
      %reduce_min3A_317 = vector.multi_reduction <minsi>, %select_n3A_315, %reduce_min3A_316 [0, 1] : vector<32x32x128xi32> to vector<128xi32>
      %mul3A_318 = arith.constant 8192 : i32
      %mul3A_319 = arith.muli %arg0, %mul3A_318 : i32
      %add3A_320 = vector.broadcast %mul3A_319 : i32 to vector<128xi32>
      %add3A_321 = arith.addi %reduce_min3A_317, %add3A_320 : vector<128xi32>
      %reshape3A_322 = vector.shape_cast %add3A_321 : vector<128xi32> to vector<1x128xi32>
      %broadcast_in_dim3A_323 = vector.shape_cast %reduce_min3A_317 : vector<128xi32> to vector<1x1x128xi32>
      %eq3A_324 = vector.broadcast %broadcast_in_dim3A_323 : vector<1x1x128xi32> to vector<32x32x128xi32>
      %eq3A_325 = arith.cmpi eq, %get3A_101, %eq3A_324 : vector<32x32x128xi32>
      %jit3A_326 = arith.constant 0x7F800000 : f32
      %broadcast_in_dim3A_327 = vector.broadcast %jit3A_326 : f32 to vector<32x32x128xf32>
      %select_n3A_328 = arith.select %eq3A_325, %broadcast_in_dim3A_327, %select_n3A_307 : vector<32x32x128xi1>, vector<32x32x128xf32>
      %reduce_min3A_329 = arith.constant dense<0x7F800000> : vector<128xf32>
      %reduce_min3A_330 = vector.multi_reduction <minimumf>, %select_n3A_328, %reduce_min3A_329 [0, 1] : vector<32x32x128xf32> to vector<128xf32>
      %broadcast_in_dim3A_331 = vector.shape_cast %reduce_min3A_330 : vector<128xf32> to vector<1x1x128xf32>
      %eq3A_332 = vector.broadcast %broadcast_in_dim3A_331 : vector<1x1x128xf32> to vector<32x32x128xf32>
      %eq3A_333 = arith.cmpf oeq, %select_n3A_328, %eq3A_332 : vector<32x32x128xf32>
      %jit3A_334 = arith.constant 8192 : i32
      %broadcast_in_dim3A_335 = vector.broadcast %jit3A_334 : i32 to vector<32x32x128xi32>
      %select_n3A_336 = arith.select %eq3A_333, %get3A_101, %broadcast_in_dim3A_335 : vector<32x32x128xi1>, vector<32x32x128xi32>
      %reduce_min3A_337 = arith.constant dense<2147483647> : vector<128xi32>
      %reduce_min3A_338 = vector.multi_reduction <minsi>, %select_n3A_336, %reduce_min3A_337 [0, 1] : vector<32x32x128xi32> to vector<128xi32>
      %mul3A_339 = arith.constant 8192 : i32
      %mul3A_340 = arith.muli %arg0, %mul3A_339 : i32
      %add3A_341 = vector.broadcast %mul3A_340 : i32 to vector<128xi32>
      %add3A_342 = arith.addi %reduce_min3A_338, %add3A_341 : vector<128xi32>
      %reshape3A_343 = vector.shape_cast %add3A_342 : vector<128xi32> to vector<1x128xi32>
      %broadcast_in_dim3A_344 = vector.shape_cast %reduce_min3A_338 : vector<128xi32> to vector<1x1x128xi32>
      %eq3A_345 = vector.broadcast %broadcast_in_dim3A_344 : vector<1x1x128xi32> to vector<32x32x128xi32>
      %eq3A_346 = arith.cmpi eq, %get3A_101, %eq3A_345 : vector<32x32x128xi32>
      %jit3A_347 = arith.constant 0x7F800000 : f32
      %broadcast_in_dim3A_348 = vector.broadcast %jit3A_347 : f32 to vector<32x32x128xf32>
      %select_n3A_349 = arith.select %eq3A_346, %broadcast_in_dim3A_348, %select_n3A_328 : vector<32x32x128xi1>, vector<32x32x128xf32>
      %reduce_min3A_350 = arith.constant dense<0x7F800000> : vector<128xf32>
      %reduce_min3A_351 = vector.multi_reduction <minimumf>, %select_n3A_349, %reduce_min3A_350 [0, 1] : vector<32x32x128xf32> to vector<128xf32>
      %broadcast_in_dim3A_352 = vector.shape_cast %reduce_min3A_351 : vector<128xf32> to vector<1x1x128xf32>
      %eq3A_353 = vector.broadcast %broadcast_in_dim3A_352 : vector<1x1x128xf32> to vector<32x32x128xf32>
      %eq3A_354 = arith.cmpf oeq, %select_n3A_349, %eq3A_353 : vector<32x32x128xf32>
      %jit3A_355 = arith.constant 8192 : i32
      %broadcast_in_dim3A_356 = vector.broadcast %jit3A_355 : i32 to vector<32x32x128xi32>
      %select_n3A_357 = arith.select %eq3A_354, %get3A_101, %broadcast_in_dim3A_356 : vector<32x32x128xi1>, vector<32x32x128xi32>
      %reduce_min3A_358 = arith.constant dense<2147483647> : vector<128xi32>
      %reduce_min3A_359 = vector.multi_reduction <minsi>, %select_n3A_357, %reduce_min3A_358 [0, 1] : vector<32x32x128xi32> to vector<128xi32>
      %mul3A_360 = arith.constant 8192 : i32
      %mul3A_361 = arith.muli %arg0, %mul3A_360 : i32
      %add3A_362 = vector.broadcast %mul3A_361 : i32 to vector<128xi32>
      %add3A_363 = arith.addi %reduce_min3A_359, %add3A_362 : vector<128xi32>
      %reshape3A_364 = vector.shape_cast %add3A_363 : vector<128xi32> to vector<1x128xi32>
      %broadcast_in_dim3A_365 = vector.shape_cast %reduce_min3A_359 : vector<128xi32> to vector<1x1x128xi32>
      %eq3A_366 = vector.broadcast %broadcast_in_dim3A_365 : vector<1x1x128xi32> to vector<32x32x128xi32>
      %eq3A_367 = arith.cmpi eq, %get3A_101, %eq3A_366 : vector<32x32x128xi32>
      %jit3A_368 = arith.constant 0x7F800000 : f32
      %broadcast_in_dim3A_369 = vector.broadcast %jit3A_368 : f32 to vector<32x32x128xf32>
      %select_n3A_370 = arith.select %eq3A_367, %broadcast_in_dim3A_369, %select_n3A_349 : vector<32x32x128xi1>, vector<32x32x128xf32>
      %reduce_min3A_371 = arith.constant dense<0x7F800000> : vector<128xf32>
      %reduce_min3A_372 = vector.multi_reduction <minimumf>, %select_n3A_370, %reduce_min3A_371 [0, 1] : vector<32x32x128xf32> to vector<128xf32>
      %broadcast_in_dim3A_373 = vector.shape_cast %reduce_min3A_372 : vector<128xf32> to vector<1x1x128xf32>
      %eq3A_374 = vector.broadcast %broadcast_in_dim3A_373 : vector<1x1x128xf32> to vector<32x32x128xf32>
      %eq3A_375 = arith.cmpf oeq, %select_n3A_370, %eq3A_374 : vector<32x32x128xf32>
      %jit3A_376 = arith.constant 8192 : i32
      %broadcast_in_dim3A_377 = vector.broadcast %jit3A_376 : i32 to vector<32x32x128xi32>
      %select_n3A_378 = arith.select %eq3A_375, %get3A_101, %broadcast_in_dim3A_377 : vector<32x32x128xi1>, vector<32x32x128xi32>
      %reduce_min3A_379 = arith.constant dense<2147483647> : vector<128xi32>
      %reduce_min3A_380 = vector.multi_reduction <minsi>, %select_n3A_378, %reduce_min3A_379 [0, 1] : vector<32x32x128xi32> to vector<128xi32>
      %mul3A_381 = arith.constant 8192 : i32
      %mul3A_382 = arith.muli %arg0, %mul3A_381 : i32
      %add3A_383 = vector.broadcast %mul3A_382 : i32 to vector<128xi32>
      %add3A_384 = arith.addi %reduce_min3A_380, %add3A_383 : vector<128xi32>
      %reshape3A_385 = vector.shape_cast %add3A_384 : vector<128xi32> to vector<1x128xi32>
      %broadcast_in_dim3A_386 = vector.shape_cast %reduce_min3A_380 : vector<128xi32> to vector<1x1x128xi32>
      %eq3A_387 = vector.broadcast %broadcast_in_dim3A_386 : vector<1x1x128xi32> to vector<32x32x128xi32>
      %eq3A_388 = arith.cmpi eq, %get3A_101, %eq3A_387 : vector<32x32x128xi32>
      %jit3A_389 = arith.constant 0x7F800000 : f32
      %broadcast_in_dim3A_390 = vector.broadcast %jit3A_389 : f32 to vector<32x32x128xf32>
      %select_n3A_391 = arith.select %eq3A_388, %broadcast_in_dim3A_390, %select_n3A_370 : vector<32x32x128xi1>, vector<32x32x128xf32>
      %reduce_min3A_392 = arith.constant dense<0x7F800000> : vector<128xf32>
      %reduce_min3A_393 = vector.multi_reduction <minimumf>, %select_n3A_391, %reduce_min3A_392 [0, 1] : vector<32x32x128xf32> to vector<128xf32>
      %broadcast_in_dim3A_394 = vector.shape_cast %reduce_min3A_393 : vector<128xf32> to vector<1x1x128xf32>
      %eq3A_395 = vector.broadcast %broadcast_in_dim3A_394 : vector<1x1x128xf32> to vector<32x32x128xf32>
      %eq3A_396 = arith.cmpf oeq, %select_n3A_391, %eq3A_395 : vector<32x32x128xf32>
      %jit3A_397 = arith.constant 8192 : i32
      %broadcast_in_dim3A_398 = vector.broadcast %jit3A_397 : i32 to vector<32x32x128xi32>
      %select_n3A_399 = arith.select %eq3A_396, %get3A_101, %broadcast_in_dim3A_398 : vector<32x32x128xi1>, vector<32x32x128xi32>
      %reduce_min3A_400 = arith.constant dense<2147483647> : vector<128xi32>
      %reduce_min3A_401 = vector.multi_reduction <minsi>, %select_n3A_399, %reduce_min3A_400 [0, 1] : vector<32x32x128xi32> to vector<128xi32>
      %mul3A_402 = arith.constant 8192 : i32
      %mul3A_403 = arith.muli %arg0, %mul3A_402 : i32
      %add3A_404 = vector.broadcast %mul3A_403 : i32 to vector<128xi32>
      %add3A_405 = arith.addi %reduce_min3A_401, %add3A_404 : vector<128xi32>
      %reshape3A_406 = vector.shape_cast %add3A_405 : vector<128xi32> to vector<1x128xi32>
      %broadcast_in_dim3A_407 = vector.shape_cast %reduce_min3A_401 : vector<128xi32> to vector<1x1x128xi32>
      %eq3A_408 = vector.broadcast %broadcast_in_dim3A_407 : vector<1x1x128xi32> to vector<32x32x128xi32>
      %eq3A_409 = arith.cmpi eq, %get3A_101, %eq3A_408 : vector<32x32x128xi32>
      %jit3A_410 = arith.constant 0x7F800000 : f32
      %broadcast_in_dim3A_411 = vector.broadcast %jit3A_410 : f32 to vector<32x32x128xf32>
      %select_n3A_412 = arith.select %eq3A_409, %broadcast_in_dim3A_411, %select_n3A_391 : vector<32x32x128xi1>, vector<32x32x128xf32>
      %reduce_min3A_413 = arith.constant dense<0x7F800000> : vector<128xf32>
      %reduce_min3A_414 = vector.multi_reduction <minimumf>, %select_n3A_412, %reduce_min3A_413 [0, 1] : vector<32x32x128xf32> to vector<128xf32>
      %broadcast_in_dim3A_415 = vector.shape_cast %reduce_min3A_414 : vector<128xf32> to vector<1x1x128xf32>
      %eq3A_416 = vector.broadcast %broadcast_in_dim3A_415 : vector<1x1x128xf32> to vector<32x32x128xf32>
      %eq3A_417 = arith.cmpf oeq, %select_n3A_412, %eq3A_416 : vector<32x32x128xf32>
      %jit3A_418 = arith.constant 8192 : i32
      %broadcast_in_dim3A_419 = vector.broadcast %jit3A_418 : i32 to vector<32x32x128xi32>
      %select_n3A_420 = arith.select %eq3A_417, %get3A_101, %broadcast_in_dim3A_419 : vector<32x32x128xi1>, vector<32x32x128xi32>
      %reduce_min3A_421 = arith.constant dense<2147483647> : vector<128xi32>
      %reduce_min3A_422 = vector.multi_reduction <minsi>, %select_n3A_420, %reduce_min3A_421 [0, 1] : vector<32x32x128xi32> to vector<128xi32>
      %mul3A_423 = arith.constant 8192 : i32
      %mul3A_424 = arith.muli %arg0, %mul3A_423 : i32
      %add3A_425 = vector.broadcast %mul3A_424 : i32 to vector<128xi32>
      %add3A_426 = arith.addi %reduce_min3A_422, %add3A_425 : vector<128xi32>
      %reshape3A_427 = vector.shape_cast %add3A_426 : vector<128xi32> to vector<1x128xi32>
      %broadcast_in_dim3A_428 = vector.shape_cast %reduce_min3A_422 : vector<128xi32> to vector<1x1x128xi32>
      %eq3A_429 = vector.broadcast %broadcast_in_dim3A_428 : vector<1x1x128xi32> to vector<32x32x128xi32>
      %eq3A_430 = arith.cmpi eq, %get3A_101, %eq3A_429 : vector<32x32x128xi32>
      %jit3A_431 = arith.constant 0x7F800000 : f32
      %broadcast_in_dim3A_432 = vector.broadcast %jit3A_431 : f32 to vector<32x32x128xf32>
      %select_n3A_433 = arith.select %eq3A_430, %broadcast_in_dim3A_432, %select_n3A_412 : vector<32x32x128xi1>, vector<32x32x128xf32>
      %reduce_min3A_434 = arith.constant dense<0x7F800000> : vector<128xf32>
      %reduce_min3A_435 = vector.multi_reduction <minimumf>, %select_n3A_433, %reduce_min3A_434 [0, 1] : vector<32x32x128xf32> to vector<128xf32>
      %broadcast_in_dim3A_436 = vector.shape_cast %reduce_min3A_435 : vector<128xf32> to vector<1x1x128xf32>
      %eq3A_437 = vector.broadcast %broadcast_in_dim3A_436 : vector<1x1x128xf32> to vector<32x32x128xf32>
      %eq3A_438 = arith.cmpf oeq, %select_n3A_433, %eq3A_437 : vector<32x32x128xf32>
      %jit3A_439 = arith.constant 8192 : i32
      %broadcast_in_dim3A_440 = vector.broadcast %jit3A_439 : i32 to vector<32x32x128xi32>
      %select_n3A_441 = arith.select %eq3A_438, %get3A_101, %broadcast_in_dim3A_440 : vector<32x32x128xi1>, vector<32x32x128xi32>
      %reduce_min3A_442 = arith.constant dense<2147483647> : vector<128xi32>
      %reduce_min3A_443 = vector.multi_reduction <minsi>, %select_n3A_441, %reduce_min3A_442 [0, 1] : vector<32x32x128xi32> to vector<128xi32>
      %mul3A_444 = arith.constant 8192 : i32
      %mul3A_445 = arith.muli %arg0, %mul3A_444 : i32
      %add3A_446 = vector.broadcast %mul3A_445 : i32 to vector<128xi32>
      %add3A_447 = arith.addi %reduce_min3A_443, %add3A_446 : vector<128xi32>
      %reshape3A_448 = vector.shape_cast %add3A_447 : vector<128xi32> to vector<1x128xi32>
      %broadcast_in_dim3A_449 = vector.shape_cast %reduce_min3A_443 : vector<128xi32> to vector<1x1x128xi32>
      %eq3A_450 = vector.broadcast %broadcast_in_dim3A_449 : vector<1x1x128xi32> to vector<32x32x128xi32>
      %eq3A_451 = arith.cmpi eq, %get3A_101, %eq3A_450 : vector<32x32x128xi32>
      %jit3A_452 = arith.constant 0x7F800000 : f32
      %broadcast_in_dim3A_453 = vector.broadcast %jit3A_452 : f32 to vector<32x32x128xf32>
      %select_n3A_454 = arith.select %eq3A_451, %broadcast_in_dim3A_453, %select_n3A_433 : vector<32x32x128xi1>, vector<32x32x128xf32>
      %reduce_min3A_455 = arith.constant dense<0x7F800000> : vector<128xf32>
      %reduce_min3A_456 = vector.multi_reduction <minimumf>, %select_n3A_454, %reduce_min3A_455 [0, 1] : vector<32x32x128xf32> to vector<128xf32>
      %broadcast_in_dim3A_457 = vector.shape_cast %reduce_min3A_456 : vector<128xf32> to vector<1x1x128xf32>
      %eq3A_458 = vector.broadcast %broadcast_in_dim3A_457 : vector<1x1x128xf32> to vector<32x32x128xf32>
      %eq3A_459 = arith.cmpf oeq, %select_n3A_454, %eq3A_458 : vector<32x32x128xf32>
      %jit3A_460 = arith.constant 8192 : i32
      %broadcast_in_dim3A_461 = vector.broadcast %jit3A_460 : i32 to vector<32x32x128xi32>
      %select_n3A_462 = arith.select %eq3A_459, %get3A_101, %broadcast_in_dim3A_461 : vector<32x32x128xi1>, vector<32x32x128xi32>
      %reduce_min3A_463 = arith.constant dense<2147483647> : vector<128xi32>
      %reduce_min3A_464 = vector.multi_reduction <minsi>, %select_n3A_462, %reduce_min3A_463 [0, 1] : vector<32x32x128xi32> to vector<128xi32>
      %mul3A_465 = arith.constant 8192 : i32
      %mul3A_466 = arith.muli %arg0, %mul3A_465 : i32
      %add3A_467 = vector.broadcast %mul3A_466 : i32 to vector<128xi32>
      %add3A_468 = arith.addi %reduce_min3A_464, %add3A_467 : vector<128xi32>
      %reshape3A_469 = vector.shape_cast %add3A_468 : vector<128xi32> to vector<1x128xi32>
      %broadcast_in_dim3A_470 = vector.shape_cast %reduce_min3A_464 : vector<128xi32> to vector<1x1x128xi32>
      %eq3A_471 = vector.broadcast %broadcast_in_dim3A_470 : vector<1x1x128xi32> to vector<32x32x128xi32>
      %eq3A_472 = arith.cmpi eq, %get3A_101, %eq3A_471 : vector<32x32x128xi32>
      %jit3A_473 = arith.constant 0x7F800000 : f32
      %broadcast_in_dim3A_474 = vector.broadcast %jit3A_473 : f32 to vector<32x32x128xf32>
      %select_n3A_475 = arith.select %eq3A_472, %broadcast_in_dim3A_474, %select_n3A_454 : vector<32x32x128xi1>, vector<32x32x128xf32>
      %reduce_min3A_476 = arith.constant dense<0x7F800000> : vector<128xf32>
      %reduce_min3A_477 = vector.multi_reduction <minimumf>, %select_n3A_475, %reduce_min3A_476 [0, 1] : vector<32x32x128xf32> to vector<128xf32>
      %broadcast_in_dim3A_478 = vector.shape_cast %reduce_min3A_477 : vector<128xf32> to vector<1x1x128xf32>
      %eq3A_479 = vector.broadcast %broadcast_in_dim3A_478 : vector<1x1x128xf32> to vector<32x32x128xf32>
      %eq3A_480 = arith.cmpf oeq, %select_n3A_475, %eq3A_479 : vector<32x32x128xf32>
      %jit3A_481 = arith.constant 8192 : i32
      %broadcast_in_dim3A_482 = vector.broadcast %jit3A_481 : i32 to vector<32x32x128xi32>
      %select_n3A_483 = arith.select %eq3A_480, %get3A_101, %broadcast_in_dim3A_482 : vector<32x32x128xi1>, vector<32x32x128xi32>
      %reduce_min3A_484 = arith.constant dense<2147483647> : vector<128xi32>
      %reduce_min3A_485 = vector.multi_reduction <minsi>, %select_n3A_483, %reduce_min3A_484 [0, 1] : vector<32x32x128xi32> to vector<128xi32>
      %mul3A_486 = arith.constant 8192 : i32
      %mul3A_487 = arith.muli %arg0, %mul3A_486 : i32
      %add3A_488 = vector.broadcast %mul3A_487 : i32 to vector<128xi32>
      %add3A_489 = arith.addi %reduce_min3A_485, %add3A_488 : vector<128xi32>
      %reshape3A_490 = vector.shape_cast %add3A_489 : vector<128xi32> to vector<1x128xi32>
      %broadcast_in_dim3A_491 = vector.shape_cast %reduce_min3A_485 : vector<128xi32> to vector<1x1x128xi32>
      %eq3A_492 = vector.broadcast %broadcast_in_dim3A_491 : vector<1x1x128xi32> to vector<32x32x128xi32>
      %eq3A_493 = arith.cmpi eq, %get3A_101, %eq3A_492 : vector<32x32x128xi32>
      %jit3A_494 = arith.constant 0x7F800000 : f32
      %broadcast_in_dim3A_495 = vector.broadcast %jit3A_494 : f32 to vector<32x32x128xf32>
      %select_n3A_496 = arith.select %eq3A_493, %broadcast_in_dim3A_495, %select_n3A_475 : vector<32x32x128xi1>, vector<32x32x128xf32>
      %reduce_min3A_497 = arith.constant dense<0x7F800000> : vector<128xf32>
      %reduce_min3A_498 = vector.multi_reduction <minimumf>, %select_n3A_496, %reduce_min3A_497 [0, 1] : vector<32x32x128xf32> to vector<128xf32>
      %broadcast_in_dim3A_499 = vector.shape_cast %reduce_min3A_498 : vector<128xf32> to vector<1x1x128xf32>
      %eq3A_500 = vector.broadcast %broadcast_in_dim3A_499 : vector<1x1x128xf32> to vector<32x32x128xf32>
      %eq3A_501 = arith.cmpf oeq, %select_n3A_496, %eq3A_500 : vector<32x32x128xf32>
      %jit3A_502 = arith.constant 8192 : i32
      %broadcast_in_dim3A_503 = vector.broadcast %jit3A_502 : i32 to vector<32x32x128xi32>
      %select_n3A_504 = arith.select %eq3A_501, %get3A_101, %broadcast_in_dim3A_503 : vector<32x32x128xi1>, vector<32x32x128xi32>
      %reduce_min3A_505 = arith.constant dense<2147483647> : vector<128xi32>
      %reduce_min3A_506 = vector.multi_reduction <minsi>, %select_n3A_504, %reduce_min3A_505 [0, 1] : vector<32x32x128xi32> to vector<128xi32>
      %mul3A_507 = arith.constant 8192 : i32
      %mul3A_508 = arith.muli %arg0, %mul3A_507 : i32
      %add3A_509 = vector.broadcast %mul3A_508 : i32 to vector<128xi32>
      %add3A_510 = arith.addi %reduce_min3A_506, %add3A_509 : vector<128xi32>
      %reshape3A_511 = vector.shape_cast %add3A_510 : vector<128xi32> to vector<1x128xi32>
      %broadcast_in_dim3A_512 = vector.shape_cast %reduce_min3A_506 : vector<128xi32> to vector<1x1x128xi32>
      %eq3A_513 = vector.broadcast %broadcast_in_dim3A_512 : vector<1x1x128xi32> to vector<32x32x128xi32>
      %eq3A_514 = arith.cmpi eq, %get3A_101, %eq3A_513 : vector<32x32x128xi32>
      %jit3A_515 = arith.constant 0x7F800000 : f32
      %broadcast_in_dim3A_516 = vector.broadcast %jit3A_515 : f32 to vector<32x32x128xf32>
      %select_n3A_517 = arith.select %eq3A_514, %broadcast_in_dim3A_516, %select_n3A_496 : vector<32x32x128xi1>, vector<32x32x128xf32>
      %reduce_min3A_518 = arith.constant dense<0x7F800000> : vector<128xf32>
      %reduce_min3A_519 = vector.multi_reduction <minimumf>, %select_n3A_517, %reduce_min3A_518 [0, 1] : vector<32x32x128xf32> to vector<128xf32>
      %broadcast_in_dim3A_520 = vector.shape_cast %reduce_min3A_519 : vector<128xf32> to vector<1x1x128xf32>
      %eq3A_521 = vector.broadcast %broadcast_in_dim3A_520 : vector<1x1x128xf32> to vector<32x32x128xf32>
      %eq3A_522 = arith.cmpf oeq, %select_n3A_517, %eq3A_521 : vector<32x32x128xf32>
      %jit3A_523 = arith.constant 8192 : i32
      %broadcast_in_dim3A_524 = vector.broadcast %jit3A_523 : i32 to vector<32x32x128xi32>
      %select_n3A_525 = arith.select %eq3A_522, %get3A_101, %broadcast_in_dim3A_524 : vector<32x32x128xi1>, vector<32x32x128xi32>
      %reduce_min3A_526 = arith.constant dense<2147483647> : vector<128xi32>
      %reduce_min3A_527 = vector.multi_reduction <minsi>, %select_n3A_525, %reduce_min3A_526 [0, 1] : vector<32x32x128xi32> to vector<128xi32>
      %mul3A_528 = arith.constant 8192 : i32
      %mul3A_529 = arith.muli %arg0, %mul3A_528 : i32
      %add3A_530 = vector.broadcast %mul3A_529 : i32 to vector<128xi32>
      %add3A_531 = arith.addi %reduce_min3A_527, %add3A_530 : vector<128xi32>
      %reshape3A_532 = vector.shape_cast %add3A_531 : vector<128xi32> to vector<1x128xi32>
      %broadcast_in_dim3A_533 = vector.shape_cast %reduce_min3A_527 : vector<128xi32> to vector<1x1x128xi32>
      %eq3A_534 = vector.broadcast %broadcast_in_dim3A_533 : vector<1x1x128xi32> to vector<32x32x128xi32>
      %eq3A_535 = arith.cmpi eq, %get3A_101, %eq3A_534 : vector<32x32x128xi32>
      %jit3A_536 = arith.constant 0x7F800000 : f32
      %broadcast_in_dim3A_537 = vector.broadcast %jit3A_536 : f32 to vector<32x32x128xf32>
      %select_n3A_538 = arith.select %eq3A_535, %broadcast_in_dim3A_537, %select_n3A_517 : vector<32x32x128xi1>, vector<32x32x128xf32>
      %reduce_min3A_539 = arith.constant dense<0x7F800000> : vector<128xf32>
      %reduce_min3A_540 = vector.multi_reduction <minimumf>, %select_n3A_538, %reduce_min3A_539 [0, 1] : vector<32x32x128xf32> to vector<128xf32>
      %broadcast_in_dim3A_541 = vector.shape_cast %reduce_min3A_540 : vector<128xf32> to vector<1x1x128xf32>
      %eq3A_542 = vector.broadcast %broadcast_in_dim3A_541 : vector<1x1x128xf32> to vector<32x32x128xf32>
      %eq3A_543 = arith.cmpf oeq, %select_n3A_538, %eq3A_542 : vector<32x32x128xf32>
      %jit3A_544 = arith.constant 8192 : i32
      %broadcast_in_dim3A_545 = vector.broadcast %jit3A_544 : i32 to vector<32x32x128xi32>
      %select_n3A_546 = arith.select %eq3A_543, %get3A_101, %broadcast_in_dim3A_545 : vector<32x32x128xi1>, vector<32x32x128xi32>
      %reduce_min3A_547 = arith.constant dense<2147483647> : vector<128xi32>
      %reduce_min3A_548 = vector.multi_reduction <minsi>, %select_n3A_546, %reduce_min3A_547 [0, 1] : vector<32x32x128xi32> to vector<128xi32>
      %mul3A_549 = arith.constant 8192 : i32
      %mul3A_550 = arith.muli %arg0, %mul3A_549 : i32
      %add3A_551 = vector.broadcast %mul3A_550 : i32 to vector<128xi32>
      %add3A_552 = arith.addi %reduce_min3A_548, %add3A_551 : vector<128xi32>
      %reshape3A_553 = vector.shape_cast %add3A_552 : vector<128xi32> to vector<1x128xi32>
      %broadcast_in_dim3A_554 = vector.shape_cast %reduce_min3A_548 : vector<128xi32> to vector<1x1x128xi32>
      %eq3A_555 = vector.broadcast %broadcast_in_dim3A_554 : vector<1x1x128xi32> to vector<32x32x128xi32>
      %eq3A_556 = arith.cmpi eq, %get3A_101, %eq3A_555 : vector<32x32x128xi32>
      %jit3A_557 = arith.constant 0x7F800000 : f32
      %broadcast_in_dim3A_558 = vector.broadcast %jit3A_557 : f32 to vector<32x32x128xf32>
      %select_n3A_559 = arith.select %eq3A_556, %broadcast_in_dim3A_558, %select_n3A_538 : vector<32x32x128xi1>, vector<32x32x128xf32>
      %reduce_min3A_560 = arith.constant dense<0x7F800000> : vector<128xf32>
      %reduce_min3A_561 = vector.multi_reduction <minimumf>, %select_n3A_559, %reduce_min3A_560 [0, 1] : vector<32x32x128xf32> to vector<128xf32>
      %broadcast_in_dim3A_562 = vector.shape_cast %reduce_min3A_561 : vector<128xf32> to vector<1x1x128xf32>
      %eq3A_563 = vector.broadcast %broadcast_in_dim3A_562 : vector<1x1x128xf32> to vector<32x32x128xf32>
      %eq3A_564 = arith.cmpf oeq, %select_n3A_559, %eq3A_563 : vector<32x32x128xf32>
      %jit3A_565 = arith.constant 8192 : i32
      %broadcast_in_dim3A_566 = vector.broadcast %jit3A_565 : i32 to vector<32x32x128xi32>
      %select_n3A_567 = arith.select %eq3A_564, %get3A_101, %broadcast_in_dim3A_566 : vector<32x32x128xi1>, vector<32x32x128xi32>
      %reduce_min3A_568 = arith.constant dense<2147483647> : vector<128xi32>
      %reduce_min3A_569 = vector.multi_reduction <minsi>, %select_n3A_567, %reduce_min3A_568 [0, 1] : vector<32x32x128xi32> to vector<128xi32>
      %mul3A_570 = arith.constant 8192 : i32
      %mul3A_571 = arith.muli %arg0, %mul3A_570 : i32
      %add3A_572 = vector.broadcast %mul3A_571 : i32 to vector<128xi32>
      %add3A_573 = arith.addi %reduce_min3A_569, %add3A_572 : vector<128xi32>
      %reshape3A_574 = vector.shape_cast %add3A_573 : vector<128xi32> to vector<1x128xi32>
      %broadcast_in_dim3A_575 = vector.shape_cast %reduce_min3A_569 : vector<128xi32> to vector<1x1x128xi32>
      %eq3A_576 = vector.broadcast %broadcast_in_dim3A_575 : vector<1x1x128xi32> to vector<32x32x128xi32>
      %eq3A_577 = arith.cmpi eq, %get3A_101, %eq3A_576 : vector<32x32x128xi32>
      %jit3A_578 = arith.constant 0x7F800000 : f32
      %broadcast_in_dim3A_579 = vector.broadcast %jit3A_578 : f32 to vector<32x32x128xf32>
      %select_n3A_580 = arith.select %eq3A_577, %broadcast_in_dim3A_579, %select_n3A_559 : vector<32x32x128xi1>, vector<32x32x128xf32>
      %reduce_min3A_581 = arith.constant dense<0x7F800000> : vector<128xf32>
      %reduce_min3A_582 = vector.multi_reduction <minimumf>, %select_n3A_580, %reduce_min3A_581 [0, 1] : vector<32x32x128xf32> to vector<128xf32>
      %broadcast_in_dim3A_583 = vector.shape_cast %reduce_min3A_582 : vector<128xf32> to vector<1x1x128xf32>
      %eq3A_584 = vector.broadcast %broadcast_in_dim3A_583 : vector<1x1x128xf32> to vector<32x32x128xf32>
      %eq3A_585 = arith.cmpf oeq, %select_n3A_580, %eq3A_584 : vector<32x32x128xf32>
      %jit3A_586 = arith.constant 8192 : i32
      %broadcast_in_dim3A_587 = vector.broadcast %jit3A_586 : i32 to vector<32x32x128xi32>
      %select_n3A_588 = arith.select %eq3A_585, %get3A_101, %broadcast_in_dim3A_587 : vector<32x32x128xi1>, vector<32x32x128xi32>
      %reduce_min3A_589 = arith.constant dense<2147483647> : vector<128xi32>
      %reduce_min3A_590 = vector.multi_reduction <minsi>, %select_n3A_588, %reduce_min3A_589 [0, 1] : vector<32x32x128xi32> to vector<128xi32>
      %mul3A_591 = arith.constant 8192 : i32
      %mul3A_592 = arith.muli %arg0, %mul3A_591 : i32
      %add3A_593 = vector.broadcast %mul3A_592 : i32 to vector<128xi32>
      %add3A_594 = arith.addi %reduce_min3A_590, %add3A_593 : vector<128xi32>
      %reshape3A_595 = vector.shape_cast %add3A_594 : vector<128xi32> to vector<1x128xi32>
      %broadcast_in_dim3A_596 = vector.shape_cast %reduce_min3A_590 : vector<128xi32> to vector<1x1x128xi32>
      %eq3A_597 = vector.broadcast %broadcast_in_dim3A_596 : vector<1x1x128xi32> to vector<32x32x128xi32>
      %eq3A_598 = arith.cmpi eq, %get3A_101, %eq3A_597 : vector<32x32x128xi32>
      %jit3A_599 = arith.constant 0x7F800000 : f32
      %broadcast_in_dim3A_600 = vector.broadcast %jit3A_599 : f32 to vector<32x32x128xf32>
      %select_n3A_601 = arith.select %eq3A_598, %broadcast_in_dim3A_600, %select_n3A_580 : vector<32x32x128xi1>, vector<32x32x128xf32>
      %reduce_min3A_602 = arith.constant dense<0x7F800000> : vector<128xf32>
      %reduce_min3A_603 = vector.multi_reduction <minimumf>, %select_n3A_601, %reduce_min3A_602 [0, 1] : vector<32x32x128xf32> to vector<128xf32>
      %broadcast_in_dim3A_604 = vector.shape_cast %reduce_min3A_603 : vector<128xf32> to vector<1x1x128xf32>
      %eq3A_605 = vector.broadcast %broadcast_in_dim3A_604 : vector<1x1x128xf32> to vector<32x32x128xf32>
      %eq3A_606 = arith.cmpf oeq, %select_n3A_601, %eq3A_605 : vector<32x32x128xf32>
      %jit3A_607 = arith.constant 8192 : i32
      %broadcast_in_dim3A_608 = vector.broadcast %jit3A_607 : i32 to vector<32x32x128xi32>
      %select_n3A_609 = arith.select %eq3A_606, %get3A_101, %broadcast_in_dim3A_608 : vector<32x32x128xi1>, vector<32x32x128xi32>
      %reduce_min3A_610 = arith.constant dense<2147483647> : vector<128xi32>
      %reduce_min3A_611 = vector.multi_reduction <minsi>, %select_n3A_609, %reduce_min3A_610 [0, 1] : vector<32x32x128xi32> to vector<128xi32>
      %mul3A_612 = arith.constant 8192 : i32
      %mul3A_613 = arith.muli %arg0, %mul3A_612 : i32
      %add3A_614 = vector.broadcast %mul3A_613 : i32 to vector<128xi32>
      %add3A_615 = arith.addi %reduce_min3A_611, %add3A_614 : vector<128xi32>
      %reshape3A_616 = vector.shape_cast %add3A_615 : vector<128xi32> to vector<1x128xi32>
      %broadcast_in_dim3A_617 = vector.shape_cast %reduce_min3A_611 : vector<128xi32> to vector<1x1x128xi32>
      %eq3A_618 = vector.broadcast %broadcast_in_dim3A_617 : vector<1x1x128xi32> to vector<32x32x128xi32>
      %eq3A_619 = arith.cmpi eq, %get3A_101, %eq3A_618 : vector<32x32x128xi32>
      %jit3A_620 = arith.constant 0x7F800000 : f32
      %broadcast_in_dim3A_621 = vector.broadcast %jit3A_620 : f32 to vector<32x32x128xf32>
      %select_n3A_622 = arith.select %eq3A_619, %broadcast_in_dim3A_621, %select_n3A_601 : vector<32x32x128xi1>, vector<32x32x128xf32>
      %reduce_min3A_623 = arith.constant dense<0x7F800000> : vector<128xf32>
      %reduce_min3A_624 = vector.multi_reduction <minimumf>, %select_n3A_622, %reduce_min3A_623 [0, 1] : vector<32x32x128xf32> to vector<128xf32>
      %broadcast_in_dim3A_625 = vector.shape_cast %reduce_min3A_624 : vector<128xf32> to vector<1x1x128xf32>
      %eq3A_626 = vector.broadcast %broadcast_in_dim3A_625 : vector<1x1x128xf32> to vector<32x32x128xf32>
      %eq3A_627 = arith.cmpf oeq, %select_n3A_622, %eq3A_626 : vector<32x32x128xf32>
      %jit3A_628 = arith.constant 8192 : i32
      %broadcast_in_dim3A_629 = vector.broadcast %jit3A_628 : i32 to vector<32x32x128xi32>
      %select_n3A_630 = arith.select %eq3A_627, %get3A_101, %broadcast_in_dim3A_629 : vector<32x32x128xi1>, vector<32x32x128xi32>
      %reduce_min3A_631 = arith.constant dense<2147483647> : vector<128xi32>
      %reduce_min3A_632 = vector.multi_reduction <minsi>, %select_n3A_630, %reduce_min3A_631 [0, 1] : vector<32x32x128xi32> to vector<128xi32>
      %mul3A_633 = arith.constant 8192 : i32
      %mul3A_634 = arith.muli %arg0, %mul3A_633 : i32
      %add3A_635 = vector.broadcast %mul3A_634 : i32 to vector<128xi32>
      %add3A_636 = arith.addi %reduce_min3A_632, %add3A_635 : vector<128xi32>
      %reshape3A_637 = vector.shape_cast %add3A_636 : vector<128xi32> to vector<1x128xi32>
      %broadcast_in_dim3A_638 = vector.shape_cast %reduce_min3A_632 : vector<128xi32> to vector<1x1x128xi32>
      %eq3A_639 = vector.broadcast %broadcast_in_dim3A_638 : vector<1x1x128xi32> to vector<32x32x128xi32>
      %eq3A_640 = arith.cmpi eq, %get3A_101, %eq3A_639 : vector<32x32x128xi32>
      %jit3A_641 = arith.constant 0x7F800000 : f32
      %broadcast_in_dim3A_642 = vector.broadcast %jit3A_641 : f32 to vector<32x32x128xf32>
      %select_n3A_643 = arith.select %eq3A_640, %broadcast_in_dim3A_642, %select_n3A_622 : vector<32x32x128xi1>, vector<32x32x128xf32>
      %reduce_min3A_644 = arith.constant dense<0x7F800000> : vector<128xf32>
      %reduce_min3A_645 = vector.multi_reduction <minimumf>, %select_n3A_643, %reduce_min3A_644 [0, 1] : vector<32x32x128xf32> to vector<128xf32>
      %broadcast_in_dim3A_646 = vector.shape_cast %reduce_min3A_645 : vector<128xf32> to vector<1x1x128xf32>
      %eq3A_647 = vector.broadcast %broadcast_in_dim3A_646 : vector<1x1x128xf32> to vector<32x32x128xf32>
      %eq3A_648 = arith.cmpf oeq, %select_n3A_643, %eq3A_647 : vector<32x32x128xf32>
      %jit3A_649 = arith.constant 8192 : i32
      %broadcast_in_dim3A_650 = vector.broadcast %jit3A_649 : i32 to vector<32x32x128xi32>
      %select_n3A_651 = arith.select %eq3A_648, %get3A_101, %broadcast_in_dim3A_650 : vector<32x32x128xi1>, vector<32x32x128xi32>
      %reduce_min3A_652 = arith.constant dense<2147483647> : vector<128xi32>
      %reduce_min3A_653 = vector.multi_reduction <minsi>, %select_n3A_651, %reduce_min3A_652 [0, 1] : vector<32x32x128xi32> to vector<128xi32>
      %mul3A_654 = arith.constant 8192 : i32
      %mul3A_655 = arith.muli %arg0, %mul3A_654 : i32
      %add3A_656 = vector.broadcast %mul3A_655 : i32 to vector<128xi32>
      %add3A_657 = arith.addi %reduce_min3A_653, %add3A_656 : vector<128xi32>
      %reshape3A_658 = vector.shape_cast %add3A_657 : vector<128xi32> to vector<1x128xi32>
      %broadcast_in_dim3A_659 = vector.shape_cast %reduce_min3A_653 : vector<128xi32> to vector<1x1x128xi32>
      %eq3A_660 = vector.broadcast %broadcast_in_dim3A_659 : vector<1x1x128xi32> to vector<32x32x128xi32>
      %eq3A_661 = arith.cmpi eq, %get3A_101, %eq3A_660 : vector<32x32x128xi32>
      %jit3A_662 = arith.constant 0x7F800000 : f32
      %broadcast_in_dim3A_663 = vector.broadcast %jit3A_662 : f32 to vector<32x32x128xf32>
      %select_n3A_664 = arith.select %eq3A_661, %broadcast_in_dim3A_663, %select_n3A_643 : vector<32x32x128xi1>, vector<32x32x128xf32>
      %reduce_min3A_665 = arith.constant dense<0x7F800000> : vector<128xf32>
      %reduce_min3A_666 = vector.multi_reduction <minimumf>, %select_n3A_664, %reduce_min3A_665 [0, 1] : vector<32x32x128xf32> to vector<128xf32>
      %broadcast_in_dim3A_667 = vector.shape_cast %reduce_min3A_666 : vector<128xf32> to vector<1x1x128xf32>
      %eq3A_668 = vector.broadcast %broadcast_in_dim3A_667 : vector<1x1x128xf32> to vector<32x32x128xf32>
      %eq3A_669 = arith.cmpf oeq, %select_n3A_664, %eq3A_668 : vector<32x32x128xf32>
      %jit3A_670 = arith.constant 8192 : i32
      %broadcast_in_dim3A_671 = vector.broadcast %jit3A_670 : i32 to vector<32x32x128xi32>
      %select_n3A_672 = arith.select %eq3A_669, %get3A_101, %broadcast_in_dim3A_671 : vector<32x32x128xi1>, vector<32x32x128xi32>
      %reduce_min3A_673 = arith.constant dense<2147483647> : vector<128xi32>
      %reduce_min3A_674 = vector.multi_reduction <minsi>, %select_n3A_672, %reduce_min3A_673 [0, 1] : vector<32x32x128xi32> to vector<128xi32>
      %mul3A_675 = arith.constant 8192 : i32
      %mul3A_676 = arith.muli %arg0, %mul3A_675 : i32
      %add3A_677 = vector.broadcast %mul3A_676 : i32 to vector<128xi32>
      %add3A_678 = arith.addi %reduce_min3A_674, %add3A_677 : vector<128xi32>
      %reshape3A_679 = vector.shape_cast %add3A_678 : vector<128xi32> to vector<1x128xi32>
      %broadcast_in_dim3A_680 = vector.shape_cast %reduce_min3A_674 : vector<128xi32> to vector<1x1x128xi32>
      %eq3A_681 = vector.broadcast %broadcast_in_dim3A_680 : vector<1x1x128xi32> to vector<32x32x128xi32>
      %eq3A_682 = arith.cmpi eq, %get3A_101, %eq3A_681 : vector<32x32x128xi32>
      %jit3A_683 = arith.constant 0x7F800000 : f32
      %broadcast_in_dim3A_684 = vector.broadcast %jit3A_683 : f32 to vector<32x32x128xf32>
      %select_n3A_685 = arith.select %eq3A_682, %broadcast_in_dim3A_684, %select_n3A_664 : vector<32x32x128xi1>, vector<32x32x128xf32>
      %reduce_min3A_686 = arith.constant dense<0x7F800000> : vector<128xf32>
      %reduce_min3A_687 = vector.multi_reduction <minimumf>, %select_n3A_685, %reduce_min3A_686 [0, 1] : vector<32x32x128xf32> to vector<128xf32>
      %broadcast_in_dim3A_688 = vector.shape_cast %reduce_min3A_687 : vector<128xf32> to vector<1x1x128xf32>
      %eq3A_689 = vector.broadcast %broadcast_in_dim3A_688 : vector<1x1x128xf32> to vector<32x32x128xf32>
      %eq3A_690 = arith.cmpf oeq, %select_n3A_685, %eq3A_689 : vector<32x32x128xf32>
      %jit3A_691 = arith.constant 8192 : i32
      %broadcast_in_dim3A_692 = vector.broadcast %jit3A_691 : i32 to vector<32x32x128xi32>
      %select_n3A_693 = arith.select %eq3A_690, %get3A_101, %broadcast_in_dim3A_692 : vector<32x32x128xi1>, vector<32x32x128xi32>
      %reduce_min3A_694 = arith.constant dense<2147483647> : vector<128xi32>
      %reduce_min3A_695 = vector.multi_reduction <minsi>, %select_n3A_693, %reduce_min3A_694 [0, 1] : vector<32x32x128xi32> to vector<128xi32>
      %mul3A_696 = arith.constant 8192 : i32
      %mul3A_697 = arith.muli %arg0, %mul3A_696 : i32
      %add3A_698 = vector.broadcast %mul3A_697 : i32 to vector<128xi32>
      %add3A_699 = arith.addi %reduce_min3A_695, %add3A_698 : vector<128xi32>
      %reshape3A_700 = vector.shape_cast %add3A_699 : vector<128xi32> to vector<1x128xi32>
      %broadcast_in_dim3A_701 = vector.shape_cast %reduce_min3A_695 : vector<128xi32> to vector<1x1x128xi32>
      %eq3A_702 = vector.broadcast %broadcast_in_dim3A_701 : vector<1x1x128xi32> to vector<32x32x128xi32>
      %eq3A_703 = arith.cmpi eq, %get3A_101, %eq3A_702 : vector<32x32x128xi32>
      %jit3A_704 = arith.constant 0x7F800000 : f32
      %broadcast_in_dim3A_705 = vector.broadcast %jit3A_704 : f32 to vector<32x32x128xf32>
      %select_n3A_706 = arith.select %eq3A_703, %broadcast_in_dim3A_705, %select_n3A_685 : vector<32x32x128xi1>, vector<32x32x128xf32>
      %reduce_min3A_707 = arith.constant dense<0x7F800000> : vector<128xf32>
      %reduce_min3A_708 = vector.multi_reduction <minimumf>, %select_n3A_706, %reduce_min3A_707 [0, 1] : vector<32x32x128xf32> to vector<128xf32>
      %broadcast_in_dim3A_709 = vector.shape_cast %reduce_min3A_708 : vector<128xf32> to vector<1x1x128xf32>
      %eq3A_710 = vector.broadcast %broadcast_in_dim3A_709 : vector<1x1x128xf32> to vector<32x32x128xf32>
      %eq3A_711 = arith.cmpf oeq, %select_n3A_706, %eq3A_710 : vector<32x32x128xf32>
      %jit3A_712 = arith.constant 8192 : i32
      %broadcast_in_dim3A_713 = vector.broadcast %jit3A_712 : i32 to vector<32x32x128xi32>
      %select_n3A_714 = arith.select %eq3A_711, %get3A_101, %broadcast_in_dim3A_713 : vector<32x32x128xi1>, vector<32x32x128xi32>
      %reduce_min3A_715 = arith.constant dense<2147483647> : vector<128xi32>
      %reduce_min3A_716 = vector.multi_reduction <minsi>, %select_n3A_714, %reduce_min3A_715 [0, 1] : vector<32x32x128xi32> to vector<128xi32>
      %mul3A_717 = arith.constant 8192 : i32
      %mul3A_718 = arith.muli %arg0, %mul3A_717 : i32
      %add3A_719 = vector.broadcast %mul3A_718 : i32 to vector<128xi32>
      %add3A_720 = arith.addi %reduce_min3A_716, %add3A_719 : vector<128xi32>
      %reshape3A_721 = vector.shape_cast %add3A_720 : vector<128xi32> to vector<1x128xi32>
      %broadcast_in_dim3A_722 = vector.shape_cast %reduce_min3A_716 : vector<128xi32> to vector<1x1x128xi32>
      %eq3A_723 = vector.broadcast %broadcast_in_dim3A_722 : vector<1x1x128xi32> to vector<32x32x128xi32>
      %eq3A_724 = arith.cmpi eq, %get3A_101, %eq3A_723 : vector<32x32x128xi32>
      %jit3A_725 = arith.constant 0x7F800000 : f32
      %broadcast_in_dim3A_726 = vector.broadcast %jit3A_725 : f32 to vector<32x32x128xf32>
      %select_n3A_727 = arith.select %eq3A_724, %broadcast_in_dim3A_726, %select_n3A_706 : vector<32x32x128xi1>, vector<32x32x128xf32>
      %reduce_min3A_728 = arith.constant dense<0x7F800000> : vector<128xf32>
      %reduce_min3A_729 = vector.multi_reduction <minimumf>, %select_n3A_727, %reduce_min3A_728 [0, 1] : vector<32x32x128xf32> to vector<128xf32>
      %broadcast_in_dim3A_730 = vector.shape_cast %reduce_min3A_729 : vector<128xf32> to vector<1x1x128xf32>
      %eq3A_731 = vector.broadcast %broadcast_in_dim3A_730 : vector<1x1x128xf32> to vector<32x32x128xf32>
      %eq3A_732 = arith.cmpf oeq, %select_n3A_727, %eq3A_731 : vector<32x32x128xf32>
      %jit3A_733 = arith.constant 8192 : i32
      %broadcast_in_dim3A_734 = vector.broadcast %jit3A_733 : i32 to vector<32x32x128xi32>
      %select_n3A_735 = arith.select %eq3A_732, %get3A_101, %broadcast_in_dim3A_734 : vector<32x32x128xi1>, vector<32x32x128xi32>
      %reduce_min3A_736 = arith.constant dense<2147483647> : vector<128xi32>
      %reduce_min3A_737 = vector.multi_reduction <minsi>, %select_n3A_735, %reduce_min3A_736 [0, 1] : vector<32x32x128xi32> to vector<128xi32>
      %mul3A_738 = arith.constant 8192 : i32
      %mul3A_739 = arith.muli %arg0, %mul3A_738 : i32
      %add3A_740 = vector.broadcast %mul3A_739 : i32 to vector<128xi32>
      %add3A_741 = arith.addi %reduce_min3A_737, %add3A_740 : vector<128xi32>
      %reshape3A_742 = vector.shape_cast %add3A_741 : vector<128xi32> to vector<1x128xi32>
      %broadcast_in_dim3A_743 = vector.shape_cast %reduce_min3A_737 : vector<128xi32> to vector<1x1x128xi32>
      %eq3A_744 = vector.broadcast %broadcast_in_dim3A_743 : vector<1x1x128xi32> to vector<32x32x128xi32>
      %eq3A_745 = arith.cmpi eq, %get3A_101, %eq3A_744 : vector<32x32x128xi32>
      %jit3A_746 = arith.constant 0x7F800000 : f32
      %broadcast_in_dim3A_747 = vector.broadcast %jit3A_746 : f32 to vector<32x32x128xf32>
      %select_n3A_748 = arith.select %eq3A_745, %broadcast_in_dim3A_747, %select_n3A_727 : vector<32x32x128xi1>, vector<32x32x128xf32>
      %reduce_min3A_749 = arith.constant dense<0x7F800000> : vector<128xf32>
      %reduce_min3A_750 = vector.multi_reduction <minimumf>, %select_n3A_748, %reduce_min3A_749 [0, 1] : vector<32x32x128xf32> to vector<128xf32>
      %broadcast_in_dim3A_751 = vector.shape_cast %reduce_min3A_750 : vector<128xf32> to vector<1x1x128xf32>
      %eq3A_752 = vector.broadcast %broadcast_in_dim3A_751 : vector<1x1x128xf32> to vector<32x32x128xf32>
      %eq3A_753 = arith.cmpf oeq, %select_n3A_748, %eq3A_752 : vector<32x32x128xf32>
      %jit3A_754 = arith.constant 8192 : i32
      %broadcast_in_dim3A_755 = vector.broadcast %jit3A_754 : i32 to vector<32x32x128xi32>
      %select_n3A_756 = arith.select %eq3A_753, %get3A_101, %broadcast_in_dim3A_755 : vector<32x32x128xi1>, vector<32x32x128xi32>
      %reduce_min3A_757 = arith.constant dense<2147483647> : vector<128xi32>
      %reduce_min3A_758 = vector.multi_reduction <minsi>, %select_n3A_756, %reduce_min3A_757 [0, 1] : vector<32x32x128xi32> to vector<128xi32>
      %mul3A_759 = arith.constant 8192 : i32
      %mul3A_760 = arith.muli %arg0, %mul3A_759 : i32
      %add3A_761 = vector.broadcast %mul3A_760 : i32 to vector<128xi32>
      %add3A_762 = arith.addi %reduce_min3A_758, %add3A_761 : vector<128xi32>
      %reshape3A_763 = vector.shape_cast %add3A_762 : vector<128xi32> to vector<1x128xi32>
      %concatenate3A = tpu.concatenate %reshape3A_112, %reshape3A_133, %reshape3A_154, %reshape3A_175, %reshape3A_196, %reshape3A_217, %reshape3A_238, %reshape3A_259, %reshape3A_280, %reshape3A_301, %reshape3A_322, %reshape3A_343, %reshape3A_364, %reshape3A_385, %reshape3A_406, %reshape3A_427, %reshape3A_448, %reshape3A_469, %reshape3A_490, %reshape3A_511, %reshape3A_532, %reshape3A_553, %reshape3A_574, %reshape3A_595, %reshape3A_616, %reshape3A_637, %reshape3A_658, %reshape3A_679, %reshape3A_700, %reshape3A_721, %reshape3A_742, %reshape3A_763 in 0 : vector<1x128xi32>, vector<1x128xi32>, vector<1x128xi32>, vector<1x128xi32>, vector<1x128xi32>, vector<1x128xi32>, vector<1x128xi32>, vector<1x128xi32>, vector<1x128xi32>, vector<1x128xi32>, vector<1x128xi32>, vector<1x128xi32>, vector<1x128xi32>, vector<1x128xi32>, vector<1x128xi32>, vector<1x128xi32>, vector<1x128xi32>, vector<1x128xi32>, vector<1x128xi32>, vector<1x128xi32>, vector<1x128xi32>, vector<1x128xi32>, vector<1x128xi32>, vector<1x128xi32>, vector<1x128xi32>, vector<1x128xi32>, vector<1x128xi32>, vector<1x128xi32>, vector<1x128xi32>, vector<1x128xi32>, vector<1x128xi32>, vector<1x128xi32> -> vector<32x128xi32>
      %swap3A_764 = arith.constant 0 : index
      %swap3A_765 = arith.constant 0 : index
      %swap3A_766 = arith.constant 0 : index
      %swap3A_767 = vector.load %arg4[%swap3A_764, %swap3A_765, %swap3A_766] : memref<1x32x128xi32, #tpu.memory_space<vmem>>, vector<1x32x128xi32>
      %swap3A_768 = vector.shape_cast %swap3A_767 : vector<1x32x128xi32> to vector<32x128xi32>
      %swap3A_769 = vector.shape_cast %concatenate3A : vector<32x128xi32> to vector<1x32x128xi32>
      tpu.vector_store %arg4[%swap3A_764, %swap3A_765, %swap3A_766], %swap3A_769 {strides = array<i32>} : memref<1x32x128xi32, #tpu.memory_space<vmem>>, vector<1x32x128xi32>,
    } else {
    }
    return
  }
  func.func @transform_0(%arg0: i32, %arg1: i32) -> (i32, i32, i32, i32) {
    %c0_i32 = arith.constant 0 : i32
    %c0_i32_0 = arith.constant 0 : i32
    %c0_i32_1 = arith.constant 0 : i32
    %c0_i32_2 = arith.constant 0 : i32
    return %arg0, %c0_i32, %c0_i32_0, %c0_i32_1 : i32, i32, i32, i32
  }
  func.func @transform_1(%arg0: i32, %arg1: i32) -> (i32, i32, i32) {
    %c0_i32 = arith.constant 0 : i32
    %c0_i32_0 = arith.constant 0 : i32
    return %arg0, %arg1, %c0_i32 : i32, i32, i32
  }
  func.func @transform_2(%arg0: i32, %arg1: i32) -> (i32, i32, i32) {
    %c0_i32 = arith.constant 0 : i32
    %c0_i32_0 = arith.constant 0 : i32
    return %arg0, %c0_i32, %arg1 : i32, i32, i32
  }
}

module attributes {stable_mosaic.version = 14 : i64} {
  func.func @_stats1_kernel(%arg0: i32, %arg1: memref<2048x128xf32, #tpu.memory_space<vmem>>, %arg2: memref<2048x3xf32, #tpu.memory_space<vmem>>, %arg3: memref<128x64xf32, #tpu.memory_space<vmem>>, %arg4: memref<3x64xf32, #tpu.memory_space<vmem>>, %arg5: memref<1x64xf32, #tpu.memory_space<vmem>>, %arg6: memref<2x64xf32, #tpu.memory_space<vmem>>) attributes {dimension_semantics = [#tpu.dimension_semantics<arbitrary>], iteration_bounds = array<i64: 128>, scalar_prefetch = 0 : i64, scratch_operands = 0 : i64, tpu.core_type = #tpu.core_type<tc>, window_params = [{transform_indices = @transform_0, window_bounds = array<i64: 2048, 128>}, {transform_indices = @transform_1, window_bounds = array<i64: 2048, 3>}, {pipeline_mode = #tpu.pipeline_mode<synchronous>, transform_indices = @transform_2, window_bounds = array<i64: 128, 64>}, {pipeline_mode = #tpu.pipeline_mode<synchronous>, transform_indices = @transform_3, window_bounds = array<i64: 3, 64>}, {pipeline_mode = #tpu.pipeline_mode<synchronous>, transform_indices = @transform_4, window_bounds = array<i64: 1, 64>}, {pipeline_mode = #tpu.pipeline_mode<synchronous>, transform_indices = @transform_5, window_bounds = array<i64: 2, 64>}]} {
    %get3A = arith.constant 0 : index
    %get3A_0 = arith.constant 0 : index
    %get3A_1 = vector.load %arg1[%get3A, %get3A_0] : memref<2048x128xf32, #tpu.memory_space<vmem>>, vector<2048x128xf32>
    %get3A_2 = arith.constant 0 : index
    %get3A_3 = arith.constant 0 : index
    %get3A_4 = vector.load %arg3[%get3A_2, %get3A_3] : memref<128x64xf32, #tpu.memory_space<vmem>>, vector<128x64xf32>
    %dot_general3A = arith.constant dense<0.000000e+00> : vector<2048x64xf32>
    %dot_general3A_5 = tpu.matmul %get3A_1, %get3A_4, %dot_general3A {dimension_numbers = #tpu.dot_dimension_numbers<[1], [0], [0], [1], [0, 0, 1, 1], [], []>, transpose_lhs_hint = false} : vector<2048x128xf32>, vector<128x64xf32>, vector<2048x64xf32> -> vector<2048x64xf32>
    %get3A_6 = arith.constant 0 : index
    %get3A_7 = arith.constant 0 : index
    %get3A_8 = vector.load %arg2[%get3A_6, %get3A_7] : memref<2048x3xf32, #tpu.memory_space<vmem>>, vector<2048x3xf32>
    %get3A_9 = arith.constant 0 : index
    %get3A_10 = arith.constant 0 : index
    %get3A_11 = vector.load %arg4[%get3A_9, %get3A_10] : memref<3x64xf32, #tpu.memory_space<vmem>>, vector<3x64xf32>
    %dot_general3A_12 = arith.constant dense<0.000000e+00> : vector<2048x64xf32>
    %dot_general3A_13 = tpu.matmul %get3A_8, %get3A_11, %dot_general3A_12 {dimension_numbers = #tpu.dot_dimension_numbers<[1], [0], [0], [1], [0, 0, 1, 1], [], []>, transpose_lhs_hint = false} : vector<2048x3xf32>, vector<3x64xf32>, vector<2048x64xf32> -> vector<2048x64xf32>
    %sub3A = arith.subf %dot_general3A_5, %dot_general3A_13 : vector<2048x64xf32>
    %get3A_14 = arith.constant 0 : index
    %get3A_15 = arith.constant 0 : index
    %get3A_16 = vector.load %arg5[%get3A_14, %get3A_15] : memref<1x64xf32, #tpu.memory_space<vmem>>, vector<1x64xf32>
    %add3A = vector.broadcast %get3A_16 : vector<1x64xf32> to vector<2048x64xf32>
    %add3A_17 = arith.addf %sub3A, %add3A : vector<2048x64xf32>
    %reduce_sum3A = arith.constant dense<0.000000e+00> : vector<64xf32>
    %reduce_sum3A_18 = vector.multi_reduction <add>, %add3A_17, %reduce_sum3A [0] : vector<2048x64xf32> to vector<64xf32>
    %broadcast_in_dim3A = vector.shape_cast %reduce_sum3A_18 : vector<64xf32> to vector<1x64xf32>
    %mul3A = arith.mulf %add3A_17, %add3A_17 : vector<2048x64xf32>
    %reduce_sum3A_19 = arith.constant dense<0.000000e+00> : vector<64xf32>
    %reduce_sum3A_20 = vector.multi_reduction <add>, %mul3A, %reduce_sum3A_19 [0] : vector<2048x64xf32> to vector<64xf32>
    %broadcast_in_dim3A_21 = vector.shape_cast %reduce_sum3A_20 : vector<64xf32> to vector<1x64xf32>
    %concatenate3A = tpu.concatenate %broadcast_in_dim3A, %broadcast_in_dim3A_21 in 0 : vector<1x64xf32>, vector<1x64xf32> -> vector<2x64xf32>
    %eq3A = arith.constant 0 : i32
    %eq3A_22 = arith.cmpi eq, %arg0, %eq3A : i32
    %convert_element_type3A = arith.extui %eq3A_22 : i1 to i32
    %cond3A = arith.constant 0 : i32
    %cond3A_23 = arith.cmpi ne, %convert_element_type3A, %cond3A : i32
    scf.if %cond3A_23 {
      %broadcast_in_dim3A_30 = arith.constant 0.000000e+00 : f32
      %broadcast_in_dim3A_31 = vector.broadcast %broadcast_in_dim3A_30 : f32 to vector<2x64xf32>
      %swap3A_32 = arith.constant 0 : index
      %swap3A_33 = arith.constant 0 : index
      %swap3A_34 = vector.load %arg6[%swap3A_32, %swap3A_33] : memref<2x64xf32, #tpu.memory_space<vmem>>, vector<2x64xf32>
      tpu.vector_store %arg6[%swap3A_32, %swap3A_33], %broadcast_in_dim3A_31 {strides = array<i32>} : memref<2x64xf32, #tpu.memory_space<vmem>>, vector<2x64xf32>,
    } else {
    }
    %get3A_24 = arith.constant 0 : index
    %get3A_25 = arith.constant 0 : index
    %get3A_26 = vector.load %arg6[%get3A_24, %get3A_25] : memref<2x64xf32, #tpu.memory_space<vmem>>, vector<2x64xf32>
    %add3A_27 = arith.addf %get3A_26, %concatenate3A : vector<2x64xf32>
    %swap3A = arith.constant 0 : index
    %swap3A_28 = arith.constant 0 : index
    %swap3A_29 = vector.load %arg6[%swap3A, %swap3A_28] : memref<2x64xf32, #tpu.memory_space<vmem>>, vector<2x64xf32>
    tpu.vector_store %arg6[%swap3A, %swap3A_28], %add3A_27 {strides = array<i32>} : memref<2x64xf32, #tpu.memory_space<vmem>>, vector<2x64xf32>,
    return
  }
  func.func @transform_0(%arg0: i32) -> (i32, i32) {
    %c0_i32 = arith.constant 0 : i32
    %c0_i32_0 = arith.constant 0 : i32
    return %arg0, %c0_i32 : i32, i32
  }
  func.func @transform_1(%arg0: i32) -> (i32, i32) {
    %c0_i32 = arith.constant 0 : i32
    %c0_i32_0 = arith.constant 0 : i32
    return %arg0, %c0_i32 : i32, i32
  }
  func.func @transform_2(%arg0: i32) -> (i32, i32) {
    %c0_i32 = arith.constant 0 : i32
    %c0_i32_0 = arith.constant 0 : i32
    %c0_i32_1 = arith.constant 0 : i32
    return %c0_i32, %c0_i32_0 : i32, i32
  }
  func.func @transform_3(%arg0: i32) -> (i32, i32) {
    %c0_i32 = arith.constant 0 : i32
    %c0_i32_0 = arith.constant 0 : i32
    %c0_i32_1 = arith.constant 0 : i32
    return %c0_i32, %c0_i32_0 : i32, i32
  }
  func.func @transform_4(%arg0: i32) -> (i32, i32) {
    %c0_i32 = arith.constant 0 : i32
    %c0_i32_0 = arith.constant 0 : i32
    %c0_i32_1 = arith.constant 0 : i32
    return %c0_i32, %c0_i32_0 : i32, i32
  }
  func.func @transform_5(%arg0: i32) -> (i32, i32) {
    %c0_i32 = arith.constant 0 : i32
    %c0_i32_0 = arith.constant 0 : i32
    %c0_i32_1 = arith.constant 0 : i32
    return %c0_i32, %c0_i32_0 : i32, i32
  }
}

module attributes {stable_mosaic.version = 14 : i64} {
  func.func @_layer2_kernel(%arg0: i32, %arg1: memref<2048x128xf32, #tpu.memory_space<vmem>>, %arg2: memref<2048x3xf32, #tpu.memory_space<vmem>>, %arg3: memref<128x64xf32, #tpu.memory_space<vmem>>, %arg4: memref<3x64xf32, #tpu.memory_space<vmem>>, %arg5: memref<1x64xf32, #tpu.memory_space<vmem>>, %arg6: memref<1x64xf32, #tpu.memory_space<vmem>>, %arg7: memref<1x64xf32, #tpu.memory_space<vmem>>, %arg8: memref<2x64xf32, #tpu.memory_space<vmem>>, %arg9: memref<64x128xf32, #tpu.memory_space<vmem>>, %arg10: memref<1x128xf32, #tpu.memory_space<vmem>>, %arg11: memref<2x128xf32, #tpu.memory_space<vmem>>, %arg12: memref<64x128xf32, #tpu.memory_space<vmem>>, %arg13: memref<64x128xf32, #tpu.memory_space<vmem>>) attributes {dimension_semantics = [#tpu.dimension_semantics<arbitrary>], iteration_bounds = array<i64: 128>, scalar_prefetch = 0 : i64, scratch_operands = 0 : i64, tpu.core_type = #tpu.core_type<tc>, window_params = [{transform_indices = @transform_0, window_bounds = array<i64: 2048, 128>}, {transform_indices = @transform_1, window_bounds = array<i64: 2048, 3>}, {pipeline_mode = #tpu.pipeline_mode<synchronous>, transform_indices = @transform_2, window_bounds = array<i64: 128, 64>}, {pipeline_mode = #tpu.pipeline_mode<synchronous>, transform_indices = @transform_3, window_bounds = array<i64: 3, 64>}, {pipeline_mode = #tpu.pipeline_mode<synchronous>, transform_indices = @transform_4, window_bounds = array<i64: 1, 64>}, {pipeline_mode = #tpu.pipeline_mode<synchronous>, transform_indices = @transform_5, window_bounds = array<i64: 1, 64>}, {pipeline_mode = #tpu.pipeline_mode<synchronous>, transform_indices = @transform_6, window_bounds = array<i64: 1, 64>}, {pipeline_mode = #tpu.pipeline_mode<synchronous>, transform_indices = @transform_7, window_bounds = array<i64: 2, 64>}, {pipeline_mode = #tpu.pipeline_mode<synchronous>, transform_indices = @transform_8, window_bounds = array<i64: 64, 128>}, {pipeline_mode = #tpu.pipeline_mode<synchronous>, transform_indices = @transform_9, window_bounds = array<i64: 1, 128>}, {pipeline_mode = #tpu.pipeline_mode<synchronous>, transform_indices = @transform_10, window_bounds = array<i64: 2, 128>}, {transform_indices = @transform_11, window_bounds = array<i64: 64, 128>}, {transform_indices = @transform_12, window_bounds = array<i64: 64, 128>}]} {
    %get3A = arith.constant 0 : index
    %get3A_0 = arith.constant 0 : index
    %get3A_1 = vector.load %arg8[%get3A, %get3A_0] : memref<2x64xf32, #tpu.memory_space<vmem>>, vector<1x64xf32>
    %get3A_2 = arith.constant 1 : index
    %get3A_3 = arith.constant 0 : index
    %get3A_4 = vector.load %arg8[%get3A_2, %get3A_3] : memref<2x64xf32, #tpu.memory_space<vmem>>, vector<1x64xf32>
    %div3A = arith.constant 2.621440e+05 : f32
    %div3A_5 = vector.broadcast %div3A : f32 to vector<1x64xf32>
    %div3A_6 = arith.divf %get3A_1, %div3A_5 : vector<1x64xf32>
    %div3A_7 = arith.constant 2.621440e+05 : f32
    %div3A_8 = vector.broadcast %div3A_7 : f32 to vector<1x64xf32>
    %div3A_9 = arith.divf %get3A_4, %div3A_8 : vector<1x64xf32>
    %mul3A = arith.mulf %div3A_6, %div3A_6 : vector<1x64xf32>
    %sub3A = arith.subf %div3A_9, %mul3A : vector<1x64xf32>
    %get3A_10 = arith.constant 0 : index
    %get3A_11 = arith.constant 0 : index
    %get3A_12 = vector.load %arg6[%get3A_10, %get3A_11] : memref<1x64xf32, #tpu.memory_space<vmem>>, vector<1x64xf32>
    %add3A = arith.constant 9.99999974E-6 : f32
    %add3A_13 = vector.broadcast %add3A : f32 to vector<1x64xf32>
    %add3A_14 = arith.addf %sub3A, %add3A_13 : vector<1x64xf32>
    %rsqrt3A = math.rsqrt %add3A_14 : vector<1x64xf32>
    %mul3A_15 = arith.mulf %get3A_12, %rsqrt3A : vector<1x64xf32>
    %get3A_16 = arith.constant 0 : index
    %get3A_17 = arith.constant 0 : index
    %get3A_18 = vector.load %arg7[%get3A_16, %get3A_17] : memref<1x64xf32, #tpu.memory_space<vmem>>, vector<1x64xf32>
    %mul3A_19 = arith.mulf %div3A_6, %mul3A_15 : vector<1x64xf32>
    %sub3A_20 = arith.subf %get3A_18, %mul3A_19 : vector<1x64xf32>
    %get3A_21 = arith.constant 0 : index
    %get3A_22 = arith.constant 0 : index
    %get3A_23 = vector.load %arg1[%get3A_21, %get3A_22] : memref<2048x128xf32, #tpu.memory_space<vmem>>, vector<2048x128xf32>
    %get3A_24 = arith.constant 0 : index
    %get3A_25 = arith.constant 0 : index
    %get3A_26 = vector.load %arg3[%get3A_24, %get3A_25] : memref<128x64xf32, #tpu.memory_space<vmem>>, vector<128x64xf32>
    %dot_general3A = arith.constant dense<0.000000e+00> : vector<2048x64xf32>
    %dot_general3A_27 = tpu.matmul %get3A_23, %get3A_26, %dot_general3A {dimension_numbers = #tpu.dot_dimension_numbers<[1], [0], [0], [1], [0, 0, 1, 1], [], []>, transpose_lhs_hint = false} : vector<2048x128xf32>, vector<128x64xf32>, vector<2048x64xf32> -> vector<2048x64xf32>
    %get3A_28 = arith.constant 0 : index
    %get3A_29 = arith.constant 0 : index
    %get3A_30 = vector.load %arg2[%get3A_28, %get3A_29] : memref<2048x3xf32, #tpu.memory_space<vmem>>, vector<2048x3xf32>
    %get3A_31 = arith.constant 0 : index
    %get3A_32 = arith.constant 0 : index
    %get3A_33 = vector.load %arg4[%get3A_31, %get3A_32] : memref<3x64xf32, #tpu.memory_space<vmem>>, vector<3x64xf32>
    %dot_general3A_34 = arith.constant dense<0.000000e+00> : vector<2048x64xf32>
    %dot_general3A_35 = tpu.matmul %get3A_30, %get3A_33, %dot_general3A_34 {dimension_numbers = #tpu.dot_dimension_numbers<[1], [0], [0], [1], [0, 0, 1, 1], [], []>, transpose_lhs_hint = false} : vector<2048x3xf32>, vector<3x64xf32>, vector<2048x64xf32> -> vector<2048x64xf32>
    %sub3A_36 = arith.subf %dot_general3A_27, %dot_general3A_35 : vector<2048x64xf32>
    %get3A_37 = arith.constant 0 : index
    %get3A_38 = arith.constant 0 : index
    %get3A_39 = vector.load %arg5[%get3A_37, %get3A_38] : memref<1x64xf32, #tpu.memory_space<vmem>>, vector<1x64xf32>
    %add3A_40 = vector.broadcast %get3A_39 : vector<1x64xf32> to vector<2048x64xf32>
    %add3A_41 = arith.addf %sub3A_36, %add3A_40 : vector<2048x64xf32>
    %mul3A_42 = vector.broadcast %mul3A_15 : vector<1x64xf32> to vector<2048x64xf32>
    %mul3A_43 = arith.mulf %add3A_41, %mul3A_42 : vector<2048x64xf32>
    %add3A_44 = vector.broadcast %sub3A_20 : vector<1x64xf32> to vector<2048x64xf32>
    %add3A_45 = arith.addf %mul3A_43, %add3A_44 : vector<2048x64xf32>
    %max3A = arith.constant 0.000000e+00 : f32
    %max3A_46 = vector.broadcast %max3A : f32 to vector<2048x64xf32>
    %max3A_47 = arith.maximumf %add3A_45, %max3A_46 : vector<2048x64xf32>
    %get3A_48 = arith.constant 0 : index
    %get3A_49 = arith.constant 0 : index
    %get3A_50 = vector.load %arg9[%get3A_48, %get3A_49] : memref<64x128xf32, #tpu.memory_space<vmem>>, vector<64x128xf32>
    %dot_general3A_51 = arith.constant dense<0.000000e+00> : vector<2048x128xf32>
    %dot_general3A_52 = tpu.matmul %max3A_47, %get3A_50, %dot_general3A_51 {dimension_numbers = #tpu.dot_dimension_numbers<[1], [0], [0], [1], [0, 0, 1, 1], [], []>, transpose_lhs_hint = false} : vector<2048x64xf32>, vector<64x128xf32>, vector<2048x128xf32> -> vector<2048x128xf32>
    %get3A_53 = arith.constant 0 : index
    %get3A_54 = arith.constant 0 : index
    %get3A_55 = vector.load %arg10[%get3A_53, %get3A_54] : memref<1x128xf32, #tpu.memory_space<vmem>>, vector<1x128xf32>
    %add3A_56 = vector.broadcast %get3A_55 : vector<1x128xf32> to vector<2048x128xf32>
    %add3A_57 = arith.addf %dot_general3A_52, %add3A_56 : vector<2048x128xf32>
    %reduce_sum3A = arith.constant dense<0.000000e+00> : vector<128xf32>
    %reduce_sum3A_58 = vector.multi_reduction <add>, %add3A_57, %reduce_sum3A [0] : vector<2048x128xf32> to vector<128xf32>
    %broadcast_in_dim3A = vector.shape_cast %reduce_sum3A_58 : vector<128xf32> to vector<1x128xf32>
    %mul3A_59 = arith.mulf %add3A_57, %add3A_57 : vector<2048x128xf32>
    %reduce_sum3A_60 = arith.constant dense<0.000000e+00> : vector<128xf32>
    %reduce_sum3A_61 = vector.multi_reduction <add>, %mul3A_59, %reduce_sum3A_60 [0] : vector<2048x128xf32> to vector<128xf32>
    %broadcast_in_dim3A_62 = vector.shape_cast %reduce_sum3A_61 : vector<128xf32> to vector<1x128xf32>
    %concatenate3A = tpu.concatenate %broadcast_in_dim3A, %broadcast_in_dim3A_62 in 0 : vector<1x128xf32>, vector<1x128xf32> -> vector<2x128xf32>
    %eq3A = arith.constant 0 : i32
    %eq3A_63 = arith.cmpi eq, %arg0, %eq3A : i32
    %convert_element_type3A = arith.extui %eq3A_63 : i1 to i32
    %cond3A = arith.constant 0 : i32
    %cond3A_64 = arith.cmpi ne, %convert_element_type3A, %cond3A : i32
    scf.if %cond3A_64 {
      %broadcast_in_dim3A_79 = arith.constant 0.000000e+00 : f32
      %broadcast_in_dim3A_80 = vector.broadcast %broadcast_in_dim3A_79 : f32 to vector<2x128xf32>
      %swap3A_81 = arith.constant 0 : index
      %swap3A_82 = arith.constant 0 : index
      %swap3A_83 = vector.load %arg11[%swap3A_81, %swap3A_82] : memref<2x128xf32, #tpu.memory_space<vmem>>, vector<2x128xf32>
      tpu.vector_store %arg11[%swap3A_81, %swap3A_82], %broadcast_in_dim3A_80 {strides = array<i32>} : memref<2x128xf32, #tpu.memory_space<vmem>>, vector<2x128xf32>,
    } else {
    }
    %get3A_65 = arith.constant 0 : index
    %get3A_66 = arith.constant 0 : index
    %get3A_67 = vector.load %arg11[%get3A_65, %get3A_66] : memref<2x128xf32, #tpu.memory_space<vmem>>, vector<2x128xf32>
    %add3A_68 = arith.addf %get3A_67, %concatenate3A : vector<2x128xf32>
    %swap3A = arith.constant 0 : index
    %swap3A_69 = arith.constant 0 : index
    %swap3A_70 = vector.load %arg11[%swap3A, %swap3A_69] : memref<2x128xf32, #tpu.memory_space<vmem>>, vector<2x128xf32>
    tpu.vector_store %arg11[%swap3A, %swap3A_69], %add3A_68 {strides = array<i32>} : memref<2x128xf32, #tpu.memory_space<vmem>>, vector<2x128xf32>,
    %reshape3A = vector.shape_cast %add3A_57 : vector<2048x128xf32> to vector<64x32x128xf32>
    %reduce_max3A = arith.constant dense<0xFF800000> : vector<64x128xf32>
    %reduce_max3A_71 = vector.multi_reduction <maximumf>, %reshape3A, %reduce_max3A [1] : vector<64x32x128xf32> to vector<64x128xf32>
    %swap3A_72 = arith.constant 0 : index
    %swap3A_73 = arith.constant 0 : index
    %swap3A_74 = vector.load %arg12[%swap3A_72, %swap3A_73] : memref<64x128xf32, #tpu.memory_space<vmem>>, vector<64x128xf32>
    tpu.vector_store %arg12[%swap3A_72, %swap3A_73], %reduce_max3A_71 {strides = array<i32>} : memref<64x128xf32, #tpu.memory_space<vmem>>, vector<64x128xf32>,
    %reduce_min3A = arith.constant dense<0x7F800000> : vector<64x128xf32>
    %reduce_min3A_75 = vector.multi_reduction <minimumf>, %reshape3A, %reduce_min3A [1] : vector<64x32x128xf32> to vector<64x128xf32>
    %swap3A_76 = arith.constant 0 : index
    %swap3A_77 = arith.constant 0 : index
    %swap3A_78 = vector.load %arg13[%swap3A_76, %swap3A_77] : memref<64x128xf32, #tpu.memory_space<vmem>>, vector<64x128xf32>
    tpu.vector_store %arg13[%swap3A_76, %swap3A_77], %reduce_min3A_75 {strides = array<i32>} : memref<64x128xf32, #tpu.memory_space<vmem>>, vector<64x128xf32>,
    return
  }
  func.func @transform_0(%arg0: i32) -> (i32, i32) {
    %c0_i32 = arith.constant 0 : i32
    %c0_i32_0 = arith.constant 0 : i32
    return %arg0, %c0_i32 : i32, i32
  }
  func.func @transform_1(%arg0: i32) -> (i32, i32) {
    %c0_i32 = arith.constant 0 : i32
    %c0_i32_0 = arith.constant 0 : i32
    return %arg0, %c0_i32 : i32, i32
  }
  func.func @transform_2(%arg0: i32) -> (i32, i32) {
    %c0_i32 = arith.constant 0 : i32
    %c0_i32_0 = arith.constant 0 : i32
    %c0_i32_1 = arith.constant 0 : i32
    return %c0_i32, %c0_i32_0 : i32, i32
  }
  func.func @transform_3(%arg0: i32) -> (i32, i32) {
    %c0_i32 = arith.constant 0 : i32
    %c0_i32_0 = arith.constant 0 : i32
    %c0_i32_1 = arith.constant 0 : i32
    return %c0_i32, %c0_i32_0 : i32, i32
  }
  func.func @transform_4(%arg0: i32) -> (i32, i32) {
    %c0_i32 = arith.constant 0 : i32
    %c0_i32_0 = arith.constant 0 : i32
    %c0_i32_1 = arith.constant 0 : i32
    return %c0_i32, %c0_i32_0 : i32, i32
  }
  func.func @transform_5(%arg0: i32) -> (i32, i32) {
    %c0_i32 = arith.constant 0 : i32
    %c0_i32_0 = arith.constant 0 : i32
    %c0_i32_1 = arith.constant 0 : i32
    return %c0_i32, %c0_i32_0 : i32, i32
  }
  func.func @transform_6(%arg0: i32) -> (i32, i32) {
    %c0_i32 = arith.constant 0 : i32
    %c0_i32_0 = arith.constant 0 : i32
    %c0_i32_1 = arith.constant 0 : i32
    return %c0_i32, %c0_i32_0 : i32, i32
  }
  func.func @transform_7(%arg0: i32) -> (i32, i32) {
    %c0_i32 = arith.constant 0 : i32
    %c0_i32_0 = arith.constant 0 : i32
    %c0_i32_1 = arith.constant 0 : i32
    return %c0_i32, %c0_i32_0 : i32, i32
  }
  func.func @transform_8(%arg0: i32) -> (i32, i32) {
    %c0_i32 = arith.constant 0 : i32
    %c0_i32_0 = arith.constant 0 : i32
    %c0_i32_1 = arith.constant 0 : i32
    return %c0_i32, %c0_i32_0 : i32, i32
  }
  func.func @transform_9(%arg0: i32) -> (i32, i32) {
    %c0_i32 = arith.constant 0 : i32
    %c0_i32_0 = arith.constant 0 : i32
    %c0_i32_1 = arith.constant 0 : i32
    return %c0_i32, %c0_i32_0 : i32, i32
  }
  func.func @transform_10(%arg0: i32) -> (i32, i32) {
    %c0_i32 = arith.constant 0 : i32
    %c0_i32_0 = arith.constant 0 : i32
    %c0_i32_1 = arith.constant 0 : i32
    return %c0_i32, %c0_i32_0 : i32, i32
  }
  func.func @transform_11(%arg0: i32) -> (i32, i32) {
    %c0_i32 = arith.constant 0 : i32
    %c0_i32_0 = arith.constant 0 : i32
    return %arg0, %c0_i32 : i32, i32
  }
  func.func @transform_12(%arg0: i32) -> (i32, i32) {
    %c0_i32 = arith.constant 0 : i32
    %c0_i32_0 = arith.constant 0 : i32
    return %arg0, %c0_i32 : i32, i32
  }
}

module attributes {stable_mosaic.version = 14 : i64} {
  func.func @_final_kernel(%arg0: i32, %arg1: memref<1024x128xf32, #tpu.memory_space<vmem>>, %arg2: memref<1024x128xf32, #tpu.memory_space<vmem>>, %arg3: memref<2x128xf32, #tpu.memory_space<vmem>>, %arg4: memref<1x128xf32, #tpu.memory_space<vmem>>, %arg5: memref<1x128xf32, #tpu.memory_space<vmem>>, %arg6: memref<1024x128xf32, #tpu.memory_space<vmem>>) attributes {dimension_semantics = [#tpu.dimension_semantics<arbitrary>], iteration_bounds = array<i64: 8>, scalar_prefetch = 0 : i64, scratch_operands = 0 : i64, tpu.core_type = #tpu.core_type<tc>, window_params = [{transform_indices = @transform_0, window_bounds = array<i64: 1024, 128>}, {transform_indices = @transform_1, window_bounds = array<i64: 1024, 128>}, {pipeline_mode = #tpu.pipeline_mode<synchronous>, transform_indices = @transform_2, window_bounds = array<i64: 2, 128>}, {pipeline_mode = #tpu.pipeline_mode<synchronous>, transform_indices = @transform_3, window_bounds = array<i64: 1, 128>}, {pipeline_mode = #tpu.pipeline_mode<synchronous>, transform_indices = @transform_4, window_bounds = array<i64: 1, 128>}, {transform_indices = @transform_5, window_bounds = array<i64: 1024, 128>}]} {
    %get3A = arith.constant 0 : index
    %get3A_0 = arith.constant 0 : index
    %get3A_1 = vector.load %arg3[%get3A, %get3A_0] : memref<2x128xf32, #tpu.memory_space<vmem>>, vector<1x128xf32>
    %get3A_2 = arith.constant 1 : index
    %get3A_3 = arith.constant 0 : index
    %get3A_4 = vector.load %arg3[%get3A_2, %get3A_3] : memref<2x128xf32, #tpu.memory_space<vmem>>, vector<1x128xf32>
    %div3A = arith.constant 2.621440e+05 : f32
    %div3A_5 = vector.broadcast %div3A : f32 to vector<1x128xf32>
    %div3A_6 = arith.divf %get3A_1, %div3A_5 : vector<1x128xf32>
    %div3A_7 = arith.constant 2.621440e+05 : f32
    %div3A_8 = vector.broadcast %div3A_7 : f32 to vector<1x128xf32>
    %div3A_9 = arith.divf %get3A_4, %div3A_8 : vector<1x128xf32>
    %mul3A = arith.mulf %div3A_6, %div3A_6 : vector<1x128xf32>
    %sub3A = arith.subf %div3A_9, %mul3A : vector<1x128xf32>
    %get3A_10 = arith.constant 0 : index
    %get3A_11 = arith.constant 0 : index
    %get3A_12 = vector.load %arg4[%get3A_10, %get3A_11] : memref<1x128xf32, #tpu.memory_space<vmem>>, vector<1x128xf32>
    %add3A = arith.constant 9.99999974E-6 : f32
    %add3A_13 = vector.broadcast %add3A : f32 to vector<1x128xf32>
    %add3A_14 = arith.addf %sub3A, %add3A_13 : vector<1x128xf32>
    %rsqrt3A = math.rsqrt %add3A_14 : vector<1x128xf32>
    %mul3A_15 = arith.mulf %get3A_12, %rsqrt3A : vector<1x128xf32>
    %get3A_16 = arith.constant 0 : index
    %get3A_17 = arith.constant 0 : index
    %get3A_18 = vector.load %arg5[%get3A_16, %get3A_17] : memref<1x128xf32, #tpu.memory_space<vmem>>, vector<1x128xf32>
    %mul3A_19 = arith.mulf %div3A_6, %mul3A_15 : vector<1x128xf32>
    %sub3A_20 = arith.subf %get3A_18, %mul3A_19 : vector<1x128xf32>
    %ge3A = arith.constant 0.000000e+00 : f32
    %ge3A_21 = vector.broadcast %ge3A : f32 to vector<1x128xf32>
    %ge3A_22 = arith.cmpf oge, %mul3A_15, %ge3A_21 : vector<1x128xf32>
    %get3A_23 = arith.constant 0 : index
    %get3A_24 = arith.constant 0 : index
    %get3A_25 = vector.load %arg1[%get3A_23, %get3A_24] : memref<1024x128xf32, #tpu.memory_space<vmem>>, vector<1024x128xf32>
    %get3A_26 = arith.constant 0 : index
    %get3A_27 = arith.constant 0 : index
    %get3A_28 = vector.load %arg2[%get3A_26, %get3A_27] : memref<1024x128xf32, #tpu.memory_space<vmem>>, vector<1024x128xf32>
    %broadcast_in_dim3A = vector.shape_cast %ge3A_22 : vector<1x128xi1> to vector<1x128xi1>
    %broadcast_in_dim3A_29 = vector.broadcast %broadcast_in_dim3A : vector<1x128xi1> to vector<1024x128xi1>
    %select_n3A = arith.select %broadcast_in_dim3A_29, %get3A_25, %get3A_28 : vector<1024x128xi1>, vector<1024x128xf32>
    %mul3A_30 = vector.broadcast %mul3A_15 : vector<1x128xf32> to vector<1024x128xf32>
    %mul3A_31 = arith.mulf %select_n3A, %mul3A_30 : vector<1024x128xf32>
    %add3A_32 = vector.broadcast %sub3A_20 : vector<1x128xf32> to vector<1024x128xf32>
    %add3A_33 = arith.addf %mul3A_31, %add3A_32 : vector<1024x128xf32>
    %max3A = arith.constant 0.000000e+00 : f32
    %max3A_34 = vector.broadcast %max3A : f32 to vector<1024x128xf32>
    %max3A_35 = arith.maximumf %add3A_33, %max3A_34 : vector<1024x128xf32>
    %swap3A = arith.constant 0 : index
    %swap3A_36 = arith.constant 0 : index
    %swap3A_37 = vector.load %arg6[%swap3A, %swap3A_36] : memref<1024x128xf32, #tpu.memory_space<vmem>>, vector<1024x128xf32>
    tpu.vector_store %arg6[%swap3A, %swap3A_36], %max3A_35 {strides = array<i32>} : memref<1024x128xf32, #tpu.memory_space<vmem>>, vector<1024x128xf32>,
    return
  }
  func.func @transform_0(%arg0: i32) -> (i32, i32) {
    %c0_i32 = arith.constant 0 : i32
    %c0_i32_0 = arith.constant 0 : i32
    return %arg0, %c0_i32 : i32, i32
  }
  func.func @transform_1(%arg0: i32) -> (i32, i32) {
    %c0_i32 = arith.constant 0 : i32
    %c0_i32_0 = arith.constant 0 : i32
    return %arg0, %c0_i32 : i32, i32
  }
  func.func @transform_2(%arg0: i32) -> (i32, i32) {
    %c0_i32 = arith.constant 0 : i32
    %c0_i32_0 = arith.constant 0 : i32
    %c0_i32_1 = arith.constant 0 : i32
    return %c0_i32, %c0_i32_0 : i32, i32
  }
  func.func @transform_3(%arg0: i32) -> (i32, i32) {
    %c0_i32 = arith.constant 0 : i32
    %c0_i32_0 = arith.constant 0 : i32
    %c0_i32_1 = arith.constant 0 : i32
    return %c0_i32, %c0_i32_0 : i32, i32
  }
  func.func @transform_4(%arg0: i32) -> (i32, i32) {
    %c0_i32 = arith.constant 0 : i32
    %c0_i32_0 = arith.constant 0 : i32
    %c0_i32_1 = arith.constant 0 : i32
    return %c0_i32, %c0_i32_0 : i32, i32
  }
  func.func @transform_5(%arg0: i32) -> (i32, i32) {
    %c0_i32 = arith.constant 0 : i32
    %c0_i32_0 = arith.constant 0 : i32
    return %arg0, %c0_i32 : i32, i32
  }
}

</mosaic_0001>

<sc_bundles>
// kernel: gather_offload_async_start
scs
__scs_entry_jumppad:
0x0: {  	(pc) =	sbr.rel $0x88, $3  }
0x1: {  	(tag) =	ssettag $0x0;
	lr =	simm.s32 $0x1  }
0x2: {  	[smem:$0x3F97] =	sst lr;
	_ =	strace $0xD0000000  }
0x3: {  	_ = 	snop  }
0x4: {  	_ = 	snop  }
0x5: {  	_ = 	snop  }
0x6: {  	_ = 	snop  }
0x7: {  	_ = 	snop  }
__scs_overlays_trampoline_lowered:
0x8: {  	[smem:$0x3FA6] =	sst s0  }
0x9: {  	[smem:$0x3FA7] =	sst s1  }
0xa: {  	[smem:$0x3FA8] =	sst s2  }
0xb: {  	[smem:$0x3FA9] =	sst s3  }
0xc: {  	[smem:$0x3FAA] =	sst s4  }
0xd: {  	[smem:$0x3FAB] =	sst s5  }
0xe: {  	[smem:$0x3FAC] =	sst s6  }
0xf: {  	[smem:$0x3FAD] =	sst s7  }
0x10: {  	[smem:$0x3FAE] =	sst s8  }
0x11: {  	[smem:$0x3FAF] =	sst s9;
	s0 =	simm.s32 @!p0 $0x0  }
0x12: {  	s1 =	sld [smem:$0x3F95];
	s0 =	simm.s32 @p0 $0x1  }
0x13: {  	[smem:$0x3FB0] =	sst s0;
	s0 =	simm.s32 @!p1 $0x0  }
0x14: {  	s2 =	sld [smem:$0x3F94];
	s0 =	simm.s32 @p1 $0x1  }
0x15: {  	[smem:$0x3FB1] =	sst s0;
	s0 =	simm.s32 @!p2 $0x0  }
0x16: {  	s3 =	sld [smem:$0x3FDB];
	s0 =	simm.s32 @p2 $0x1  }
0x17: {  	s4 =	simm.s32 $0x1BF5;
	[smem:$0x3FB3] =	sst s0  }
0x18: {  	s0 =	sld [smem:$0x3F96];
	_ =	swait.ge [sflag:s4], $0x0  }
0x19: {  	s7 =	sld [smem:$0x3F97]  }
0x1a: {  	s8 =	sadd.s32 $0xFFFFE003, lr  }
0x1b: {  	s9 =	sadd.s32 $0xFFFFFEF7, lr;
	s5 =	simm.s32 $0xFFFFFFFF;
	p2 =	slt.u32 s8, $0xFFFFF086  }
0x1c: {  	p1 =	slt.u32 s9, $0xF7A;
	s5 =	simm.s32 @!p2 $0x0  }
0x1d: {  	s5 =	simm.s32 @p1 $0x1;
	p0 =	seq.s32 s7, s2  }
0x1e: {  	s7 =	smul.u32 @!p0 $0xF7A, s2;
	p2 =	seq.s32 @!p0 s5, $0x0  }
0x1f: {  	s9 =	smul.u32 $0xF7A, s1;
	s8 =	simm.s32 @!p0 $0x1BF5;
	p2 =	por !p2, p0  }
0x20: {  	[sflag:s8] =	ssyncset.s32 @!p0 $0xFFFFF086;
	s6 =	sadd.s32 @!p0 s3, s7;
	s7 =	simm.s32 @!p0 $0x108  }
0x21: {  	s3 =	sadd.s32 s3, s9;
	s6 =	sadd.s32 @!p0 $0x88, s6;
	s7 =	simm.s32 @p2 $0x1082  }
0x22: {  	[simem:s7], [sflag:s8] =	dma.local @!p0 [hbm:s6], $0xF7A  }
0x23: {  	s9 =	sor.u32 $0xD0000000, s2;
	s6 =	simm.s32 $0x108;
	_ =	swait.ge @!p0 [sflag:s8], $0x0  }
0x24: {  	s3 =	sadd.s32 $0x88, s3;
	s6 =	simm.s32 @!p1 $0x1082;
	[sflag:s4] =	ssyncset.s32 $0xFFFFF086  }
0x25: {  	[simem:s6], [sflag:s4] =	dma.local [hbm:s3], $0xF7A  }
0x26: {  	[smem:$0x3F97] =	sst s1;
	(tag) =	ssettag s2;
	_ =	strace s9  }
0x27: {  	s1 =	sld [smem:$0x3FA7]  }
0x28: {  	s2 =	sld [smem:$0x3FA8]  }
0x29: {  	s4 =	sld [smem:$0x3FAA]  }
0x2a: {  	p0 =	seq.s32 s5, $0x0;
	s5 =	sld [smem:$0x3FAB]  }
0x2b: {  	s6 =	sld [smem:$0x3FAC]  }
0x2c: {  	s7 =	sld [smem:$0x3FAD]  }
0x2d: {  	s3 =	simm.s32 $0x108;
	s8 =	sld [smem:$0x3FAE]  }
0x2e: {  	s3 =	simm.s32 @!p0 $0x1082;
	s9 =	sld [smem:$0x3FAF]  }
0x2f: {  	lr =	sadd.s32 s0, s3;
	s0 =	sld [smem:$0x3FA6]  }
0x30: {  	s3 =	sld [smem:$0x3FA9]  }
0x31: {  	[smem:$0x3FB2] =	sst s10  }
0x32: {  	s10 =	sld [smem:$0x3FB0];
	_ =	sdelay $0x3  }
0x33: {  	p0 =	seq.s32 s10, $0x1;
	s10 =	sld [smem:$0x3FB2];
	_ =	sdelay $0x3  }
0x34: {  	[smem:$0x3FB2] =	sst s10  }
0x35: {  	s10 =	sld [smem:$0x3FB1];
	_ =	sdelay $0x3  }
0x36: {  	p1 =	seq.s32 s10, $0x1;
	s10 =	sld [smem:$0x3FB2];
	_ =	sdelay $0x3  }
0x37: {  	[smem:$0x3FB2] =	sst s10  }
0x38: {  	s10 =	sld [smem:$0x3FB3]  }
0x39: {  	_ = 	snop;
	(pc) =	sbr.ind lr, $3  }
0x3a: {  	_ = 	snop  }
0x3b: {  	_ = 	snop  }
0x3c: {  	p2 =	seq.s32 s10, $0x1;
	s10 =	sld [smem:$0x3FB2]  }
0x3d: {  	_ =	shalt  }
0x3e: {  	_ =	shalt  }
0x3f: {  	_ =	shalt  }
0x40: {  	_ =	shalt  }
0x41: {  	_ =	shalt  }
0x42: {  	_ =	shalt  }
0x43: {  	_ =	shalt  }
0x44: {  	_ =	shalt  }
0x45: {  	_ =	shalt  }
0x46: {  	_ =	shalt  }
0x47: {  	_ =	shalt  }
0x48: {  	_ =	shalt  }
0x49: {  	_ =	shalt  }
0x4a: {  	_ =	shalt  }
0x4b: {  	_ =	shalt  }
0x4c: {  	_ =	shalt  }
0x4d: {  	_ =	shalt  }
0x4e: {  	_ =	shalt  }
0x4f: {  	_ =	shalt  }
0x50: {  	_ =	shalt  }
0x51: {  	_ =	shalt  }
0x52: {  	_ =	shalt  }
0x53: {  	_ =	shalt  }
0x54: {  	_ =	shalt  }
0x55: {  	_ =	shalt  }
0x56: {  	_ =	shalt  }
0x57: {  	_ =	shalt  }
0x58: {  	_ =	shalt  }
0x59: {  	_ =	shalt  }
0x5a: {  	_ =	shalt  }
0x5b: {  	_ =	shalt  }
0x5c: {  	_ =	shalt  }
0x5d: {  	_ =	shalt  }
0x5e: {  	_ =	shalt  }
0x5f: {  	_ =	shalt  }
0x60: {  	_ =	shalt  }
0x61: {  	_ =	shalt  }
0x62: {  	_ =	shalt  }
0x63: {  	_ =	shalt  }
0x64: {  	_ =	shalt  }
0x65: {  	_ =	shalt  }
0x66: {  	_ =	shalt  }
0x67: {  	_ =	shalt  }
0x68: {  	_ =	shalt  }
0x69: {  	_ =	shalt  }
0x6a: {  	_ =	shalt  }
0x6b: {  	_ =	shalt  }
0x6c: {  	_ =	shalt  }
0x6d: {  	_ =	shalt  }
0x6e: {  	_ =	shalt  }
0x6f: {  	_ =	shalt  }
0x70: {  	_ =	shalt  }
0x71: {  	_ =	shalt  }
0x72: {  	_ =	shalt  }
0x73: {  	_ =	shalt  }
0x74: {  	_ =	shalt  }
0x75: {  	_ =	shalt  }
0x76: {  	_ =	shalt  }
0x77: {  	_ =	shalt  }
0x78: {  	_ =	shalt  }
0x79: {  	_ =	shalt  }
0x7a: {  	_ =	shalt  }
0x7b: {  	_ =	shalt  }
0x7c: {  	_ =	shalt  }
0x7d: {  	_ =	shalt  }
0x7e: {  	_ =	shalt  }
0x7f: {  	_ =	shalt  }
0x80: {  	_ =	shalt  }
0x81: {  	_ =	shalt  }
0x82: {  	_ =	shalt  }
0x83: {  	_ =	shalt  }
0x84: {  	_ =	shalt  }
0x85: {  	_ =	shalt  }
0x86: {  	_ =	shalt  }
0x87: {  	_ =	shalt  }
.Lfunc_end0:
.L_simem_size_0:
called_computation_lowered:
.L_overlay_start_0:
0x88: {  	s2 =	sld [smem:$0x3FD9]  }
0x89: {  	s3 =	sld [smem:$0x3FFE];
	_ =	sdelay $0x1  }
0x8a: {  	s1 =	srdreg.scid  }
0x8b: {  	s0 =	sand.u32 $0x1, s1  }
0x8c: {  	s14 =	sshll.u32 s0, $0xA;
	s2 =	sadd.s32 s3, s2  }
0x8d: {  	s2 =	sadd.s32 s2, s14  }
0x8e: {  	[smem:$0x3FBE] =	sst s2  }
0x8f: {  	_ = 	snop  }
0x90: {  	s2 =	sld [smem:$0x3FD0];
	_ =	sdelay $0x2  }
0x91: {  	s15 =	simm.s32 $0xA;
	s4 =	simm.s32 $0x10  }
0x92: {  	[smem:s4], [sflag:s15] =	dma.local [hbm:s2], $0x1  }
0x93: {  	_ =	swait.eq [sflag:s15], $0x1  }
0x94: {  	[sflag:s15] =	ssyncset.done $0x0  }
0x95: {  	s16 =	sld [smem:$0x10];
	[sflag:s15] =	ssyncadd.s32 $0xFFFFFFFF  }
0x96: {  	s17 =	sld [smem:$0x11];
	(tm) =	ssettm $0x1  }
0x97: {  	s18 =	sld [smem:$0x3FFB];
	_ =	sdelay $0x3  }
0x98: {  	_ =	strace s18  }
0x99: {  	s4 =	sld [smem:$0x3FFC];
	_ =	sdelay $0x3  }
0x9a: {  	_ =	strace s4  }
0x9b: {  	s4 =	sld [smem:$0x3FFD];
	_ =	sdelay $0x3  }
0x9c: {  	_ =	strace s4  }
0x9d: {  	_ =	strace $0x8FFFFFFF  }
0x9e: {  	s19 =	sld [smem:$0x3FDB];
	_ =	sdelay $0x1  }
0x9f: {  	s5 =	simm.s32 $_scs_section_size  }
0xa0: {  	s6 =	simm.s32 $_size__tile_overlayer_lowered;
	s7 =	simm.s32 $_tile_overlayer_lowered  }
0xa1: {  	s22 =	simm.s32 $0x1BFF;
	s21 =	sshll.u32 s7, $0x1;
	s4 =	sadd.s32 s5, s19  }
0xa2: {  	s8 =	simm.s32 $0x0;
	s20 =	sshll.u32 s6, $0x1;
	s6 =	sadd.s32 s21, s4  }
0xa3: {  	[timem:s8], [sflag:s22] =	dma.local [hbm:s6], s20  }
0xa4: {  	_ =	swait.ge [sflag:s22], s20  }
0xa5: {  	s5 =	ssub.s32 $0x0, s20;
	[sflag:s22] =	ssyncset.done $0x0  }
0xa6: {  	[sflag:s22] =	ssyncadd.s32 s5;
	_ =	sdelay $0x1  }
0xa7: {  	s23 =	simm.s32 $0x1B8B  }
0xa8: {  	_ =	swait.ge [sflag:s23], $0x1  }
0xa9: {  	[sflag:s23] =	ssyncset.done $0x0  }
0xaa: {  	s25 =	simm.s32 $0x1B8E;
	s24 =	sld [smem:$0x3FFE];
	[sflag:s23] =	ssyncadd.s32 $0xFFFFFFFF  }
0xab: {  	s26 =	simm.s32 $execute0_lowered;
	[smem:$0x3FD2] =	sst s25  }
0xac: {  	s6 =	sshll.u32 s26, $0x1;
	_ =	strace $0x80000046;
	[dreg:$0x1] =	wrdreg $0xFFFFFFFF  }
0xad: {  	s28 =	simm.s32 $_size_execute0_lowered;
	s4 =	sadd.s32 s4, s6;
	[dreg:$0x0] =	wrdreg $0x0  }
0xae: {  	s6 =	sshll.u32 s28, $0x1;
	[dreg:$0x2] =	wrdreg s4  }
0xaf: {  	[dreg:$0x3] =	wrdreg s6  }
0xb0: {  	[dreg:$0x4] =	wrdreg $0xC0  }
0xb1: {  	_ =	task [dreg:s8], $0x5FFFF  }
0xb2: {  	[dreg:$0x1] =	wrdreg $0xFFFFFFFF  }
0xb3: {  	[dreg:$0x0] =	wrdreg $0x60  }
0xb4: {  	[dreg:$0x2] =	wrdreg s24  }
0xb5: {  	[dreg:$0x3] =	wrdreg s16  }
0xb6: {  	[dreg:$0x4] =	wrdreg s17  }
0xb7: {  	[dreg:$0x5] =	wrdreg $0x9  }
0xb8: {  	_ =	task.clear_ibuf [dreg:s8], $0x6FFFF;
	_ =	strace $0x90000046  }
0xb9: {  	s29 =	simm.s32 $0x9;
	_ =	strace $0x80000048  }
0xba: {  	_ =	swait.ge [sflag:s29], $0x1  }
0xbb: {  	[sflag:s29] =	ssyncadd.s32 $0xFFFFFFFF  }
0xbc: {  	_ =	strace $0x90000048  }
0xbd: {  	_ =	sfence  }
0xbe: {  	s30 =	sld [smem:$0x0];
	_ =	sdelay $0x2  }
0xbf: {  	s31 =	sshll.u32 s1, $0xD;
	s1 =	sshrl.u32 s1, $0x2  }
0xc0: {  	s3 =	sand.u32 $0x4000, s31;
	s1 =	sadd.s32 s1, s30  }
0xc1: {  	s0 =	sor.u32 s3, s0;
	s1 =	sshll.u32 s1, $0x11  }
0xc2: {  	s0 =	sor.u32 s1, s0  }
0xc3: {  	s0 =	sadd.s32 $0x8F2B, s0  }
0xc4: {  	[sflag:s0] =	ssyncadd.remote.s32 $0x1  }
0xc5: {  	_ =	sfence.sel $0xFFFF  }
0xc6: {  	[dreg:$0x0] =	wrdreg $0xFFFFFFFF;
	(pc) =	sbr.abs _section_cstart, $3  }
0xc7: {  	[dreg:$0x1] =	wrdreg $0xFFFFFFFF  }
0xc8: {  	_ =	task.clear_ibuf [dreg:s8], $0x2FFFF;
	_ =	strace $0x9FFFFFFF  }
0xc9: {  	(tm) =	ssettm $0x7FFFFFFF  }
tec
execute0_lowered:
.L_overlay_start_1:
0x0: {  	(tag) =	ssettag $0x1  }
0x1: {  	s7 =	rddreg [dreg:$0x0]  }
0x2: {  	s2 =	rddreg [dreg:$0x1]  }
0x3: {  	s3 =	rddreg [dreg:$0x2]  }
0x4: {  	s0 =	rddreg [dreg:$0x3];
	s1 =	srdreg.scid;
	_ =	strace $0x80000047  }
0x5: {  	s4 =	simm.s32 $0x1;
	s9 =	simm.s32 $0x3;
	s5 =	sshll.u32 s1, $0x4  }
.Ltmp0:
0x6: {  	s1 =	stileid.u32;
	s5 =	sand.u32 $0x10, s5;
	(pc) =	sbr.rel .LBB2_1-.Ltmp0, $4  }
0x7: {  	s12 =	simm.s32 $0x0;
	s10 =	simm.s32 $0x0;
	s6 =	sor.u32 s1, s5  }
0x8: {  	[sflag:s4] =	ssyncpa.u1 $0x0;
	s5 =	simm.s32 $0x2;
	s6 =	sshll.u32 s6, $0x6  }
0x9: {  	s7 =	sadd.s32 $0x2400, s7;
	[sflag:s5] =	ssyncpa.u1 $0x0;
	s8 =	sadd.s32 $0x40, s6  }
0xa: {  	vm0 =	vmmov $0xffff;
	[sflag:s9] =	ssyncpa.u1 $0x0;
	s9 =	simm.s32 $0x40;
	s11 =	smov.u32 s6  }
.LBB2_9:
0xb: {  	p0 =	seq.s32 s10, $0x2  }
.Ltmp1:
0xc: {  	_ = 	snop;
	(pc) =	sbr.rel @p0 .LBB2_11-.Ltmp1, $1  }
0xd: {  	_ =	sdelay $0x3  }
.LBB2_10:
0xe: {  	s12 =	sadd.s32 $0x40, s11  }
0xf: {  	s13 =	smov.u32 s6;
	p0 =	slt.s32 s12, s8  }
0x10: {  	s13 =	smov.u32 @p0 s12  }
0x11: {  	s10 =	sadd.s32 $0x1, s10;
	s12 =	smov.u32 s11;
	s11 =	smov.u32 s13  }
.LBB2_1:
0x12: {  	p0 =	sne.s32 s10, $0x0  }
.Ltmp2:
0x13: {  	_ = 	snop;
	(pc) =	sbr.rel @!p0 .LBB2_2-.Ltmp2, $1  }
0x14: {  	_ =	sdelay $0x3  }
0x15: {  	s13 =	sand.u32 $0x1, s10  }
0x16: {  	p0 =	seq.s32 s13, $0x0  }
.Ltmp3:
0x17: {  	_ = 	snop;
	(pc) =	sbr.rel @p0 .LBB2_9-.Ltmp3, $1  }
0x18: {  	_ =	sdelay $0x3  }
0x19: {  	_ =	swait.ge [sflag:s5], $0x40  }
0x1a: {  	[sflag:s5] =	ssyncset.done $0x0  }
0x1b: {  	s13 =	simm.s32 $0x0;
	[sflag:s5] =	ssyncadd.s32 $0xFFFFFFC0  }
0x1c: {  	v0 =	vld.msk [tilespmem:s13+$0x40 ss:$0x1], $0xffff;
	_ =	sdelay $0x4  }
0x1d: {  	vm1 =	vgt.s32 v0, $0x0  }
0x1e: {  	v0 =	vnsel vm1, $0x0, v0  }
0x1f: {  	v0 =	vmin.u32 v0, $0x1FFF  }
0x20: {  	v0 =	vshll.u32 v0, $0x6;
	_ =	sdelay $0x3  }
0x21: {  	s14 =	simm.s32 $0x10;
	s13 =	simm.s32 $0x8080  }
0x22: {  	[tilespmem:s13], [sflag:$0x1] =	stream.indirect_vreg.gather [hbm:s7], $0x200, v0, vm0, $0x38;
	[tilespmem:$0x10080] =	vst v63  }
0x23: {  	v0 =	vld.msk [tilespmem:s14+$0x40 ss:$0x1], $0xffff;
	s14 =	simm.s32 $0x80  }
.LBB2_5:
0x24: {  	p0 =	sne.s32 s14, $0xC0;
	_ =	sdelay $0x4  }
0x25: {  	vm1 =	vgt.s32 v0, $0x0  }
0x26: {  	v0 =	vnsel vm1, $0x0, v0  }
0x27: {  	v0 =	vmin.u32 v0, $0x1FFF  }
0x28: {  	v0 =	vshll.u32 v0, $0x6;
	_ =	sdelay $0x1  }
.Ltmp4:
0x29: {  	(pc) =	sbr.rel @p0 .LBB2_5-.Ltmp4, $4  }
0x2a: {  	_ = 	snop  }
0x2b: {  	s15 =	sshra.s32 s14, $0x2;
	s13 =	sadd.s32 $0x2000, s13  }
0x2c: {  	[tilespmem:s13], [sflag:$0x1] =	stream.indirect_vreg.gather [hbm:s7], $0x200, v0, vm0, $0x38;
	[tilespmem:$0x10080] =	vst v63  }
0x2d: {  	s14 =	sadd.s32 $0x40, s14;
	v0 =	vld.msk [tilespmem:s15+$0x40 ss:$0x1], $0xffff  }
0x2e: {  	_ =	sdelay $0x3  }
0x2f: {  	vm1 =	vgt.s32 v0, $0x0  }
0x30: {  	v0 =	vnsel vm1, $0x0, v0  }
0x31: {  	v0 =	vmin.u32 v0, $0x1FFF  }
0x32: {  	v0 =	vshll.u32 v0, $0x6;
	_ =	sdelay $0x3  }
0x33: {  	s13 =	sadd.s32 $0x2000, s13  }
0x34: {  	[tilespmem:s13], [sflag:$0x1] =	stream.indirect_vreg.gather [hbm:s7], $0x200, v0, vm0, $0x38;
	[tilespmem:$0x10080] =	vst v63  }
0x35: {  	s12 =	sshll.u32 s12, $0x6;
	s14 =	simm.s32 $0x40;
	_ =	swait.ge [sflag:s4], $0x8000  }
0x36: {  	s15 =	simm.s32 $0x8280;
	s12 =	sadd.s32 s12, s3;
	[sflag:s4] =	ssyncset.done $0x0  }
0x37: {  	s16 =	sadd.s32 $0x0, s12;
	s13 =	simm.s32 $0x8080;
	[sflag:s4] =	ssyncadd.s32 $0xFFFF8000  }
.LBB2_7:
0x38: {  	[hbm:s16] =	stream.linear.scatter [tilespmem:s13], [sflag:$0x3], $0x200, $0x38;
	[tilespmem:$0x10080] =	vst v63  }
0x39: {  	s16 =	smov.u32 s14;
	s13 =	smov.u32 s15;
	p0 =	sne.s32 s14, $0xFC0  }
.Ltmp5:
0x3a: {  	s14 =	sadd.s32 $0x40, s14;
	(pc) =	sbr.rel @p0 .LBB2_7-.Ltmp5, $2  }
0x3b: {  	_ =	sdelay $0x2  }
0x3c: {  	s15 =	sadd.s32 $0x200, s15;
	s16 =	sadd.s32 s16, s12  }
.Ltmp6:
0x3d: {  	(pc) =	sbr.rel .LBB2_9-.Ltmp6, $2  }
0x3e: {  	_ =	sdelay $0x2  }
0x3f: {  	[hbm:s16] =	stream.linear.scatter [tilespmem:s13], [sflag:$0x3], $0x200, $0x38;
	[tilespmem:$0x10080] =	vst v63  }
.LBB2_2:
.Ltmp7:
0x40: {  	(pc) =	sbr.rel .LBB2_10-.Ltmp7, $4  }
0x41: {  	_ = 	snop  }
0x42: {  	s12 =	sshrl.u32 s11, $0x3  }
0x43: {  	s13 =	sand.u32 $0x7, s11;
	s12 =	sadd.s32 s2, s12  }
0x44: {  	[tilespmem:s9], [sflag:$0x2] =	stream.linear.gather [hbm4b:s12+s13], $0x40, $0x38;
	[tilespmem:$0x10080] =	vst v63  }
.LBB2_11:
0x45: {  	s2 =	simm.s32 $0x3  }
0x46: {  	_ =	swait.ge [sflag:s2], $0x8000  }
0x47: {  	[sflag:s2] =	ssyncset.done $0x0  }
0x48: {  	[sflag:s2] =	ssyncadd.s32 $0xFFFF8000  }
0x49: {  	_ =	sfence.sel $0x180000  }
0x4a: {  	s3 =	simm.s32 $0x2;
	[bflag:$0x0] =	sbarrier.arrive $0xFFFF  }
0x4b: {  	[sflag:s3] =	ssyncpa.u1 $0x1  }
0x4c: {  	s31 =	simm.s32 $0x1;
	[sflag:s2] =	ssyncpa.u1 $0x1  }
0x4d: {  	[sflag:s31] =	ssyncpa.u1 $0x1  }
0x4e: {  	p0 =	sne.s32 s1, $0x0;
	_ =	strace $0x90000047  }
0x4f: {  	s0 =	sadd.s32 @!p0 $0x100000, s0;
	[bflag:$0x2] =	sbarrier.arrive $0xFFFF  }
0x50: {  	[sflag:s0] =	ssyncadd.tile.s32 @!p0 $0x1;
	_ =	shalt  }
.Lfunc_end2:
_tile_overlayer_lowered:
.L_overlay_start_2:
0x51: {  	(tag) =	ssettag $0x2  }
0x52: {  	s0 =	rddreg [dreg:$0x0];
	s2 =	stileid.u32  }
0x53: {  	s1 =	rddreg [dreg:$0x1];
	p0 =	sne.s32 s2, $0x0  }
0x54: {  	s3 =	rddreg [dreg:$0x2];
	[bflag:$0x3] =	sbarrier.arrive $0xFFFF;
	s2 =	simm.s32 @!p0 $0x1C01  }
0x55: {  	[timem:s3], [sflag:s2] =	dma.local @!p0 [hbm:s0], s1  }
0x56: {  	s0 =	simm.s32 @!p0 $0x1  }
0x57: {  	_ =	swait.ge @!p0 [sflag:s0], s1  }
0x58: {  	s1 =	ssub.s32 @!p0 $0x0, s1;
	[sflag:s0] =	ssyncset.done @!p0 $0x0  }
0x59: {  	[sflag:s0] =	ssyncadd.s32 @!p0 s1  }
0x5a: {  	[bflag:$0x3] =	sbarrier.arrive $0xFFFF  }
0x5b: {  	_ =	shalt  }

// kernel: kernel.7.cloned.1.call-start
scs
__scs_entry_jumppad:
0x0: {  	(pc) =	sbr.rel $0x88, $3  }
0x1: {  	(tag) =	ssettag $0x0;
	lr =	simm.s32 $0x1  }
0x2: {  	[smem:$0x3F97] =	sst lr;
	_ =	strace $0xD0000000  }
0x3: {  	_ = 	snop  }
0x4: {  	_ = 	snop  }
0x5: {  	_ = 	snop  }
0x6: {  	_ = 	snop  }
0x7: {  	_ = 	snop  }
__scs_overlays_trampoline_lowered:
0x8: {  	[smem:$0x3FA6] =	sst s0  }
0x9: {  	[smem:$0x3FA7] =	sst s1  }
0xa: {  	[smem:$0x3FA8] =	sst s2  }
0xb: {  	[smem:$0x3FA9] =	sst s3  }
0xc: {  	[smem:$0x3FAA] =	sst s4  }
0xd: {  	[smem:$0x3FAB] =	sst s5  }
0xe: {  	[smem:$0x3FAC] =	sst s6  }
0xf: {  	[smem:$0x3FAD] =	sst s7  }
0x10: {  	[smem:$0x3FAE] =	sst s8  }
0x11: {  	[smem:$0x3FAF] =	sst s9;
	s0 =	simm.s32 @!p0 $0x0  }
0x12: {  	s1 =	sld [smem:$0x3F95];
	s0 =	simm.s32 @p0 $0x1  }
0x13: {  	[smem:$0x3FB0] =	sst s0;
	s0 =	simm.s32 @!p1 $0x0  }
0x14: {  	s2 =	sld [smem:$0x3F94];
	s0 =	simm.s32 @p1 $0x1  }
0x15: {  	[smem:$0x3FB1] =	sst s0;
	s0 =	simm.s32 @!p2 $0x0  }
0x16: {  	s3 =	sld [smem:$0x3FDB];
	s0 =	simm.s32 @p2 $0x1  }
0x17: {  	s4 =	simm.s32 $0x1BF5;
	[smem:$0x3FB3] =	sst s0  }
0x18: {  	s0 =	sld [smem:$0x3F96];
	_ =	swait.ge [sflag:s4], $0x0  }
0x19: {  	s7 =	sld [smem:$0x3F97]  }
0x1a: {  	s8 =	sadd.s32 $0xFFFFE003, lr  }
0x1b: {  	s9 =	sadd.s32 $0xFFFFFEF7, lr;
	s5 =	simm.s32 $0xFFFFFFFF;
	p2 =	slt.u32 s8, $0xFFFFF086  }
0x1c: {  	p1 =	slt.u32 s9, $0xF7A;
	s5 =	simm.s32 @!p2 $0x0  }
0x1d: {  	s5 =	simm.s32 @p1 $0x1;
	p0 =	seq.s32 s7, s2  }
0x1e: {  	s7 =	smul.u32 @!p0 $0xF7A, s2;
	p2 =	seq.s32 @!p0 s5, $0x0  }
0x1f: {  	s9 =	smul.u32 $0xF7A, s1;
	s8 =	simm.s32 @!p0 $0x1BF5;
	p2 =	por !p2, p0  }
0x20: {  	[sflag:s8] =	ssyncset.s32 @!p0 $0xFFFFF086;
	s6 =	sadd.s32 @!p0 s3, s7;
	s7 =	simm.s32 @!p0 $0x108  }
0x21: {  	s3 =	sadd.s32 s3, s9;
	s6 =	sadd.s32 @!p0 $0x88, s6;
	s7 =	simm.s32 @p2 $0x1082  }
0x22: {  	[simem:s7], [sflag:s8] =	dma.local @!p0 [hbm:s6], $0xF7A  }
0x23: {  	s9 =	sor.u32 $0xD0000000, s2;
	s6 =	simm.s32 $0x108;
	_ =	swait.ge @!p0 [sflag:s8], $0x0  }
0x24: {  	s3 =	sadd.s32 $0x88, s3;
	s6 =	simm.s32 @!p1 $0x1082;
	[sflag:s4] =	ssyncset.s32 $0xFFFFF086  }
0x25: {  	[simem:s6], [sflag:s4] =	dma.local [hbm:s3], $0xF7A  }
0x26: {  	[smem:$0x3F97] =	sst s1;
	(tag) =	ssettag s2;
	_ =	strace s9  }
0x27: {  	s1 =	sld [smem:$0x3FA7]  }
0x28: {  	s2 =	sld [smem:$0x3FA8]  }
0x29: {  	s4 =	sld [smem:$0x3FAA]  }
0x2a: {  	p0 =	seq.s32 s5, $0x0;
	s5 =	sld [smem:$0x3FAB]  }
0x2b: {  	s6 =	sld [smem:$0x3FAC]  }
0x2c: {  	s7 =	sld [smem:$0x3FAD]  }
0x2d: {  	s3 =	simm.s32 $0x108;
	s8 =	sld [smem:$0x3FAE]  }
0x2e: {  	s3 =	simm.s32 @!p0 $0x1082;
	s9 =	sld [smem:$0x3FAF]  }
0x2f: {  	lr =	sadd.s32 s0, s3;
	s0 =	sld [smem:$0x3FA6]  }
0x30: {  	s3 =	sld [smem:$0x3FA9]  }
0x31: {  	[smem:$0x3FB2] =	sst s10  }
0x32: {  	s10 =	sld [smem:$0x3FB0];
	_ =	sdelay $0x3  }
0x33: {  	p0 =	seq.s32 s10, $0x1;
	s10 =	sld [smem:$0x3FB2];
	_ =	sdelay $0x3  }
0x34: {  	[smem:$0x3FB2] =	sst s10  }
0x35: {  	s10 =	sld [smem:$0x3FB1];
	_ =	sdelay $0x3  }
0x36: {  	p1 =	seq.s32 s10, $0x1;
	s10 =	sld [smem:$0x3FB2];
	_ =	sdelay $0x3  }
0x37: {  	[smem:$0x3FB2] =	sst s10  }
0x38: {  	s10 =	sld [smem:$0x3FB3]  }
0x39: {  	_ = 	snop;
	(pc) =	sbr.ind lr, $3  }
0x3a: {  	_ = 	snop  }
0x3b: {  	_ = 	snop  }
0x3c: {  	p2 =	seq.s32 s10, $0x1;
	s10 =	sld [smem:$0x3FB2]  }
0x3d: {  	_ =	shalt  }
0x3e: {  	_ =	shalt  }
0x3f: {  	_ =	shalt  }
0x40: {  	_ =	shalt  }
0x41: {  	_ =	shalt  }
0x42: {  	_ =	shalt  }
0x43: {  	_ =	shalt  }
0x44: {  	_ =	shalt  }
0x45: {  	_ =	shalt  }
0x46: {  	_ =	shalt  }
0x47: {  	_ =	shalt  }
0x48: {  	_ =	shalt  }
0x49: {  	_ =	shalt  }
0x4a: {  	_ =	shalt  }
0x4b: {  	_ =	shalt  }
0x4c: {  	_ =	shalt  }
0x4d: {  	_ =	shalt  }
0x4e: {  	_ =	shalt  }
0x4f: {  	_ =	shalt  }
0x50: {  	_ =	shalt  }
0x51: {  	_ =	shalt  }
0x52: {  	_ =	shalt  }
0x53: {  	_ =	shalt  }
0x54: {  	_ =	shalt  }
0x55: {  	_ =	shalt  }
0x56: {  	_ =	shalt  }
0x57: {  	_ =	shalt  }
0x58: {  	_ =	shalt  }
0x59: {  	_ =	shalt  }
0x5a: {  	_ =	shalt  }
0x5b: {  	_ =	shalt  }
0x5c: {  	_ =	shalt  }
0x5d: {  	_ =	shalt  }
0x5e: {  	_ =	shalt  }
0x5f: {  	_ =	shalt  }
0x60: {  	_ =	shalt  }
0x61: {  	_ =	shalt  }
0x62: {  	_ =	shalt  }
0x63: {  	_ =	shalt  }
0x64: {  	_ =	shalt  }
0x65: {  	_ =	shalt  }
0x66: {  	_ =	shalt  }
0x67: {  	_ =	shalt  }
0x68: {  	_ =	shalt  }
0x69: {  	_ =	shalt  }
0x6a: {  	_ =	shalt  }
0x6b: {  	_ =	shalt  }
0x6c: {  	_ =	shalt  }
0x6d: {  	_ =	shalt  }
0x6e: {  	_ =	shalt  }
0x6f: {  	_ =	shalt  }
0x70: {  	_ =	shalt  }
0x71: {  	_ =	shalt  }
0x72: {  	_ =	shalt  }
0x73: {  	_ =	shalt  }
0x74: {  	_ =	shalt  }
0x75: {  	_ =	shalt  }
0x76: {  	_ =	shalt  }
0x77: {  	_ =	shalt  }
0x78: {  	_ =	shalt  }
0x79: {  	_ =	shalt  }
0x7a: {  	_ =	shalt  }
0x7b: {  	_ =	shalt  }
0x7c: {  	_ =	shalt  }
0x7d: {  	_ =	shalt  }
0x7e: {  	_ =	shalt  }
0x7f: {  	_ =	shalt  }
0x80: {  	_ =	shalt  }
0x81: {  	_ =	shalt  }
0x82: {  	_ =	shalt  }
0x83: {  	_ =	shalt  }
0x84: {  	_ =	shalt  }
0x85: {  	_ =	shalt  }
0x86: {  	_ =	shalt  }
0x87: {  	_ =	shalt  }
.Lfunc_end0:
.L_simem_size_0:
called_computation.1_lowered:
.L_overlay_start_0:
0x88: {  	s2 =	sld [smem:$0x3FD9]  }
0x89: {  	s3 =	sld [smem:$0x3FFE];
	_ =	sdelay $0x1  }
0x8a: {  	s1 =	srdreg.scid  }
0x8b: {  	s0 =	sand.u32 $0x1, s1  }
0x8c: {  	s16 =	sshll.u32 s0, $0xA;
	s2 =	sadd.s32 s3, s2  }
0x8d: {  	s2 =	sadd.s32 s2, s16  }
0x8e: {  	[smem:$0x3FBE] =	sst s2  }
0x8f: {  	_ = 	snop  }
0x90: {  	(tm) =	ssettm $0x1  }
0x91: {  	s17 =	sld [smem:$0x3FFB];
	_ =	sdelay $0x3  }
0x92: {  	_ =	strace s17  }
0x93: {  	s2 =	sld [smem:$0x3FFC];
	_ =	sdelay $0x3  }
0x94: {  	_ =	strace s2  }
0x95: {  	s2 =	sld [smem:$0x3FFD];
	_ =	sdelay $0x3  }
0x96: {  	_ =	strace s2  }
0x97: {  	_ =	strace $0x8FFFFFFF  }
0x98: {  	s18 =	sld [smem:$0x3FDB];
	_ =	sdelay $0x1  }
0x99: {  	s19 =	simm.s32 $_scs_section_size  }
0x9a: {  	s4 =	simm.s32 $_size__tile_overlayer_lowered;
	s5 =	simm.s32 $_tile_overlayer_lowered  }
0x9b: {  	s22 =	simm.s32 $0x1BFF;
	s21 =	sshll.u32 s5, $0x1;
	s2 =	sadd.s32 s19, s18  }
0x9c: {  	s6 =	simm.s32 $0x0;
	s20 =	sshll.u32 s4, $0x1;
	s4 =	sadd.s32 s21, s2  }
0x9d: {  	[timem:s6], [sflag:s22] =	dma.local [hbm:s4], s20  }
0x9e: {  	_ =	swait.ge [sflag:s22], s20  }
0x9f: {  	s3 =	ssub.s32 $0x0, s20;
	[sflag:s22] =	ssyncset.done $0x0  }
0xa0: {  	[sflag:s22] =	ssyncadd.s32 s3;
	_ =	sdelay $0x1  }
0xa1: {  	s23 =	simm.s32 $0x1B8B  }
0xa2: {  	_ =	swait.ge [sflag:s23], $0x1  }
0xa3: {  	[sflag:s23] =	ssyncset.done $0x0  }
0xa4: {  	s25 =	simm.s32 $0x1B8E;
	s24 =	sld [smem:$0x3FFE];
	[sflag:s23] =	ssyncadd.s32 $0xFFFFFFFF  }
0xa5: {  	s26 =	simm.s32 $execute0_lowered;
	[smem:$0x3FD2] =	sst s25  }
0xa6: {  	s4 =	sshll.u32 s26, $0x1;
	_ =	strace $0x80000049;
	[dreg:$0x1] =	wrdreg $0xFFFFFFFF  }
0xa7: {  	s28 =	simm.s32 $_size_execute0_lowered;
	s2 =	sadd.s32 s2, s4;
	[dreg:$0x0] =	wrdreg $0x0  }
0xa8: {  	s4 =	sshll.u32 s28, $0x1;
	[dreg:$0x2] =	wrdreg s2  }
0xa9: {  	[dreg:$0x3] =	wrdreg s4  }
0xaa: {  	[dreg:$0x4] =	wrdreg $0xC0  }
0xab: {  	_ =	task [dreg:s6], $0x5FFFF  }
0xac: {  	[dreg:$0x1] =	wrdreg $0xFFFFFFFF  }
0xad: {  	[dreg:$0x0] =	wrdreg $0x60  }
0xae: {  	[dreg:$0x2] =	wrdreg s24  }
0xaf: {  	[dreg:$0x3] =	wrdreg $0x9  }
0xb0: {  	_ =	task.clear_ibuf [dreg:s6], $0x4FFFF;
	_ =	strace $0x90000049  }
0xb1: {  	s29 =	simm.s32 $0x9;
	_ =	strace $0x8000004B  }
0xb2: {  	_ =	swait.ge [sflag:s29], $0x1  }
0xb3: {  	[sflag:s29] =	ssyncadd.s32 $0xFFFFFFFF  }
0xb4: {  	_ =	strace $0x9000004B  }
0xb5: {  	_ =	sfence  }
0xb6: {  	s30 =	sld [smem:$0x0];
	_ =	sdelay $0x2  }
0xb7: {  	s31 =	sshll.u32 s1, $0xD;
	s1 =	sshrl.u32 s1, $0x2  }
0xb8: {  	s3 =	sand.u32 $0x4000, s31;
	s1 =	sadd.s32 s1, s30  }
0xb9: {  	s0 =	sor.u32 s3, s0;
	s1 =	sshll.u32 s1, $0x11  }
0xba: {  	s0 =	sor.u32 s1, s0  }
0xbb: {  	s0 =	sadd.s32 $0x8F2B, s0  }
0xbc: {  	[sflag:s0] =	ssyncadd.remote.s32 $0x1  }
0xbd: {  	_ =	sfence.sel $0xFFFF  }
0xbe: {  	[dreg:$0x0] =	wrdreg $0xFFFFFFFF;
	(pc) =	sbr.abs _section_cstart, $3  }
0xbf: {  	[dreg:$0x1] =	wrdreg $0xFFFFFFFF  }
0xc0: {  	_ =	task.clear_ibuf [dreg:s6], $0x2FFFF;
	_ =	strace $0x9FFFFFFF  }
0xc1: {  	(tm) =	ssettm $0x7FFFFFFF  }
tec
execute0_lowered:
.L_overlay_start_1:
0x0: {  	(tag) =	ssettag $0x1  }
0x1: {  	s4 =	rddreg [dreg:$0x0]  }
0x2: {  	s0 =	rddreg [dreg:$0x1];
	s2 =	simm.s32 $0x0;
	s3 =	srdreg.scid  }
0x3: {  	s1 =	stileid.u32;
	s10 =	simm.s32 $0x0;
	[smem:$0x7FF] =	sst s2  }
0x4: {  	s5 =	sand.u32 $0x1, s3;
	s6 =	sshll.u32 s1, $0xE;
	s3 =	sadd.s32 $0x82600, s4  }
0x5: {  	s8 =	sshll.u32 s1, $0x12;
	_ =	strace $0x8000004A;
	s7 =	sshll.u32 s5, $0xD  }
0x6: {  	s31 =	ssub.s32 $0x2, s5;
	s8 =	sadd.s32 s8, s4;
	s5 =	sshll.u32 s5, $0x11  }
0x7: {  	s6 =	sor.u32 s7, s6;
	s9 =	sshrl.u32 s31, $0x1;
	s5 =	sadd.s32 s5, s8  }
0x8: {  	s8 =	simm.s32 $0x80;
	s6 =	sshrl.u32 s6, $0x3;
	s7 =	ssub.s32 s31, s9  }
0x9: {  	s5 =	sadd.s32 $0x102600, s5;
	s9 =	simm.s32 $0x1;
	s6 =	sadd.s32 s6, s4  }
0xa: {  	s4 =	smax.u32 s7, $0x1;
	s7 =	simm.s32 $0x2;
	s6 =	sadd.s32 $0x2400, s6  }
.LBB2_1:
0xb: {  	s11 =	sadd.s32 $0x0, s6  }
0xc: {  	[tilespmem:s2], [sflag:$0x2] =	stream.linear.gather [hbm4b:s11+s2], $0x80, $0x38;
	[tilespmem:$0x4080] =	vst v63  }
0xd: {  	_ =	swait.ge [sflag:s7], $0x80  }
0xe: {  	[sflag:s7] =	ssyncset.done $0x0  }
0xf: {  	[sflag:s7] =	ssyncadd.s32 $0xFFFFFF80  }
0x10: {  	[tilespmem:s8], [sflag:$0x1] =	stream.indirect.gather [hbm4b:s3+s8], $0x80, s2, s8, $0xb8;
	[tilespmem:$0x4080] =	vst v63  }
0x11: {  	_ =	swait.ge [sflag:s9], $0x4000  }
0x12: {  	[sflag:s9] =	ssyncset.done $0x0  }
0x13: {  	[sflag:s9] =	ssyncadd.s32 $0xFFFFC000  }
0x14: {  	[hbm4b:s5+s2] =	stream.linear.scatter [tilespmem:s8], [sflag:$0x2], $0x4000, $0x38;
	[tilespmem:$0x4080] =	vst v63  }
0x15: {  	s12 =	simm.s32 $0x10;
	_ =	swait.ge [sflag:s7], $0x4000  }
0x16: {  	s13 =	simm.s32 $0x20;
	s11 =	sadd.s32 $0x800, s5;
	[sflag:s7] =	ssyncset.done $0x0  }
.LBB2_2:
0x17: {  	s14 =	sadd.s32 s12, s6  }
0x18: {  	[sflag:s7] =	ssyncadd.s32 $0xFFFFC000;
	s12 =	smov.u32 s13;
	s15 =	sadd.s32 $0x10, s13  }
0x19: {  	[tilespmem:s2], [sflag:$0x2] =	stream.linear.gather [hbm4b:s14+s2], $0x80, $0x38;
	[tilespmem:$0x4080] =	vst v63  }
0x1a: {  	p0 =	sne.s32 s13, $0x3F0;
	_ =	swait.ge [sflag:s7], $0x80  }
0x1b: {  	[sflag:s7] =	ssyncset.done $0x0  }
0x1c: {  	[sflag:s7] =	ssyncadd.s32 $0xFFFFFF80  }
0x1d: {  	[tilespmem:s8], [sflag:$0x1] =	stream.indirect.gather [hbm4b:s3+s8], $0x80, s2, s8, $0xb8;
	[tilespmem:$0x4080] =	vst v63  }
0x1e: {  	_ =	swait.ge [sflag:s9], $0x4000  }
.Ltmp0:
0x1f: {  	[sflag:s9] =	ssyncset.done $0x0;
	(pc) =	sbr.rel @p0 .LBB2_2-.Ltmp0, $4  }
0x20: {  	[sflag:s9] =	ssyncadd.s32 $0xFFFFC000  }
0x21: {  	[hbm4b:s11+s2] =	stream.linear.scatter [tilespmem:s8], [sflag:$0x2], $0x4000, $0x38;
	[tilespmem:$0x4080] =	vst v63  }
0x22: {  	_ =	swait.ge [sflag:s7], $0x4000  }
0x23: {  	s13 =	smov.u32 s15;
	s11 =	sadd.s32 $0x800, s11;
	[sflag:s7] =	ssyncset.done $0x0  }
0x24: {  	s12 =	sadd.s32 s12, s6;
	[sflag:s7] =	ssyncadd.s32 $0xFFFFC000  }
0x25: {  	[tilespmem:s2], [sflag:$0x2] =	stream.linear.gather [hbm4b:s12+s2], $0x80, $0x38;
	[tilespmem:$0x4080] =	vst v63  }
0x26: {  	_ =	swait.ge [sflag:s7], $0x80  }
0x27: {  	[sflag:s7] =	ssyncset.done $0x0  }
0x28: {  	[sflag:s7] =	ssyncadd.s32 $0xFFFFFF80  }
0x29: {  	[tilespmem:s8], [sflag:$0x1] =	stream.indirect.gather [hbm4b:s3+s8], $0x80, s2, s8, $0xb8;
	[tilespmem:$0x4080] =	vst v63  }
0x2a: {  	s10 =	sadd.s32 $0x1, s10;
	_ =	swait.ge [sflag:s9], $0x4000  }
0x2b: {  	p0 =	sne.s32 s10, s4;
	[sflag:s9] =	ssyncset.done $0x0  }
.Ltmp1:
0x2c: {  	[sflag:s9] =	ssyncadd.s32 $0xFFFFC000;
	(pc) =	sbr.rel @p0 .LBB2_1-.Ltmp1, $4  }
0x2d: {  	[hbm4b:s11+s2] =	stream.linear.scatter [tilespmem:s8], [sflag:$0x2], $0x4000, $0x38;
	[tilespmem:$0x4080] =	vst v63  }
0x2e: {  	_ =	swait.ge [sflag:s7], $0x4000  }
0x2f: {  	[sflag:s7] =	ssyncset.done $0x0  }
0x30: {  	[sflag:s7] =	ssyncadd.s32 $0xFFFFC000  }
0x31: {  	_ =	sfence.sel $0x180000  }
0x32: {  	[bflag:$0x0] =	sbarrier.arrive $0xFFFF  }
0x33: {  	p0 =	sne.s32 s1, $0x0;
	_ =	strace $0x9000004A  }
0x34: {  	s0 =	sadd.s32 @!p0 $0x100000, s0;
	[bflag:$0x2] =	sbarrier.arrive $0xFFFF  }
0x35: {  	[sflag:s0] =	ssyncadd.tile.s32 @!p0 $0x1;
	_ =	shalt  }
.Lfunc_end2:
_tile_overlayer_lowered:
.L_overlay_start_2:
0x36: {  	(tag) =	ssettag $0x2  }
0x37: {  	s0 =	rddreg [dreg:$0x0];
	s2 =	stileid.u32  }
0x38: {  	s1 =	rddreg [dreg:$0x1];
	p0 =	sne.s32 s2, $0x0  }
0x39: {  	s3 =	rddreg [dreg:$0x2];
	[bflag:$0x3] =	sbarrier.arrive $0xFFFF;
	s2 =	simm.s32 @!p0 $0x1C02  }
0x3a: {  	[timem:s3], [sflag:s2] =	dma.local @!p0 [hbm:s0], s1  }
0x3b: {  	s0 =	simm.s32 @!p0 $0x2  }
0x3c: {  	_ =	swait.ge @!p0 [sflag:s0], s1  }
0x3d: {  	s1 =	ssub.s32 @!p0 $0x0, s1;
	[sflag:s0] =	ssyncset.done @!p0 $0x0  }
0x3e: {  	[sflag:s0] =	ssyncadd.s32 @!p0 s1  }
0x3f: {  	[bflag:$0x3] =	sbarrier.arrive $0xFFFF  }
0x40: {  	_ =	shalt  }

</sc_bundles>
